<compile_context>
chip_gen: v7x
topology: tpu7x:2x2x1
jax: 0.10.2.dev20260603
libtpu: 0.0.44.dev20260713+nightly
codegen_flags: <defaults>
</compile_context>

<pallas_src>
import functools

import jax
import jax.numpy as jnp
from jax import lax
from jax.experimental import pallas as pl
from jax.experimental.pallas import tpu as pltpu
from jax.experimental.pallas import tpu_sc as plsc

N_NODES = 10000
IN_DIM = 128
HID_DIM = 128
LAT_DIM = 64

NC, NS = 2, 16
NW = NC * NS
K = 128
N_ACC = 10112
CNT_W = 16
RPS = N_ACC // NS


def _mesh():
    return plsc.VectorSubcoreMesh(core_axis_name="c", subcore_axis_name="s",
                                  num_cores=NC, num_subcores=NS)


_SC_PARAMS = pltpu.CompilerParams(use_tc_tiling_on_sc=False)


@functools.lru_cache(maxsize=None)
def _make_count(e_pad, nbuf=8):
    n_chunks = e_pad // NW // K

    @functools.partial(
        pl.kernel,
        out_type=jax.ShapeDtypeStruct((NC, N_ACC, CNT_W), jnp.float32),
        mesh=_mesh(),
        compiler_params=_SC_PARAMS,
        scratch_types=(
            [pltpu.VMEM((n_chunks, K), jnp.int32),
             pltpu.VMEM((K, CNT_W), jnp.float32)]
            + [pltpu.SemaphoreType.DMA] * nbuf
            + [pltpu.VMEM_SHARED((N_ACC, CNT_W), jnp.float32)]
        ),
    )
    def count_kernel(dst_hbm, ones_hbm, zeros_hbm, out_hbm, *refs):
        idxb, onesb = refs[0], refs[1]
        sems = refs[2:2 + nbuf]
        acc = refs[2 + nbuf]
        c = lax.axis_index("c")
        s = lax.axis_index("s")
        wid = c * NS + s
        pltpu.sync_copy(ones_hbm, onesb)
        pltpu.sync_copy(dst_hbm.at[pl.ds(wid * n_chunks, n_chunks)], idxb)
        pltpu.sync_copy(zeros_hbm.at[pl.ds(s * RPS, RPS)],
                        acc.at[pl.ds(s * RPS, RPS)])
        plsc.subcore_barrier()

        @pl.loop(0, n_chunks, step=nbuf)
        def _(j):
            descs = [pltpu.async_copy(onesb, acc.at[idxb.at[j + b]],
                                      sems[b], add=True)
                     for b in range(nbuf)]
            for dsc in descs:
                dsc.wait()

        plsc.subcore_barrier()
        pltpu.sync_copy(acc.at[pl.ds(s * RPS, RPS)],
                        out_hbm.at[c].at[pl.ds(s * RPS, RPS)])

    return count_kernel


@functools.lru_cache(maxsize=None)
def _make_spmm_spmem(e_pad, d, nbuf, split=None, col=0):
    n_chunks = e_pad // NW // K
    nc0, nc1 = split if split else (n_chunks, n_chunks)
    assert nc0 % nbuf == 0 and nc1 % nbuf == 0
    assert NS * (nc0 + nc1) == e_pad // K

    @functools.partial(
        pl.kernel,
        out_type=jax.ShapeDtypeStruct((NC, N_ACC, d), jnp.float32),
        mesh=_mesh(),
        compiler_params=_SC_PARAMS,
        scratch_types=(
            [pltpu.VMEM((2, nbuf, K), jnp.int32),
             pltpu.VMEM((2, nbuf, K), jnp.int32)]
            + [pltpu.VMEM((K, d), jnp.float32)] * nbuf
            + [pltpu.SemaphoreType.DMA] * (1 + 2 * nbuf)
            + [pltpu.VMEM_SHARED((N_ACC, d), jnp.float32),
               pltpu.VMEM_SHARED((N_ACC, d), jnp.float32)]
        ),
    )
    def spmm_kernel(xs_hbm, src_hbm, dst_hbm, zeros_hbm, out_hbm, *refs):
        srcb, dstb = refs[0], refs[1]
        rows = refs[2:2 + nbuf]
        isem = refs[2 + nbuf]
        gsems = refs[3 + nbuf:3 + 2 * nbuf]
        ssems = refs[3 + 2 * nbuf:3 + 3 * nbuf]
        xs_sp = refs[3 + 3 * nbuf]
        acc = refs[4 + 3 * nbuf]
        c = lax.axis_index("c")
        s = lax.axis_index("s")
        tbase = jnp.where(c == 0, s * nc0, NS * nc0 + s * nc1)
        my_groups = jnp.where(c == 0, nc0 // nbuf, nc1 // nbuf)
        pltpu.sync_copy(src_hbm.at[pl.ds(tbase, nbuf)], srcb.at[0])
        pltpu.sync_copy(dst_hbm.at[pl.ds(tbase, nbuf)], dstb.at[0])
        pltpu.sync_copy(xs_hbm.at[pl.ds(s * RPS, RPS), pl.ds(col, d)],
                        xs_sp.at[pl.ds(s * RPS, RPS)])
        pltpu.sync_copy(zeros_hbm.at[pl.ds(s * RPS, RPS)],
                        acc.at[pl.ds(s * RPS, RPS)])
        plsc.subcore_barrier()

        @pl.loop(0, my_groups)
        def _(g):
            p = lax.rem(g, 2)
            pn = 1 - p
            nbase = tbase + (g + 1) * nbuf
            id1 = pltpu.async_copy(src_hbm.at[pl.ds(nbase, nbuf)],
                                   srcb.at[pn], isem)
            id2 = pltpu.async_copy(dst_hbm.at[pl.ds(nbase, nbuf)],
                                   dstb.at[pn], isem)
            gds = [pltpu.async_copy(xs_sp.at[srcb.at[p, b]], rows[b],
                                    gsems[b])
                   for b in range(nbuf)]
            sds = []
            for b in range(nbuf):
                gds[b].wait()
                sds.append(pltpu.async_copy(rows[b], acc.at[dstb.at[p, b]],
                                            ssems[b], add=True))
            for dsc in sds:
                dsc.wait()
            id1.wait()
            id2.wait()

        plsc.subcore_barrier()
        pltpu.sync_copy(acc.at[pl.ds(s * RPS, RPS)],
                        out_hbm.at[c].at[pl.ds(s * RPS, RPS)])

    return spmm_kernel


def _tc_scale_xw(x, w, counts):
    def body(x_ref, w_ref, cnt_ref, o_ref):
        dinv = lax.rsqrt(cnt_ref[0, :, :1] + cnt_ref[1, :, :1] + 1.0)
        xw = jnp.dot(x_ref[...], w_ref[...], preferred_element_type=jnp.float32)
        o_ref[...] = xw * dinv

    return pl.pallas_call(
        body,
        out_shape=jax.ShapeDtypeStruct((x.shape[0], w.shape[1]), jnp.float32),
    )(x, w, counts)


def _tc_combine_next(accl, accr, xs, counts, b, w):
    half = xs.shape[1] // 2

    def body(al_ref, ar_ref, xs_ref, cnt_ref, b_ref, w_ref, o_ref):
        dinv = lax.rsqrt(cnt_ref[0, :, :1] + cnt_ref[1, :, :1] + 1.0)
        left = al_ref[0] + al_ref[1] + xs_ref[:, :half]
        right = ar_ref[0] + ar_ref[1] + xs_ref[:, half:]
        h = dinv * jnp.concatenate([left, right], axis=1) + b_ref[...]
        h = jnp.maximum(h, 0.0)
        hw = jnp.dot(h, w_ref[...], preferred_element_type=jnp.float32)
        o_ref[...] = hw * dinv

    return pl.pallas_call(
        body,
        out_shape=jax.ShapeDtypeStruct((xs.shape[0], w.shape[1]), jnp.float32),
    )(accl, accr, xs, counts, b, w)


def _tc_final(acc, xs, counts, b, n):
    def body(a_ref, xs_ref, cnt_ref, b_ref, o_ref):
        dinv = lax.rsqrt(cnt_ref[0, :n, :1] + cnt_ref[1, :n, :1] + 1.0)
        o_ref[...] = (dinv * (a_ref[0, :n] + a_ref[1, :n] + xs_ref[:n])
                      + b_ref[...])

    return pl.pallas_call(
        body,
        out_shape=jax.ShapeDtypeStruct((n, xs.shape[1]), jnp.float32),
    )(acc, xs, counts, b)


def kernel(x, edge_index, W1, b1, W2, b2):
    n = x.shape[0]
    e = edge_index.shape[1]
    gran = NW * K * 8
    e_pad = ((e + gran - 1) // gran) * gran

    e_rows = e_pad // K + 8
    src = edge_index[0].astype(jnp.int32)
    dst = edge_index[1].astype(jnp.int32)
    pad = jnp.full((e_rows * K - e,), N_NODES, dtype=jnp.int32)
    src = jnp.concatenate([src, pad]).reshape(e_rows, K)
    dst = jnp.concatenate([dst, pad]).reshape(e_rows, K)

    ones_cnt = jnp.ones((K, CNT_W), jnp.float32)
    zeros_cnt = jnp.zeros((N_ACC, CNT_W), jnp.float32)
    zeros_l = jnp.zeros((N_ACC, LAT_DIM), jnp.float32)

    counts = _make_count(e_pad)(dst, ones_cnt, zeros_cnt)

    x_pad = jnp.pad(x, ((0, N_ACC - n), (0, 0)))
    xs1 = _tc_scale_xw(x_pad, W1, counts)
    half = HID_DIM // 2

    split = (92, 68)
    acc1l = _make_spmm_spmem(e_pad, half, 4, split, 0)(xs1, src, dst, zeros_l)
    acc1r = _make_spmm_spmem(e_pad, half, 4, split, half)(
        xs1, src, dst, zeros_l)
    xs2 = _tc_combine_next(acc1l, acc1r, xs1, counts,
                           b1.reshape(1, -1), W2)

    acc2 = _make_spmm_spmem(e_pad, half, 4, split, 0)(xs2, src, dst, zeros_l)
    out = _tc_final(acc2, xs2, counts, b2.reshape(1, -1), n)
    return out

# --- scband reference (transcript-rebuilt; emitter-appended) ---
"""Pipeline reference for scband-encoder-17514876634161 (READ-ONLY COPY).

The authoritative reference and input builder live on the scoring server;
editing this copy changes nothing except your own understanding.
"""

import jax, jax.numpy as jnp
import numpy as np

N_NODES = 10000
N_EDGES = 320000
IN_DIM = 128
HID_DIM = 128
LAT_DIM = 64


def setup_inputs(seed: int = 0) -> dict:
    key = jax.random.key(seed)
    k1, k2, k3, k4, k5, k6 = jax.random.split(key, 6)
    x = jax.random.normal(k1, (N_NODES, IN_DIM), dtype=jnp.float32)
    edge_index = jax.random.randint(k2, (2, N_EDGES), 0, N_NODES, dtype=jnp.int64)
    # GCNConv params: glorot weight [in, out], zero bias (PyG default)
    W1 = jax.random.normal(k3, (IN_DIM, HID_DIM), dtype=jnp.float32) * (1.0 / np.sqrt(IN_DIM))
    b1 = jnp.zeros((HID_DIM,), dtype=jnp.float32)
    W2 = jax.random.normal(k4, (HID_DIM, LAT_DIM), dtype=jnp.float32) * (1.0 / np.sqrt(HID_DIM))
    b2 = jnp.zeros((LAT_DIM,), dtype=jnp.float32)
    return {"x": x, "edge_index": edge_index, "W1": W1, "b1": b1, "W2": W2, "b2": b2}


def _gcn_conv(x, src, dst, W, b, num_nodes):
    # x' = x @ W (PyG: linear first, no bias in lin)
    xw = x @ W
    # degrees including self-loops (src/dst already have loops appended)
    deg = jnp.zeros((num_nodes,), dtype=xw.dtype).at[dst].add(1.0)
    dinv = jnp.where(deg > 0, 1.0 / jnp.sqrt(jnp.clip(deg, 1.0)), 0.0)
    norm = dinv[src] * dinv[dst]
    msg = norm[:, None] * xw[src]
    out = jnp.zeros((num_nodes, W.shape[1]), dtype=xw.dtype).at[dst].add(msg)
    return out + b


def reference(x, edge_index, W1, b1, W2, b2):
    num_nodes = x.shape[0]
    loop = jnp.arange(num_nodes, dtype=edge_index.dtype)
    src = jnp.concatenate([edge_index[0], loop])
    dst = jnp.concatenate([edge_index[1], loop])
    z = jax.nn.relu(_gcn_conv(x, src, dst, W1, b1, num_nodes))
    z = _gcn_conv(z, src, dst, W2, b2, num_nodes)
    return z

if __name__ == "__main__":
    import jax
    _d = setup_inputs()
    print(jax.jit(kernel)(*tuple(_d.values())))

</pallas_src>

<mosaic_0001>
#map = affine_map<(d0, d1) -> (0, 0)>
#map1 = affine_map<(d0, d1) -> (0, 0, 0)>
module attributes {stable_mosaic.version = 14 : i64} {
  func.func @spmm_kernel(%arg0: i32, %arg1: i32, %arg2: memref<10112x128xf32, #tpu.memory_space<hbm>>, %arg3: memref<2568x128xi32, #tpu.memory_space<hbm>>, %arg4: memref<2568x128xi32, #tpu.memory_space<hbm>>, %arg5: memref<10112x64xf32, #tpu.memory_space<hbm>>, %arg6: memref<2x10112x64xf32, #tpu.memory_space<hbm>>, %arg7: memref<2x4x128xi32, #tpu.memory_space<vmem>>, %arg8: memref<2x4x128xi32, #tpu.memory_space<vmem>>, %arg9: memref<128x64xf32, #tpu.memory_space<vmem>>, %arg10: memref<128x64xf32, #tpu.memory_space<vmem>>, %arg11: memref<128x64xf32, #tpu.memory_space<vmem>>, %arg12: memref<128x64xf32, #tpu.memory_space<vmem>>, %arg13: memref<!tpu.dma_semaphore, #tpu.memory_space<semaphore_mem>>, %arg14: memref<!tpu.dma_semaphore, #tpu.memory_space<semaphore_mem>>, %arg15: memref<!tpu.dma_semaphore, #tpu.memory_space<semaphore_mem>>, %arg16: memref<!tpu.dma_semaphore, #tpu.memory_space<semaphore_mem>>, %arg17: memref<!tpu.dma_semaphore, #tpu.memory_space<semaphore_mem>>, %arg18: memref<!tpu.dma_semaphore, #tpu.memory_space<semaphore_mem>>, %arg19: memref<!tpu.dma_semaphore, #tpu.memory_space<semaphore_mem>>, %arg20: memref<!tpu.dma_semaphore, #tpu.memory_space<semaphore_mem>>, %arg21: memref<!tpu.dma_semaphore, #tpu.memory_space<semaphore_mem>>, %arg22: memref<10112x64xf32, #tpu.memory_space<vmem_shared>>, %arg23: memref<10112x64xf32, #tpu.memory_space<vmem_shared>>) attributes {dimension_semantics = [#tpu.dimension_semantics<core_parallel>, #tpu.dimension_semantics<subcore_parallel>], iteration_bounds = array<i64: 2, 16>, scalar_prefetch = 0 : i64, scratch_operands = 17 : i64, tpu.core_type = #tpu.core_type<sc_vector_subcore>, window_params = [{transform_indices = #map}, {transform_indices = #map}, {transform_indices = #map}, {transform_indices = #map}, {transform_indices = #map1}]} {
    %eq3A = arith.constant 0 : i32
    %eq3A_0 = arith.cmpi eq, %arg0, %eq3A : i32
    %mul3A = arith.constant 92 : i32
    %mul3A_1 = arith.muli %arg1, %mul3A : i32
    %mul3A_2 = arith.constant 68 : i32
    %mul3A_3 = arith.muli %arg1, %mul3A_2 : i32
    %add3A = arith.constant 1472 : i32
    %add3A_4 = arith.addi %add3A, %mul3A_3 : i32
    %select_n3A = arith.select %eq3A_0, %mul3A_1, %add3A_4 : i32
    %eq3A_5 = arith.constant 0 : i32
    %eq3A_6 = arith.cmpi eq, %arg0, %eq3A_5 : i32
    %jit3A = arith.constant 23 : i32
    %jit3A_7 = arith.constant 17 : i32
    %select_n3A_8 = arith.select %eq3A_6, %jit3A, %jit3A_7 : i32
    %run_scoped3A = arith.constant 0 : i32
    "tpu.region"() ({
      %run_scoped3A_39 = tpu.sem_alloc : memref<!tpu.dma_semaphore, #tpu.memory_space<semaphore_mem>>
      %dma_start3A = arith.constant 0 : i32
      %dma_start3A_40 = arith.constant 0 : i32
      %dma_start3A_41 = tpu.memref_slice %arg7[%run_scoped3A, %dma_start3A, %dma_start3A_40] : memref<2x4x128xi32, #tpu.memory_space<vmem>> -> memref<1x4x128xi32, #tpu.memory_space<vmem>>
      %dma_start3A_42 = tpu.memref_squeeze %dma_start3A_41 : memref<1x4x128xi32, #tpu.memory_space<vmem>> -> memref<4x128xi32, #tpu.memory_space<vmem>>
      %dma_start3A_43 = arith.constant 0 : i32
      %dma_start3A_44 = tpu.memref_slice %arg3[%select_n3A, %dma_start3A_43] : memref<2568x128xi32, #tpu.memory_space<hbm>> -> memref<4x128xi32, #tpu.memory_space<hbm>>
      %dma_start3A_45 = arith.constant 0 : i32
      %dma_start3A_46 = arith.constant 0 : i32
      %dma_start3A_47 = tpu.memref_slice %arg7[%run_scoped3A, %dma_start3A_45, %dma_start3A_46] : memref<2x4x128xi32, #tpu.memory_space<vmem>> -> memref<1x4x128xi32, #tpu.memory_space<vmem>>
      %dma_start3A_48 = tpu.memref_squeeze %dma_start3A_47 : memref<1x4x128xi32, #tpu.memory_space<vmem>> -> memref<4x128xi32, #tpu.memory_space<vmem>>
      %dma_start3A_49 = arith.constant 0 : i32
      %dma_start3A_50 = tpu.memref_slice %arg3[%select_n3A, %dma_start3A_49] : memref<2568x128xi32, #tpu.memory_space<hbm>> -> memref<4x128xi32, #tpu.memory_space<hbm>>
      tpu.enqueue_dma source(%dma_start3A_50 : memref<4x128xi32, #tpu.memory_space<hbm>>) target(%dma_start3A_48 : memref<4x128xi32, #tpu.memory_space<vmem>>) target_semaphore(%run_scoped3A_39 : memref<!tpu.dma_semaphore, #tpu.memory_space<semaphore_mem>>)
      %dma_wait3A = arith.constant 0 : i32
      %dma_wait3A_51 = arith.constant 0 : i32
      %dma_wait3A_52 = tpu.memref_slice %arg7[%run_scoped3A, %dma_wait3A, %dma_wait3A_51] : memref<2x4x128xi32, #tpu.memory_space<vmem>> -> memref<1x4x128xi32, #tpu.memory_space<vmem>>
      %dma_wait3A_53 = tpu.memref_squeeze %dma_wait3A_52 : memref<1x4x128xi32, #tpu.memory_space<vmem>> -> memref<4x128xi32, #tpu.memory_space<vmem>>
      %dma_wait3A_54 = arith.constant 0 : i32
      %dma_wait3A_55 = tpu.memref_slice %arg3[%select_n3A, %dma_wait3A_54] : memref<2568x128xi32, #tpu.memory_space<hbm>> -> memref<4x128xi32, #tpu.memory_space<hbm>>
      %dma_wait3A_56 = arith.constant 0 : i32
      %dma_wait3A_57 = arith.constant 0 : i32
      %dma_wait3A_58 = tpu.memref_slice %arg7[%run_scoped3A, %dma_wait3A_56, %dma_wait3A_57] : memref<2x4x128xi32, #tpu.memory_space<vmem>> -> memref<1x4x128xi32, #tpu.memory_space<vmem>>
      %dma_wait3A_59 = tpu.memref_squeeze %dma_wait3A_58 : memref<1x4x128xi32, #tpu.memory_space<vmem>> -> memref<4x128xi32, #tpu.memory_space<vmem>>
      %dma_wait3A_60 = arith.constant 0 : i32
      %dma_wait3A_61 = tpu.memref_slice %arg3[%select_n3A, %dma_wait3A_60] : memref<2568x128xi32, #tpu.memory_space<hbm>> -> memref<4x128xi32, #tpu.memory_space<hbm>>
      tpu.wait_dma2 semaphore(%run_scoped3A_39 : memref<!tpu.dma_semaphore, #tpu.memory_space<semaphore_mem>>) src(%dma_wait3A_61 : memref<4x128xi32, #tpu.memory_space<hbm>>) dst(%dma_wait3A_59 : memref<4x128xi32, #tpu.memory_space<vmem>>)
      tpu.yield
    }) : () -> ()
    %run_scoped3A_9 = arith.constant 0 : i32
    "tpu.region"() ({
      %run_scoped3A_39 = tpu.sem_alloc : memref<!tpu.dma_semaphore, #tpu.memory_space<semaphore_mem>>
      %dma_start3A = arith.constant 0 : i32
      %dma_start3A_40 = arith.constant 0 : i32
      %dma_start3A_41 = tpu.memref_slice %arg8[%run_scoped3A_9, %dma_start3A, %dma_start3A_40] : memref<2x4x128xi32, #tpu.memory_space<vmem>> -> memref<1x4x128xi32, #tpu.memory_space<vmem>>
      %dma_start3A_42 = tpu.memref_squeeze %dma_start3A_41 : memref<1x4x128xi32, #tpu.memory_space<vmem>> -> memref<4x128xi32, #tpu.memory_space<vmem>>
      %dma_start3A_43 = arith.constant 0 : i32
      %dma_start3A_44 = tpu.memref_slice %arg4[%select_n3A, %dma_start3A_43] : memref<2568x128xi32, #tpu.memory_space<hbm>> -> memref<4x128xi32, #tpu.memory_space<hbm>>
      %dma_start3A_45 = arith.constant 0 : i32
      %dma_start3A_46 = arith.constant 0 : i32
      %dma_start3A_47 = tpu.memref_slice %arg8[%run_scoped3A_9, %dma_start3A_45, %dma_start3A_46] : memref<2x4x128xi32, #tpu.memory_space<vmem>> -> memref<1x4x128xi32, #tpu.memory_space<vmem>>
      %dma_start3A_48 = tpu.memref_squeeze %dma_start3A_47 : memref<1x4x128xi32, #tpu.memory_space<vmem>> -> memref<4x128xi32, #tpu.memory_space<vmem>>
      %dma_start3A_49 = arith.constant 0 : i32
      %dma_start3A_50 = tpu.memref_slice %arg4[%select_n3A, %dma_start3A_49] : memref<2568x128xi32, #tpu.memory_space<hbm>> -> memref<4x128xi32, #tpu.memory_space<hbm>>
      tpu.enqueue_dma source(%dma_start3A_50 : memref<4x128xi32, #tpu.memory_space<hbm>>) target(%dma_start3A_48 : memref<4x128xi32, #tpu.memory_space<vmem>>) target_semaphore(%run_scoped3A_39 : memref<!tpu.dma_semaphore, #tpu.memory_space<semaphore_mem>>)
      %dma_wait3A = arith.constant 0 : i32
      %dma_wait3A_51 = arith.constant 0 : i32
      %dma_wait3A_52 = tpu.memref_slice %arg8[%run_scoped3A_9, %dma_wait3A, %dma_wait3A_51] : memref<2x4x128xi32, #tpu.memory_space<vmem>> -> memref<1x4x128xi32, #tpu.memory_space<vmem>>
      %dma_wait3A_53 = tpu.memref_squeeze %dma_wait3A_52 : memref<1x4x128xi32, #tpu.memory_space<vmem>> -> memref<4x128xi32, #tpu.memory_space<vmem>>
      %dma_wait3A_54 = arith.constant 0 : i32
      %dma_wait3A_55 = tpu.memref_slice %arg4[%select_n3A, %dma_wait3A_54] : memref<2568x128xi32, #tpu.memory_space<hbm>> -> memref<4x128xi32, #tpu.memory_space<hbm>>
      %dma_wait3A_56 = arith.constant 0 : i32
      %dma_wait3A_57 = arith.constant 0 : i32
      %dma_wait3A_58 = tpu.memref_slice %arg8[%run_scoped3A_9, %dma_wait3A_56, %dma_wait3A_57] : memref<2x4x128xi32, #tpu.memory_space<vmem>> -> memref<1x4x128xi32, #tpu.memory_space<vmem>>
      %dma_wait3A_59 = tpu.memref_squeeze %dma_wait3A_58 : memref<1x4x128xi32, #tpu.memory_space<vmem>> -> memref<4x128xi32, #tpu.memory_space<vmem>>
      %dma_wait3A_60 = arith.constant 0 : i32
      %dma_wait3A_61 = tpu.memref_slice %arg4[%select_n3A, %dma_wait3A_60] : memref<2568x128xi32, #tpu.memory_space<hbm>> -> memref<4x128xi32, #tpu.memory_space<hbm>>
      tpu.wait_dma2 semaphore(%run_scoped3A_39 : memref<!tpu.dma_semaphore, #tpu.memory_space<semaphore_mem>>) src(%dma_wait3A_61 : memref<4x128xi32, #tpu.memory_space<hbm>>) dst(%dma_wait3A_59 : memref<4x128xi32, #tpu.memory_space<vmem>>)
      tpu.yield
    }) : () -> ()
    %mul3A_10 = arith.constant 632 : i32
    %mul3A_11 = arith.muli %arg1, %mul3A_10 : i32
    %mul3A_12 = arith.constant 632 : i32
    %mul3A_13 = arith.muli %arg1, %mul3A_12 : i32
    "tpu.region"() ({
      %run_scoped3A_39 = tpu.sem_alloc : memref<!tpu.dma_semaphore, #tpu.memory_space<semaphore_mem>>
      %dma_start3A = arith.constant 0 : i32
      %dma_start3A_40 = tpu.memref_slice %arg22[%mul3A_13, %dma_start3A] : memref<10112x64xf32, #tpu.memory_space<vmem_shared>> -> memref<632x64xf32, #tpu.memory_space<vmem_shared>>
      %dma_start3A_41 = arith.constant 64 : i32
      %dma_start3A_42 = tpu.memref_slice %arg2[%mul3A_11, %dma_start3A_41] : memref<10112x128xf32, #tpu.memory_space<hbm>> -> memref<632x64xf32, #tpu.memory_space<hbm>>
      tpu.enqueue_dma source(%dma_start3A_42 : memref<632x64xf32, #tpu.memory_space<hbm>>) target(%dma_start3A_40 : memref<632x64xf32, #tpu.memory_space<vmem_shared>>) target_semaphore(%run_scoped3A_39 : memref<!tpu.dma_semaphore, #tpu.memory_space<semaphore_mem>>)
      %dma_wait3A = arith.constant 0 : i32
      %dma_wait3A_43 = tpu.memref_slice %arg22[%mul3A_13, %dma_wait3A] : memref<10112x64xf32, #tpu.memory_space<vmem_shared>> -> memref<632x64xf32, #tpu.memory_space<vmem_shared>>
      %dma_wait3A_44 = arith.constant 64 : i32
      %dma_wait3A_45 = tpu.memref_slice %arg2[%mul3A_11, %dma_wait3A_44] : memref<10112x128xf32, #tpu.memory_space<hbm>> -> memref<632x64xf32, #tpu.memory_space<hbm>>
      tpu.wait_dma2 semaphore(%run_scoped3A_39 : memref<!tpu.dma_semaphore, #tpu.memory_space<semaphore_mem>>) src(%dma_wait3A_45 : memref<632x64xf32, #tpu.memory_space<hbm>>) dst(%dma_wait3A_43 : memref<632x64xf32, #tpu.memory_space<vmem_shared>>)
      tpu.yield
    }) : () -> ()
    %mul3A_14 = arith.constant 632 : i32
    %mul3A_15 = arith.muli %arg1, %mul3A_14 : i32
    %mul3A_16 = arith.constant 632 : i32
    %mul3A_17 = arith.muli %arg1, %mul3A_16 : i32
    "tpu.region"() ({
      %run_scoped3A_39 = tpu.sem_alloc : memref<!tpu.dma_semaphore, #tpu.memory_space<semaphore_mem>>
      %dma_start3A = arith.constant 0 : i32
      %dma_start3A_40 = tpu.memref_slice %arg23[%mul3A_17, %dma_start3A] : memref<10112x64xf32, #tpu.memory_space<vmem_shared>> -> memref<632x64xf32, #tpu.memory_space<vmem_shared>>
      %dma_start3A_41 = arith.constant 0 : i32
      %dma_start3A_42 = tpu.memref_slice %arg5[%mul3A_15, %dma_start3A_41] : memref<10112x64xf32, #tpu.memory_space<hbm>> -> memref<632x64xf32, #tpu.memory_space<hbm>>
      tpu.enqueue_dma source(%dma_start3A_42 : memref<632x64xf32, #tpu.memory_space<hbm>>) target(%dma_start3A_40 : memref<632x64xf32, #tpu.memory_space<vmem_shared>>) target_semaphore(%run_scoped3A_39 : memref<!tpu.dma_semaphore, #tpu.memory_space<semaphore_mem>>)
      %dma_wait3A = arith.constant 0 : i32
      %dma_wait3A_43 = tpu.memref_slice %arg23[%mul3A_17, %dma_wait3A] : memref<10112x64xf32, #tpu.memory_space<vmem_shared>> -> memref<632x64xf32, #tpu.memory_space<vmem_shared>>
      %dma_wait3A_44 = arith.constant 0 : i32
      %dma_wait3A_45 = tpu.memref_slice %arg5[%mul3A_15, %dma_wait3A_44] : memref<10112x64xf32, #tpu.memory_space<hbm>> -> memref<632x64xf32, #tpu.memory_space<hbm>>
      tpu.wait_dma2 semaphore(%run_scoped3A_39 : memref<!tpu.dma_semaphore, #tpu.memory_space<semaphore_mem>>) src(%dma_wait3A_45 : memref<632x64xf32, #tpu.memory_space<hbm>>) dst(%dma_wait3A_43 : memref<632x64xf32, #tpu.memory_space<vmem_shared>>)
      tpu.yield
    }) : () -> ()
    %barrier3A = arith.constant 0 : index
    tpu.barrier barrier_id(%barrier3A)
    %sub3A = arith.constant 0 : i32
    %sub3A_18 = arith.subi %select_n3A_8, %sub3A : i32
    %sub3A_19 = arith.constant 1 : i32
    %sub3A_20 = arith.constant 1 : i32
    %sub3A_21 = arith.subi %sub3A_19, %sub3A_20 : i32
    %add3A_22 = arith.addi %sub3A_18, %sub3A_21 : i32
    %div3A = arith.constant 1 : i32
    %div3A_23 = arith.divsi %add3A_22, %div3A : i32
    %while3A = arith.constant 1 : i32
    %while3A_24 = arith.constant 0 : i32
    %while3A_25 = arith.constant 0 : i32
    %while3A_26 = arith.subi %div3A_23, %while3A_25 : i32
    %while3A_27 = arith.addi %while3A_25, %while3A_26 : i32
    %while3A_28 = arith.constant 1 : i32
    %while3A_29 = arith.divsi %while3A_26, %while3A_28 : i32
    %while3A_30 = arith.muli %while3A_29, %while3A_28 : i32
    %while3A_31 = arith.addi %while3A_25, %while3A_30 : i32
    %while3A_32 = arith.constant 1 : i32
    scf.for %while3A_39 = %while3A_25 to %while3A_31 step %while3A_32  : i32 {
      %mul3A_40 = arith.muli %while3A_39, %while3A : i32
      %add3A_41 = arith.addi %while3A_24, %mul3A_40 : i32
      %rem3A = arith.constant 2 : i32
      %rem3A_42 = arith.remsi %add3A_41, %rem3A : i32
      %sub3A_43 = arith.constant 1 : i32
      %sub3A_44 = arith.subi %sub3A_43, %rem3A_42 : i32
      %add3A_45 = arith.constant 1 : i32
      %add3A_46 = arith.addi %add3A_41, %add3A_45 : i32
      %mul3A_47 = arith.constant 4 : i32
      %mul3A_48 = arith.muli %add3A_46, %mul3A_47 : i32
      %add3A_49 = arith.addi %select_n3A, %mul3A_48 : i32
      %dma_start3A = arith.constant 0 : i32
      %dma_start3A_50 = arith.constant 0 : i32
      %dma_start3A_51 = tpu.memref_slice %arg7[%sub3A_44, %dma_start3A, %dma_start3A_50] : memref<2x4x128xi32, #tpu.memory_space<vmem>> -> memref<1x4x128xi32, #tpu.memory_space<vmem>>
      %dma_start3A_52 = tpu.memref_squeeze %dma_start3A_51 : memref<1x4x128xi32, #tpu.memory_space<vmem>> -> memref<4x128xi32, #tpu.memory_space<vmem>>
      %dma_start3A_53 = arith.constant 0 : i32
      %dma_start3A_54 = tpu.memref_slice %arg3[%add3A_49, %dma_start3A_53] : memref<2568x128xi32, #tpu.memory_space<hbm>> -> memref<4x128xi32, #tpu.memory_space<hbm>>
      %dma_start3A_55 = arith.constant 0 : i32
      %dma_start3A_56 = arith.constant 0 : i32
      %dma_start3A_57 = tpu.memref_slice %arg7[%sub3A_44, %dma_start3A_55, %dma_start3A_56] : memref<2x4x128xi32, #tpu.memory_space<vmem>> -> memref<1x4x128xi32, #tpu.memory_space<vmem>>
      %dma_start3A_58 = tpu.memref_squeeze %dma_start3A_57 : memref<1x4x128xi32, #tpu.memory_space<vmem>> -> memref<4x128xi32, #tpu.memory_space<vmem>>
      %dma_start3A_59 = arith.constant 0 : i32
      %dma_start3A_60 = tpu.memref_slice %arg3[%add3A_49, %dma_start3A_59] : memref<2568x128xi32, #tpu.memory_space<hbm>> -> memref<4x128xi32, #tpu.memory_space<hbm>>
      tpu.enqueue_dma source(%dma_start3A_60 : memref<4x128xi32, #tpu.memory_space<hbm>>) target(%dma_start3A_58 : memref<4x128xi32, #tpu.memory_space<vmem>>) target_semaphore(%arg13 : memref<!tpu.dma_semaphore, #tpu.memory_space<semaphore_mem>>)
      %dma_start3A_61 = arith.constant 0 : i32
      %dma_start3A_62 = arith.constant 0 : i32
      %dma_start3A_63 = tpu.memref_slice %arg8[%sub3A_44, %dma_start3A_61, %dma_start3A_62] : memref<2x4x128xi32, #tpu.memory_space<vmem>> -> memref<1x4x128xi32, #tpu.memory_space<vmem>>
      %dma_start3A_64 = tpu.memref_squeeze %dma_start3A_63 : memref<1x4x128xi32, #tpu.memory_space<vmem>> -> memref<4x128xi32, #tpu.memory_space<vmem>>
      %dma_start3A_65 = arith.constant 0 : i32
      %dma_start3A_66 = tpu.memref_slice %arg4[%add3A_49, %dma_start3A_65] : memref<2568x128xi32, #tpu.memory_space<hbm>> -> memref<4x128xi32, #tpu.memory_space<hbm>>
      %dma_start3A_67 = arith.constant 0 : i32
      %dma_start3A_68 = arith.constant 0 : i32
      %dma_start3A_69 = tpu.memref_slice %arg8[%sub3A_44, %dma_start3A_67, %dma_start3A_68] : memref<2x4x128xi32, #tpu.memory_space<vmem>> -> memref<1x4x128xi32, #tpu.memory_space<vmem>>
      %dma_start3A_70 = tpu.memref_squeeze %dma_start3A_69 : memref<1x4x128xi32, #tpu.memory_space<vmem>> -> memref<4x128xi32, #tpu.memory_space<vmem>>
      %dma_start3A_71 = arith.constant 0 : i32
      %dma_start3A_72 = tpu.memref_slice %arg4[%add3A_49, %dma_start3A_71] : memref<2568x128xi32, #tpu.memory_space<hbm>> -> memref<4x128xi32, #tpu.memory_space<hbm>>
      tpu.enqueue_dma source(%dma_start3A_72 : memref<4x128xi32, #tpu.memory_space<hbm>>) target(%dma_start3A_70 : memref<4x128xi32, #tpu.memory_space<vmem>>) target_semaphore(%arg13 : memref<!tpu.dma_semaphore, #tpu.memory_space<semaphore_mem>>)
      %dma_start3A_73 = arith.constant 0 : i32
      %dma_start3A_74 = arith.constant 0 : i32
      %dma_start3A_75 = tpu.memref_slice %arg7[%rem3A_42, %dma_start3A_73, %dma_start3A_74] : memref<2x4x128xi32, #tpu.memory_space<vmem>> -> memref<1x1x128xi32, #tpu.memory_space<vmem>>
      %dma_start3A_76 = tpu.memref_squeeze %dma_start3A_75 : memref<1x1x128xi32, #tpu.memory_space<vmem>> -> memref<128xi32, #tpu.memory_space<vmem>>
      %dma_start3A_77 = arith.constant 0 : i32
      %dma_start3A_78 = arith.constant 0 : i32
      %dma_start3A_79 = tpu.memref_slice %arg22[%dma_start3A_77, %dma_start3A_78] : memref<10112x64xf32, #tpu.memory_space<vmem_shared>> -> memref<10112x64xf32, #tpu.memory_space<vmem_shared>>
      tpu.enqueue_indirect_dma source(%dma_start3A_79 : memref<10112x64xf32, #tpu.memory_space<vmem_shared>>) target(%arg9 : memref<128x64xf32, #tpu.memory_space<vmem>>) offsets(%dma_start3A_76 : memref<128xi32, #tpu.memory_space<vmem>>) semaphore(%arg14 : memref<!tpu.dma_semaphore, #tpu.memory_space<semaphore_mem>>)
      %dma_start3A_80 = arith.constant 1 : i32
      %dma_start3A_81 = arith.constant 0 : i32
      %dma_start3A_82 = tpu.memref_slice %arg7[%rem3A_42, %dma_start3A_80, %dma_start3A_81] : memref<2x4x128xi32, #tpu.memory_space<vmem>> -> memref<1x1x128xi32, #tpu.memory_space<vmem>>
      %dma_start3A_83 = tpu.memref_squeeze %dma_start3A_82 : memref<1x1x128xi32, #tpu.memory_space<vmem>> -> memref<128xi32, #tpu.memory_space<vmem>>
      %dma_start3A_84 = arith.constant 0 : i32
      %dma_start3A_85 = arith.constant 0 : i32
      %dma_start3A_86 = tpu.memref_slice %arg22[%dma_start3A_84, %dma_start3A_85] : memref<10112x64xf32, #tpu.memory_space<vmem_shared>> -> memref<10112x64xf32, #tpu.memory_space<vmem_shared>>
      tpu.enqueue_indirect_dma source(%dma_start3A_86 : memref<10112x64xf32, #tpu.memory_space<vmem_shared>>) target(%arg10 : memref<128x64xf32, #tpu.memory_space<vmem>>) offsets(%dma_start3A_83 : memref<128xi32, #tpu.memory_space<vmem>>) semaphore(%arg15 : memref<!tpu.dma_semaphore, #tpu.memory_space<semaphore_mem>>)
      %dma_start3A_87 = arith.constant 2 : i32
      %dma_start3A_88 = arith.constant 0 : i32
      %dma_start3A_89 = tpu.memref_slice %arg7[%rem3A_42, %dma_start3A_87, %dma_start3A_88] : memref<2x4x128xi32, #tpu.memory_space<vmem>> -> memref<1x1x128xi32, #tpu.memory_space<vmem>>
      %dma_start3A_90 = tpu.memref_squeeze %dma_start3A_89 : memref<1x1x128xi32, #tpu.memory_space<vmem>> -> memref<128xi32, #tpu.memory_space<vmem>>
      %dma_start3A_91 = arith.constant 0 : i32
      %dma_start3A_92 = arith.constant 0 : i32
      %dma_start3A_93 = tpu.memref_slice %arg22[%dma_start3A_91, %dma_start3A_92] : memref<10112x64xf32, #tpu.memory_space<vmem_shared>> -> memref<10112x64xf32, #tpu.memory_space<vmem_shared>>
      tpu.enqueue_indirect_dma source(%dma_start3A_93 : memref<10112x64xf32, #tpu.memory_space<vmem_shared>>) target(%arg11 : memref<128x64xf32, #tpu.memory_space<vmem>>) offsets(%dma_start3A_90 : memref<128xi32, #tpu.memory_space<vmem>>) semaphore(%arg16 : memref<!tpu.dma_semaphore, #tpu.memory_space<semaphore_mem>>)
      %dma_start3A_94 = arith.constant 3 : i32
      %dma_start3A_95 = arith.constant 0 : i32
      %dma_start3A_96 = tpu.memref_slice %arg7[%rem3A_42, %dma_start3A_94, %dma_start3A_95] : memref<2x4x128xi32, #tpu.memory_space<vmem>> -> memref<1x1x128xi32, #tpu.memory_space<vmem>>
      %dma_start3A_97 = tpu.memref_squeeze %dma_start3A_96 : memref<1x1x128xi32, #tpu.memory_space<vmem>> -> memref<128xi32, #tpu.memory_space<vmem>>
      %dma_start3A_98 = arith.constant 0 : i32
      %dma_start3A_99 = arith.constant 0 : i32
      %dma_start3A_100 = tpu.memref_slice %arg22[%dma_start3A_98, %dma_start3A_99] : memref<10112x64xf32, #tpu.memory_space<vmem_shared>> -> memref<10112x64xf32, #tpu.memory_space<vmem_shared>>
      tpu.enqueue_indirect_dma source(%dma_start3A_100 : memref<10112x64xf32, #tpu.memory_space<vmem_shared>>) target(%arg12 : memref<128x64xf32, #tpu.memory_space<vmem>>) offsets(%dma_start3A_97 : memref<128xi32, #tpu.memory_space<vmem>>) semaphore(%arg17 : memref<!tpu.dma_semaphore, #tpu.memory_space<semaphore_mem>>)
      %dma_wait3A = arith.constant 0 : i32
      %dma_wait3A_101 = arith.constant 0 : i32
      %dma_wait3A_102 = tpu.memref_slice %arg7[%rem3A_42, %dma_wait3A, %dma_wait3A_101] : memref<2x4x128xi32, #tpu.memory_space<vmem>> -> memref<1x1x128xi32, #tpu.memory_space<vmem>>
      %dma_wait3A_103 = tpu.memref_squeeze %dma_wait3A_102 : memref<1x1x128xi32, #tpu.memory_space<vmem>> -> memref<128xi32, #tpu.memory_space<vmem>>
      %dma_wait3A_104 = arith.constant 0 : i32
      %dma_wait3A_105 = arith.constant 0 : i32
      %dma_wait3A_106 = tpu.memref_slice %arg22[%dma_wait3A_104, %dma_wait3A_105] : memref<10112x64xf32, #tpu.memory_space<vmem_shared>> -> memref<10112x64xf32, #tpu.memory_space<vmem_shared>>
      tpu.wait_indirect_dma semaphore(%arg14 : memref<!tpu.dma_semaphore, #tpu.memory_space<semaphore_mem>>) src(%dma_wait3A_106 : memref<10112x64xf32, #tpu.memory_space<vmem_shared>>) dst(%arg9 : memref<128x64xf32, #tpu.memory_space<vmem>>)
      %dma_start3A_107 = arith.constant 0 : i32
      %dma_start3A_108 = arith.constant 0 : i32
      %dma_start3A_109 = tpu.memref_slice %arg8[%rem3A_42, %dma_start3A_107, %dma_start3A_108] : memref<2x4x128xi32, #tpu.memory_space<vmem>> -> memref<1x1x128xi32, #tpu.memory_space<vmem>>
      %dma_start3A_110 = tpu.memref_squeeze %dma_start3A_109 : memref<1x1x128xi32, #tpu.memory_space<vmem>> -> memref<128xi32, #tpu.memory_space<vmem>>
      %dma_start3A_111 = arith.constant 0 : i32
      %dma_start3A_112 = arith.constant 0 : i32
      %dma_start3A_113 = tpu.memref_slice %arg23[%dma_start3A_111, %dma_start3A_112] : memref<10112x64xf32, #tpu.memory_space<vmem_shared>> -> memref<10112x64xf32, #tpu.memory_space<vmem_shared>>
      tpu.enqueue_indirect_dma source(%arg9 : memref<128x64xf32, #tpu.memory_space<vmem>>) target(%dma_start3A_113 : memref<10112x64xf32, #tpu.memory_space<vmem_shared>>) offsets(%dma_start3A_110 : memref<128xi32, #tpu.memory_space<vmem>>) semaphore(%arg18 : memref<!tpu.dma_semaphore, #tpu.memory_space<semaphore_mem>>) {add = true}
      %dma_wait3A_114 = arith.constant 1 : i32
      %dma_wait3A_115 = arith.constant 0 : i32
      %dma_wait3A_116 = tpu.memref_slice %arg7[%rem3A_42, %dma_wait3A_114, %dma_wait3A_115] : memref<2x4x128xi32, #tpu.memory_space<vmem>> -> memref<1x1x128xi32, #tpu.memory_space<vmem>>
      %dma_wait3A_117 = tpu.memref_squeeze %dma_wait3A_116 : memref<1x1x128xi32, #tpu.memory_space<vmem>> -> memref<128xi32, #tpu.memory_space<vmem>>
      %dma_wait3A_118 = arith.constant 0 : i32
      %dma_wait3A_119 = arith.constant 0 : i32
      %dma_wait3A_120 = tpu.memref_slice %arg22[%dma_wait3A_118, %dma_wait3A_119] : memref<10112x64xf32, #tpu.memory_space<vmem_shared>> -> memref<10112x64xf32, #tpu.memory_space<vmem_shared>>
      tpu.wait_indirect_dma semaphore(%arg15 : memref<!tpu.dma_semaphore, #tpu.memory_space<semaphore_mem>>) src(%dma_wait3A_120 : memref<10112x64xf32, #tpu.memory_space<vmem_shared>>) dst(%arg10 : memref<128x64xf32, #tpu.memory_space<vmem>>)
      %dma_start3A_121 = arith.constant 1 : i32
      %dma_start3A_122 = arith.constant 0 : i32
      %dma_start3A_123 = tpu.memref_slice %arg8[%rem3A_42, %dma_start3A_121, %dma_start3A_122] : memref<2x4x128xi32, #tpu.memory_space<vmem>> -> memref<1x1x128xi32, #tpu.memory_space<vmem>>
      %dma_start3A_124 = tpu.memref_squeeze %dma_start3A_123 : memref<1x1x128xi32, #tpu.memory_space<vmem>> -> memref<128xi32, #tpu.memory_space<vmem>>
      %dma_start3A_125 = arith.constant 0 : i32
      %dma_start3A_126 = arith.constant 0 : i32
      %dma_start3A_127 = tpu.memref_slice %arg23[%dma_start3A_125, %dma_start3A_126] : memref<10112x64xf32, #tpu.memory_space<vmem_shared>> -> memref<10112x64xf32, #tpu.memory_space<vmem_shared>>
      tpu.enqueue_indirect_dma source(%arg10 : memref<128x64xf32, #tpu.memory_space<vmem>>) target(%dma_start3A_127 : memref<10112x64xf32, #tpu.memory_space<vmem_shared>>) offsets(%dma_start3A_124 : memref<128xi32, #tpu.memory_space<vmem>>) semaphore(%arg19 : memref<!tpu.dma_semaphore, #tpu.memory_space<semaphore_mem>>) {add = true}
      %dma_wait3A_128 = arith.constant 2 : i32
      %dma_wait3A_129 = arith.constant 0 : i32
      %dma_wait3A_130 = tpu.memref_slice %arg7[%rem3A_42, %dma_wait3A_128, %dma_wait3A_129] : memref<2x4x128xi32, #tpu.memory_space<vmem>> -> memref<1x1x128xi32, #tpu.memory_space<vmem>>
      %dma_wait3A_131 = tpu.memref_squeeze %dma_wait3A_130 : memref<1x1x128xi32, #tpu.memory_space<vmem>> -> memref<128xi32, #tpu.memory_space<vmem>>
      %dma_wait3A_132 = arith.constant 0 : i32
      %dma_wait3A_133 = arith.constant 0 : i32
      %dma_wait3A_134 = tpu.memref_slice %arg22[%dma_wait3A_132, %dma_wait3A_133] : memref<10112x64xf32, #tpu.memory_space<vmem_shared>> -> memref<10112x64xf32, #tpu.memory_space<vmem_shared>>
      tpu.wait_indirect_dma semaphore(%arg16 : memref<!tpu.dma_semaphore, #tpu.memory_space<semaphore_mem>>) src(%dma_wait3A_134 : memref<10112x64xf32, #tpu.memory_space<vmem_shared>>) dst(%arg11 : memref<128x64xf32, #tpu.memory_space<vmem>>)
      %dma_start3A_135 = arith.constant 2 : i32
      %dma_start3A_136 = arith.constant 0 : i32
      %dma_start3A_137 = tpu.memref_slice %arg8[%rem3A_42, %dma_start3A_135, %dma_start3A_136] : memref<2x4x128xi32, #tpu.memory_space<vmem>> -> memref<1x1x128xi32, #tpu.memory_space<vmem>>
      %dma_start3A_138 = tpu.memref_squeeze %dma_start3A_137 : memref<1x1x128xi32, #tpu.memory_space<vmem>> -> memref<128xi32, #tpu.memory_space<vmem>>
      %dma_start3A_139 = arith.constant 0 : i32
      %dma_start3A_140 = arith.constant 0 : i32
      %dma_start3A_141 = tpu.memref_slice %arg23[%dma_start3A_139, %dma_start3A_140] : memref<10112x64xf32, #tpu.memory_space<vmem_shared>> -> memref<10112x64xf32, #tpu.memory_space<vmem_shared>>
      tpu.enqueue_indirect_dma source(%arg11 : memref<128x64xf32, #tpu.memory_space<vmem>>) target(%dma_start3A_141 : memref<10112x64xf32, #tpu.memory_space<vmem_shared>>) offsets(%dma_start3A_138 : memref<128xi32, #tpu.memory_space<vmem>>) semaphore(%arg20 : memref<!tpu.dma_semaphore, #tpu.memory_space<semaphore_mem>>) {add = true}
      %dma_wait3A_142 = arith.constant 3 : i32
      %dma_wait3A_143 = arith.constant 0 : i32
      %dma_wait3A_144 = tpu.memref_slice %arg7[%rem3A_42, %dma_wait3A_142, %dma_wait3A_143] : memref<2x4x128xi32, #tpu.memory_space<vmem>> -> memref<1x1x128xi32, #tpu.memory_space<vmem>>
      %dma_wait3A_145 = tpu.memref_squeeze %dma_wait3A_144 : memref<1x1x128xi32, #tpu.memory_space<vmem>> -> memref<128xi32, #tpu.memory_space<vmem>>
      %dma_wait3A_146 = arith.constant 0 : i32
      %dma_wait3A_147 = arith.constant 0 : i32
      %dma_wait3A_148 = tpu.memref_slice %arg22[%dma_wait3A_146, %dma_wait3A_147] : memref<10112x64xf32, #tpu.memory_space<vmem_shared>> -> memref<10112x64xf32, #tpu.memory_space<vmem_shared>>
      tpu.wait_indirect_dma semaphore(%arg17 : memref<!tpu.dma_semaphore, #tpu.memory_space<semaphore_mem>>) src(%dma_wait3A_148 : memref<10112x64xf32, #tpu.memory_space<vmem_shared>>) dst(%arg12 : memref<128x64xf32, #tpu.memory_space<vmem>>)
      %dma_start3A_149 = arith.constant 3 : i32
      %dma_start3A_150 = arith.constant 0 : i32
      %dma_start3A_151 = tpu.memref_slice %arg8[%rem3A_42, %dma_start3A_149, %dma_start3A_150] : memref<2x4x128xi32, #tpu.memory_space<vmem>> -> memref<1x1x128xi32, #tpu.memory_space<vmem>>
      %dma_start3A_152 = tpu.memref_squeeze %dma_start3A_151 : memref<1x1x128xi32, #tpu.memory_space<vmem>> -> memref<128xi32, #tpu.memory_space<vmem>>
      %dma_start3A_153 = arith.constant 0 : i32
      %dma_start3A_154 = arith.constant 0 : i32
      %dma_start3A_155 = tpu.memref_slice %arg23[%dma_start3A_153, %dma_start3A_154] : memref<10112x64xf32, #tpu.memory_space<vmem_shared>> -> memref<10112x64xf32, #tpu.memory_space<vmem_shared>>
      tpu.enqueue_indirect_dma source(%arg12 : memref<128x64xf32, #tpu.memory_space<vmem>>) target(%dma_start3A_155 : memref<10112x64xf32, #tpu.memory_space<vmem_shared>>) offsets(%dma_start3A_152 : memref<128xi32, #tpu.memory_space<vmem>>) semaphore(%arg21 : memref<!tpu.dma_semaphore, #tpu.memory_space<semaphore_mem>>) {add = true}
      %dma_wait3A_156 = arith.constant 0 : i32
      %dma_wait3A_157 = arith.constant 0 : i32
      %dma_wait3A_158 = tpu.memref_slice %arg8[%rem3A_42, %dma_wait3A_156, %dma_wait3A_157] : memref<2x4x128xi32, #tpu.memory_space<vmem>> -> memref<1x1x128xi32, #tpu.memory_space<vmem>>
      %dma_wait3A_159 = tpu.memref_squeeze %dma_wait3A_158 : memref<1x1x128xi32, #tpu.memory_space<vmem>> -> memref<128xi32, #tpu.memory_space<vmem>>
      %dma_wait3A_160 = arith.constant 0 : i32
      %dma_wait3A_161 = arith.constant 0 : i32
      %dma_wait3A_162 = tpu.memref_slice %arg23[%dma_wait3A_160, %dma_wait3A_161] : memref<10112x64xf32, #tpu.memory_space<vmem_shared>> -> memref<10112x64xf32, #tpu.memory_space<vmem_shared>>
      tpu.wait_indirect_dma semaphore(%arg18 : memref<!tpu.dma_semaphore, #tpu.memory_space<semaphore_mem>>) src(%arg9 : memref<128x64xf32, #tpu.memory_space<vmem>>) dst(%dma_wait3A_162 : memref<10112x64xf32, #tpu.memory_space<vmem_shared>>)
      %dma_wait3A_163 = arith.constant 1 : i32
      %dma_wait3A_164 = arith.constant 0 : i32
      %dma_wait3A_165 = tpu.memref_slice %arg8[%rem3A_42, %dma_wait3A_163, %dma_wait3A_164] : memref<2x4x128xi32, #tpu.memory_space<vmem>> -> memref<1x1x128xi32, #tpu.memory_space<vmem>>
      %dma_wait3A_166 = tpu.memref_squeeze %dma_wait3A_165 : memref<1x1x128xi32, #tpu.memory_space<vmem>> -> memref<128xi32, #tpu.memory_space<vmem>>
      %dma_wait3A_167 = arith.constant 0 : i32
      %dma_wait3A_168 = arith.constant 0 : i32
      %dma_wait3A_169 = tpu.memref_slice %arg23[%dma_wait3A_167, %dma_wait3A_168] : memref<10112x64xf32, #tpu.memory_space<vmem_shared>> -> memref<10112x64xf32, #tpu.memory_space<vmem_shared>>
      tpu.wait_indirect_dma semaphore(%arg19 : memref<!tpu.dma_semaphore, #tpu.memory_space<semaphore_mem>>) src(%arg10 : memref<128x64xf32, #tpu.memory_space<vmem>>) dst(%dma_wait3A_169 : memref<10112x64xf32, #tpu.memory_space<vmem_shared>>)
      %dma_wait3A_170 = arith.constant 2 : i32
      %dma_wait3A_171 = arith.constant 0 : i32
      %dma_wait3A_172 = tpu.memref_slice %arg8[%rem3A_42, %dma_wait3A_170, %dma_wait3A_171] : memref<2x4x128xi32, #tpu.memory_space<vmem>> -> memref<1x1x128xi32, #tpu.memory_space<vmem>>
      %dma_wait3A_173 = tpu.memref_squeeze %dma_wait3A_172 : memref<1x1x128xi32, #tpu.memory_space<vmem>> -> memref<128xi32, #tpu.memory_space<vmem>>
      %dma_wait3A_174 = arith.constant 0 : i32
      %dma_wait3A_175 = arith.constant 0 : i32
      %dma_wait3A_176 = tpu.memref_slice %arg23[%dma_wait3A_174, %dma_wait3A_175] : memref<10112x64xf32, #tpu.memory_space<vmem_shared>> -> memref<10112x64xf32, #tpu.memory_space<vmem_shared>>
      tpu.wait_indirect_dma semaphore(%arg20 : memref<!tpu.dma_semaphore, #tpu.memory_space<semaphore_mem>>) src(%arg11 : memref<128x64xf32, #tpu.memory_space<vmem>>) dst(%dma_wait3A_176 : memref<10112x64xf32, #tpu.memory_space<vmem_shared>>)
      %dma_wait3A_177 = arith.constant 3 : i32
      %dma_wait3A_178 = arith.constant 0 : i32
      %dma_wait3A_179 = tpu.memref_slice %arg8[%rem3A_42, %dma_wait3A_177, %dma_wait3A_178] : memref<2x4x128xi32, #tpu.memory_space<vmem>> -> memref<1x1x128xi32, #tpu.memory_space<vmem>>
      %dma_wait3A_180 = tpu.memref_squeeze %dma_wait3A_179 : memref<1x1x128xi32, #tpu.memory_space<vmem>> -> memref<128xi32, #tpu.memory_space<vmem>>
      %dma_wait3A_181 = arith.constant 0 : i32
      %dma_wait3A_182 = arith.constant 0 : i32
      %dma_wait3A_183 = tpu.memref_slice %arg23[%dma_wait3A_181, %dma_wait3A_182] : memref<10112x64xf32, #tpu.memory_space<vmem_shared>> -> memref<10112x64xf32, #tpu.memory_space<vmem_shared>>
      tpu.wait_indirect_dma semaphore(%arg21 : memref<!tpu.dma_semaphore, #tpu.memory_space<semaphore_mem>>) src(%arg12 : memref<128x64xf32, #tpu.memory_space<vmem>>) dst(%dma_wait3A_183 : memref<10112x64xf32, #tpu.memory_space<vmem_shared>>)
      %dma_wait3A_184 = arith.constant 0 : i32
      %dma_wait3A_185 = arith.constant 0 : i32
      %dma_wait3A_186 = tpu.memref_slice %arg7[%sub3A_44, %dma_wait3A_184, %dma_wait3A_185] : memref<2x4x128xi32, #tpu.memory_space<vmem>> -> memref<1x4x128xi32, #tpu.memory_space<vmem>>
      %dma_wait3A_187 = tpu.memref_squeeze %dma_wait3A_186 : memref<1x4x128xi32, #tpu.memory_space<vmem>> -> memref<4x128xi32, #tpu.memory_space<vmem>>
      %dma_wait3A_188 = arith.constant 0 : i32
      %dma_wait3A_189 = tpu.memref_slice %arg3[%add3A_49, %dma_wait3A_188] : memref<2568x128xi32, #tpu.memory_space<hbm>> -> memref<4x128xi32, #tpu.memory_space<hbm>>
      %dma_wait3A_190 = arith.constant 0 : i32
      %dma_wait3A_191 = arith.constant 0 : i32
      %dma_wait3A_192 = tpu.memref_slice %arg7[%sub3A_44, %dma_wait3A_190, %dma_wait3A_191] : memref<2x4x128xi32, #tpu.memory_space<vmem>> -> memref<1x4x128xi32, #tpu.memory_space<vmem>>
      %dma_wait3A_193 = tpu.memref_squeeze %dma_wait3A_192 : memref<1x4x128xi32, #tpu.memory_space<vmem>> -> memref<4x128xi32, #tpu.memory_space<vmem>>
      %dma_wait3A_194 = arith.constant 0 : i32
      %dma_wait3A_195 = tpu.memref_slice %arg3[%add3A_49, %dma_wait3A_194] : memref<2568x128xi32, #tpu.memory_space<hbm>> -> memref<4x128xi32, #tpu.memory_space<hbm>>
      tpu.wait_dma2 semaphore(%arg13 : memref<!tpu.dma_semaphore, #tpu.memory_space<semaphore_mem>>) src(%dma_wait3A_195 : memref<4x128xi32, #tpu.memory_space<hbm>>) dst(%dma_wait3A_193 : memref<4x128xi32, #tpu.memory_space<vmem>>)
      %dma_wait3A_196 = arith.constant 0 : i32
      %dma_wait3A_197 = arith.constant 0 : i32
      %dma_wait3A_198 = tpu.memref_slice %arg8[%sub3A_44, %dma_wait3A_196, %dma_wait3A_197] : memref<2x4x128xi32, #tpu.memory_space<vmem>> -> memref<1x4x128xi32, #tpu.memory_space<vmem>>
      %dma_wait3A_199 = tpu.memref_squeeze %dma_wait3A_198 : memref<1x4x128xi32, #tpu.memory_space<vmem>> -> memref<4x128xi32, #tpu.memory_space<vmem>>
      %dma_wait3A_200 = arith.constant 0 : i32
      %dma_wait3A_201 = tpu.memref_slice %arg4[%add3A_49, %dma_wait3A_200] : memref<2568x128xi32, #tpu.memory_space<hbm>> -> memref<4x128xi32, #tpu.memory_space<hbm>>
      %dma_wait3A_202 = arith.constant 0 : i32
      %dma_wait3A_203 = arith.constant 0 : i32
      %dma_wait3A_204 = tpu.memref_slice %arg8[%sub3A_44, %dma_wait3A_202, %dma_wait3A_203] : memref<2x4x128xi32, #tpu.memory_space<vmem>> -> memref<1x4x128xi32, #tpu.memory_space<vmem>>
      %dma_wait3A_205 = tpu.memref_squeeze %dma_wait3A_204 : memref<1x4x128xi32, #tpu.memory_space<vmem>> -> memref<4x128xi32, #tpu.memory_space<vmem>>
      %dma_wait3A_206 = arith.constant 0 : i32
      %dma_wait3A_207 = tpu.memref_slice %arg4[%add3A_49, %dma_wait3A_206] : memref<2568x128xi32, #tpu.memory_space<hbm>> -> memref<4x128xi32, #tpu.memory_space<hbm>>
      tpu.wait_dma2 semaphore(%arg13 : memref<!tpu.dma_semaphore, #tpu.memory_space<semaphore_mem>>) src(%dma_wait3A_207 : memref<4x128xi32, #tpu.memory_space<hbm>>) dst(%dma_wait3A_205 : memref<4x128xi32, #tpu.memory_space<vmem>>)
    }
    %while3A_33 = arith.constant 1 : i32
    scf.for %while3A_39 = %while3A_31 to %while3A_27 step %while3A_33  : i32 {
      %mul3A_40 = arith.muli %while3A_39, %while3A : i32
      %add3A_41 = arith.addi %while3A_24, %mul3A_40 : i32
      %rem3A = arith.constant 2 : i32
      %rem3A_42 = arith.remsi %add3A_41, %rem3A : i32
      %sub3A_43 = arith.constant 1 : i32
      %sub3A_44 = arith.subi %sub3A_43, %rem3A_42 : i32
      %add3A_45 = arith.constant 1 : i32
      %add3A_46 = arith.addi %add3A_41, %add3A_45 : i32
      %mul3A_47 = arith.constant 4 : i32
      %mul3A_48 = arith.muli %add3A_46, %mul3A_47 : i32
      %add3A_49 = arith.addi %select_n3A, %mul3A_48 : i32
      %dma_start3A = arith.constant 0 : i32
      %dma_start3A_50 = arith.constant 0 : i32
      %dma_start3A_51 = tpu.memref_slice %arg7[%sub3A_44, %dma_start3A, %dma_start3A_50] : memref<2x4x128xi32, #tpu.memory_space<vmem>> -> memref<1x4x128xi32, #tpu.memory_space<vmem>>
      %dma_start3A_52 = tpu.memref_squeeze %dma_start3A_51 : memref<1x4x128xi32, #tpu.memory_space<vmem>> -> memref<4x128xi32, #tpu.memory_space<vmem>>
      %dma_start3A_53 = arith.constant 0 : i32
      %dma_start3A_54 = tpu.memref_slice %arg3[%add3A_49, %dma_start3A_53] : memref<2568x128xi32, #tpu.memory_space<hbm>> -> memref<4x128xi32, #tpu.memory_space<hbm>>
      %dma_start3A_55 = arith.constant 0 : i32
      %dma_start3A_56 = arith.constant 0 : i32
      %dma_start3A_57 = tpu.memref_slice %arg7[%sub3A_44, %dma_start3A_55, %dma_start3A_56] : memref<2x4x128xi32, #tpu.memory_space<vmem>> -> memref<1x4x128xi32, #tpu.memory_space<vmem>>
      %dma_start3A_58 = tpu.memref_squeeze %dma_start3A_57 : memref<1x4x128xi32, #tpu.memory_space<vmem>> -> memref<4x128xi32, #tpu.memory_space<vmem>>
      %dma_start3A_59 = arith.constant 0 : i32
      %dma_start3A_60 = tpu.memref_slice %arg3[%add3A_49, %dma_start3A_59] : memref<2568x128xi32, #tpu.memory_space<hbm>> -> memref<4x128xi32, #tpu.memory_space<hbm>>
      tpu.enqueue_dma source(%dma_start3A_60 : memref<4x128xi32, #tpu.memory_space<hbm>>) target(%dma_start3A_58 : memref<4x128xi32, #tpu.memory_space<vmem>>) target_semaphore(%arg13 : memref<!tpu.dma_semaphore, #tpu.memory_space<semaphore_mem>>)
      %dma_start3A_61 = arith.constant 0 : i32
      %dma_start3A_62 = arith.constant 0 : i32
      %dma_start3A_63 = tpu.memref_slice %arg8[%sub3A_44, %dma_start3A_61, %dma_start3A_62] : memref<2x4x128xi32, #tpu.memory_space<vmem>> -> memref<1x4x128xi32, #tpu.memory_space<vmem>>
      %dma_start3A_64 = tpu.memref_squeeze %dma_start3A_63 : memref<1x4x128xi32, #tpu.memory_space<vmem>> -> memref<4x128xi32, #tpu.memory_space<vmem>>
      %dma_start3A_65 = arith.constant 0 : i32
      %dma_start3A_66 = tpu.memref_slice %arg4[%add3A_49, %dma_start3A_65] : memref<2568x128xi32, #tpu.memory_space<hbm>> -> memref<4x128xi32, #tpu.memory_space<hbm>>
      %dma_start3A_67 = arith.constant 0 : i32
      %dma_start3A_68 = arith.constant 0 : i32
      %dma_start3A_69 = tpu.memref_slice %arg8[%sub3A_44, %dma_start3A_67, %dma_start3A_68] : memref<2x4x128xi32, #tpu.memory_space<vmem>> -> memref<1x4x128xi32, #tpu.memory_space<vmem>>
      %dma_start3A_70 = tpu.memref_squeeze %dma_start3A_69 : memref<1x4x128xi32, #tpu.memory_space<vmem>> -> memref<4x128xi32, #tpu.memory_space<vmem>>
      %dma_start3A_71 = arith.constant 0 : i32
      %dma_start3A_72 = tpu.memref_slice %arg4[%add3A_49, %dma_start3A_71] : memref<2568x128xi32, #tpu.memory_space<hbm>> -> memref<4x128xi32, #tpu.memory_space<hbm>>
      tpu.enqueue_dma source(%dma_start3A_72 : memref<4x128xi32, #tpu.memory_space<hbm>>) target(%dma_start3A_70 : memref<4x128xi32, #tpu.memory_space<vmem>>) target_semaphore(%arg13 : memref<!tpu.dma_semaphore, #tpu.memory_space<semaphore_mem>>)
      %dma_start3A_73 = arith.constant 0 : i32
      %dma_start3A_74 = arith.constant 0 : i32
      %dma_start3A_75 = tpu.memref_slice %arg7[%rem3A_42, %dma_start3A_73, %dma_start3A_74] : memref<2x4x128xi32, #tpu.memory_space<vmem>> -> memref<1x1x128xi32, #tpu.memory_space<vmem>>
      %dma_start3A_76 = tpu.memref_squeeze %dma_start3A_75 : memref<1x1x128xi32, #tpu.memory_space<vmem>> -> memref<128xi32, #tpu.memory_space<vmem>>
      %dma_start3A_77 = arith.constant 0 : i32
      %dma_start3A_78 = arith.constant 0 : i32
      %dma_start3A_79 = tpu.memref_slice %arg22[%dma_start3A_77, %dma_start3A_78] : memref<10112x64xf32, #tpu.memory_space<vmem_shared>> -> memref<10112x64xf32, #tpu.memory_space<vmem_shared>>
      tpu.enqueue_indirect_dma source(%dma_start3A_79 : memref<10112x64xf32, #tpu.memory_space<vmem_shared>>) target(%arg9 : memref<128x64xf32, #tpu.memory_space<vmem>>) offsets(%dma_start3A_76 : memref<128xi32, #tpu.memory_space<vmem>>) semaphore(%arg14 : memref<!tpu.dma_semaphore, #tpu.memory_space<semaphore_mem>>)
      %dma_start3A_80 = arith.constant 1 : i32
      %dma_start3A_81 = arith.constant 0 : i32
      %dma_start3A_82 = tpu.memref_slice %arg7[%rem3A_42, %dma_start3A_80, %dma_start3A_81] : memref<2x4x128xi32, #tpu.memory_space<vmem>> -> memref<1x1x128xi32, #tpu.memory_space<vmem>>
      %dma_start3A_83 = tpu.memref_squeeze %dma_start3A_82 : memref<1x1x128xi32, #tpu.memory_space<vmem>> -> memref<128xi32, #tpu.memory_space<vmem>>
      %dma_start3A_84 = arith.constant 0 : i32
      %dma_start3A_85 = arith.constant 0 : i32
      %dma_start3A_86 = tpu.memref_slice %arg22[%dma_start3A_84, %dma_start3A_85] : memref<10112x64xf32, #tpu.memory_space<vmem_shared>> -> memref<10112x64xf32, #tpu.memory_space<vmem_shared>>
      tpu.enqueue_indirect_dma source(%dma_start3A_86 : memref<10112x64xf32, #tpu.memory_space<vmem_shared>>) target(%arg10 : memref<128x64xf32, #tpu.memory_space<vmem>>) offsets(%dma_start3A_83 : memref<128xi32, #tpu.memory_space<vmem>>) semaphore(%arg15 : memref<!tpu.dma_semaphore, #tpu.memory_space<semaphore_mem>>)
      %dma_start3A_87 = arith.constant 2 : i32
      %dma_start3A_88 = arith.constant 0 : i32
      %dma_start3A_89 = tpu.memref_slice %arg7[%rem3A_42, %dma_start3A_87, %dma_start3A_88] : memref<2x4x128xi32, #tpu.memory_space<vmem>> -> memref<1x1x128xi32, #tpu.memory_space<vmem>>
      %dma_start3A_90 = tpu.memref_squeeze %dma_start3A_89 : memref<1x1x128xi32, #tpu.memory_space<vmem>> -> memref<128xi32, #tpu.memory_space<vmem>>
      %dma_start3A_91 = arith.constant 0 : i32
      %dma_start3A_92 = arith.constant 0 : i32
      %dma_start3A_93 = tpu.memref_slice %arg22[%dma_start3A_91, %dma_start3A_92] : memref<10112x64xf32, #tpu.memory_space<vmem_shared>> -> memref<10112x64xf32, #tpu.memory_space<vmem_shared>>
      tpu.enqueue_indirect_dma source(%dma_start3A_93 : memref<10112x64xf32, #tpu.memory_space<vmem_shared>>) target(%arg11 : memref<128x64xf32, #tpu.memory_space<vmem>>) offsets(%dma_start3A_90 : memref<128xi32, #tpu.memory_space<vmem>>) semaphore(%arg16 : memref<!tpu.dma_semaphore, #tpu.memory_space<semaphore_mem>>)
      %dma_start3A_94 = arith.constant 3 : i32
      %dma_start3A_95 = arith.constant 0 : i32
      %dma_start3A_96 = tpu.memref_slice %arg7[%rem3A_42, %dma_start3A_94, %dma_start3A_95] : memref<2x4x128xi32, #tpu.memory_space<vmem>> -> memref<1x1x128xi32, #tpu.memory_space<vmem>>
      %dma_start3A_97 = tpu.memref_squeeze %dma_start3A_96 : memref<1x1x128xi32, #tpu.memory_space<vmem>> -> memref<128xi32, #tpu.memory_space<vmem>>
      %dma_start3A_98 = arith.constant 0 : i32
      %dma_start3A_99 = arith.constant 0 : i32
      %dma_start3A_100 = tpu.memref_slice %arg22[%dma_start3A_98, %dma_start3A_99] : memref<10112x64xf32, #tpu.memory_space<vmem_shared>> -> memref<10112x64xf32, #tpu.memory_space<vmem_shared>>
      tpu.enqueue_indirect_dma source(%dma_start3A_100 : memref<10112x64xf32, #tpu.memory_space<vmem_shared>>) target(%arg12 : memref<128x64xf32, #tpu.memory_space<vmem>>) offsets(%dma_start3A_97 : memref<128xi32, #tpu.memory_space<vmem>>) semaphore(%arg17 : memref<!tpu.dma_semaphore, #tpu.memory_space<semaphore_mem>>)
      %dma_wait3A = arith.constant 0 : i32
      %dma_wait3A_101 = arith.constant 0 : i32
      %dma_wait3A_102 = tpu.memref_slice %arg7[%rem3A_42, %dma_wait3A, %dma_wait3A_101] : memref<2x4x128xi32, #tpu.memory_space<vmem>> -> memref<1x1x128xi32, #tpu.memory_space<vmem>>
      %dma_wait3A_103 = tpu.memref_squeeze %dma_wait3A_102 : memref<1x1x128xi32, #tpu.memory_space<vmem>> -> memref<128xi32, #tpu.memory_space<vmem>>
      %dma_wait3A_104 = arith.constant 0 : i32
      %dma_wait3A_105 = arith.constant 0 : i32
      %dma_wait3A_106 = tpu.memref_slice %arg22[%dma_wait3A_104, %dma_wait3A_105] : memref<10112x64xf32, #tpu.memory_space<vmem_shared>> -> memref<10112x64xf32, #tpu.memory_space<vmem_shared>>
      tpu.wait_indirect_dma semaphore(%arg14 : memref<!tpu.dma_semaphore, #tpu.memory_space<semaphore_mem>>) src(%dma_wait3A_106 : memref<10112x64xf32, #tpu.memory_space<vmem_shared>>) dst(%arg9 : memref<128x64xf32, #tpu.memory_space<vmem>>)
      %dma_start3A_107 = arith.constant 0 : i32
      %dma_start3A_108 = arith.constant 0 : i32
      %dma_start3A_109 = tpu.memref_slice %arg8[%rem3A_42, %dma_start3A_107, %dma_start3A_108] : memref<2x4x128xi32, #tpu.memory_space<vmem>> -> memref<1x1x128xi32, #tpu.memory_space<vmem>>
      %dma_start3A_110 = tpu.memref_squeeze %dma_start3A_109 : memref<1x1x128xi32, #tpu.memory_space<vmem>> -> memref<128xi32, #tpu.memory_space<vmem>>
      %dma_start3A_111 = arith.constant 0 : i32
      %dma_start3A_112 = arith.constant 0 : i32
      %dma_start3A_113 = tpu.memref_slice %arg23[%dma_start3A_111, %dma_start3A_112] : memref<10112x64xf32, #tpu.memory_space<vmem_shared>> -> memref<10112x64xf32, #tpu.memory_space<vmem_shared>>
      tpu.enqueue_indirect_dma source(%arg9 : memref<128x64xf32, #tpu.memory_space<vmem>>) target(%dma_start3A_113 : memref<10112x64xf32, #tpu.memory_space<vmem_shared>>) offsets(%dma_start3A_110 : memref<128xi32, #tpu.memory_space<vmem>>) semaphore(%arg18 : memref<!tpu.dma_semaphore, #tpu.memory_space<semaphore_mem>>) {add = true}
      %dma_wait3A_114 = arith.constant 1 : i32
      %dma_wait3A_115 = arith.constant 0 : i32
      %dma_wait3A_116 = tpu.memref_slice %arg7[%rem3A_42, %dma_wait3A_114, %dma_wait3A_115] : memref<2x4x128xi32, #tpu.memory_space<vmem>> -> memref<1x1x128xi32, #tpu.memory_space<vmem>>
      %dma_wait3A_117 = tpu.memref_squeeze %dma_wait3A_116 : memref<1x1x128xi32, #tpu.memory_space<vmem>> -> memref<128xi32, #tpu.memory_space<vmem>>
      %dma_wait3A_118 = arith.constant 0 : i32
      %dma_wait3A_119 = arith.constant 0 : i32
      %dma_wait3A_120 = tpu.memref_slice %arg22[%dma_wait3A_118, %dma_wait3A_119] : memref<10112x64xf32, #tpu.memory_space<vmem_shared>> -> memref<10112x64xf32, #tpu.memory_space<vmem_shared>>
      tpu.wait_indirect_dma semaphore(%arg15 : memref<!tpu.dma_semaphore, #tpu.memory_space<semaphore_mem>>) src(%dma_wait3A_120 : memref<10112x64xf32, #tpu.memory_space<vmem_shared>>) dst(%arg10 : memref<128x64xf32, #tpu.memory_space<vmem>>)
      %dma_start3A_121 = arith.constant 1 : i32
      %dma_start3A_122 = arith.constant 0 : i32
      %dma_start3A_123 = tpu.memref_slice %arg8[%rem3A_42, %dma_start3A_121, %dma_start3A_122] : memref<2x4x128xi32, #tpu.memory_space<vmem>> -> memref<1x1x128xi32, #tpu.memory_space<vmem>>
      %dma_start3A_124 = tpu.memref_squeeze %dma_start3A_123 : memref<1x1x128xi32, #tpu.memory_space<vmem>> -> memref<128xi32, #tpu.memory_space<vmem>>
      %dma_start3A_125 = arith.constant 0 : i32
      %dma_start3A_126 = arith.constant 0 : i32
      %dma_start3A_127 = tpu.memref_slice %arg23[%dma_start3A_125, %dma_start3A_126] : memref<10112x64xf32, #tpu.memory_space<vmem_shared>> -> memref<10112x64xf32, #tpu.memory_space<vmem_shared>>
      tpu.enqueue_indirect_dma source(%arg10 : memref<128x64xf32, #tpu.memory_space<vmem>>) target(%dma_start3A_127 : memref<10112x64xf32, #tpu.memory_space<vmem_shared>>) offsets(%dma_start3A_124 : memref<128xi32, #tpu.memory_space<vmem>>) semaphore(%arg19 : memref<!tpu.dma_semaphore, #tpu.memory_space<semaphore_mem>>) {add = true}
      %dma_wait3A_128 = arith.constant 2 : i32
      %dma_wait3A_129 = arith.constant 0 : i32
      %dma_wait3A_130 = tpu.memref_slice %arg7[%rem3A_42, %dma_wait3A_128, %dma_wait3A_129] : memref<2x4x128xi32, #tpu.memory_space<vmem>> -> memref<1x1x128xi32, #tpu.memory_space<vmem>>
      %dma_wait3A_131 = tpu.memref_squeeze %dma_wait3A_130 : memref<1x1x128xi32, #tpu.memory_space<vmem>> -> memref<128xi32, #tpu.memory_space<vmem>>
      %dma_wait3A_132 = arith.constant 0 : i32
      %dma_wait3A_133 = arith.constant 0 : i32
      %dma_wait3A_134 = tpu.memref_slice %arg22[%dma_wait3A_132, %dma_wait3A_133] : memref<10112x64xf32, #tpu.memory_space<vmem_shared>> -> memref<10112x64xf32, #tpu.memory_space<vmem_shared>>
      tpu.wait_indirect_dma semaphore(%arg16 : memref<!tpu.dma_semaphore, #tpu.memory_space<semaphore_mem>>) src(%dma_wait3A_134 : memref<10112x64xf32, #tpu.memory_space<vmem_shared>>) dst(%arg11 : memref<128x64xf32, #tpu.memory_space<vmem>>)
      %dma_start3A_135 = arith.constant 2 : i32
      %dma_start3A_136 = arith.constant 0 : i32
      %dma_start3A_137 = tpu.memref_slice %arg8[%rem3A_42, %dma_start3A_135, %dma_start3A_136] : memref<2x4x128xi32, #tpu.memory_space<vmem>> -> memref<1x1x128xi32, #tpu.memory_space<vmem>>
      %dma_start3A_138 = tpu.memref_squeeze %dma_start3A_137 : memref<1x1x128xi32, #tpu.memory_space<vmem>> -> memref<128xi32, #tpu.memory_space<vmem>>
      %dma_start3A_139 = arith.constant 0 : i32
      %dma_start3A_140 = arith.constant 0 : i32
      %dma_start3A_141 = tpu.memref_slice %arg23[%dma_start3A_139, %dma_start3A_140] : memref<10112x64xf32, #tpu.memory_space<vmem_shared>> -> memref<10112x64xf32, #tpu.memory_space<vmem_shared>>
      tpu.enqueue_indirect_dma source(%arg11 : memref<128x64xf32, #tpu.memory_space<vmem>>) target(%dma_start3A_141 : memref<10112x64xf32, #tpu.memory_space<vmem_shared>>) offsets(%dma_start3A_138 : memref<128xi32, #tpu.memory_space<vmem>>) semaphore(%arg20 : memref<!tpu.dma_semaphore, #tpu.memory_space<semaphore_mem>>) {add = true}
      %dma_wait3A_142 = arith.constant 3 : i32
      %dma_wait3A_143 = arith.constant 0 : i32
      %dma_wait3A_144 = tpu.memref_slice %arg7[%rem3A_42, %dma_wait3A_142, %dma_wait3A_143] : memref<2x4x128xi32, #tpu.memory_space<vmem>> -> memref<1x1x128xi32, #tpu.memory_space<vmem>>
      %dma_wait3A_145 = tpu.memref_squeeze %dma_wait3A_144 : memref<1x1x128xi32, #tpu.memory_space<vmem>> -> memref<128xi32, #tpu.memory_space<vmem>>
      %dma_wait3A_146 = arith.constant 0 : i32
      %dma_wait3A_147 = arith.constant 0 : i32
      %dma_wait3A_148 = tpu.memref_slice %arg22[%dma_wait3A_146, %dma_wait3A_147] : memref<10112x64xf32, #tpu.memory_space<vmem_shared>> -> memref<10112x64xf32, #tpu.memory_space<vmem_shared>>
      tpu.wait_indirect_dma semaphore(%arg17 : memref<!tpu.dma_semaphore, #tpu.memory_space<semaphore_mem>>) src(%dma_wait3A_148 : memref<10112x64xf32, #tpu.memory_space<vmem_shared>>) dst(%arg12 : memref<128x64xf32, #tpu.memory_space<vmem>>)
      %dma_start3A_149 = arith.constant 3 : i32
      %dma_start3A_150 = arith.constant 0 : i32
      %dma_start3A_151 = tpu.memref_slice %arg8[%rem3A_42, %dma_start3A_149, %dma_start3A_150] : memref<2x4x128xi32, #tpu.memory_space<vmem>> -> memref<1x1x128xi32, #tpu.memory_space<vmem>>
      %dma_start3A_152 = tpu.memref_squeeze %dma_start3A_151 : memref<1x1x128xi32, #tpu.memory_space<vmem>> -> memref<128xi32, #tpu.memory_space<vmem>>
      %dma_start3A_153 = arith.constant 0 : i32
      %dma_start3A_154 = arith.constant 0 : i32
      %dma_start3A_155 = tpu.memref_slice %arg23[%dma_start3A_153, %dma_start3A_154] : memref<10112x64xf32, #tpu.memory_space<vmem_shared>> -> memref<10112x64xf32, #tpu.memory_space<vmem_shared>>
      tpu.enqueue_indirect_dma source(%arg12 : memref<128x64xf32, #tpu.memory_space<vmem>>) target(%dma_start3A_155 : memref<10112x64xf32, #tpu.memory_space<vmem_shared>>) offsets(%dma_start3A_152 : memref<128xi32, #tpu.memory_space<vmem>>) semaphore(%arg21 : memref<!tpu.dma_semaphore, #tpu.memory_space<semaphore_mem>>) {add = true}
      %dma_wait3A_156 = arith.constant 0 : i32
      %dma_wait3A_157 = arith.constant 0 : i32
      %dma_wait3A_158 = tpu.memref_slice %arg8[%rem3A_42, %dma_wait3A_156, %dma_wait3A_157] : memref<2x4x128xi32, #tpu.memory_space<vmem>> -> memref<1x1x128xi32, #tpu.memory_space<vmem>>
      %dma_wait3A_159 = tpu.memref_squeeze %dma_wait3A_158 : memref<1x1x128xi32, #tpu.memory_space<vmem>> -> memref<128xi32, #tpu.memory_space<vmem>>
      %dma_wait3A_160 = arith.constant 0 : i32
      %dma_wait3A_161 = arith.constant 0 : i32
      %dma_wait3A_162 = tpu.memref_slice %arg23[%dma_wait3A_160, %dma_wait3A_161] : memref<10112x64xf32, #tpu.memory_space<vmem_shared>> -> memref<10112x64xf32, #tpu.memory_space<vmem_shared>>
      tpu.wait_indirect_dma semaphore(%arg18 : memref<!tpu.dma_semaphore, #tpu.memory_space<semaphore_mem>>) src(%arg9 : memref<128x64xf32, #tpu.memory_space<vmem>>) dst(%dma_wait3A_162 : memref<10112x64xf32, #tpu.memory_space<vmem_shared>>)
      %dma_wait3A_163 = arith.constant 1 : i32
      %dma_wait3A_164 = arith.constant 0 : i32
      %dma_wait3A_165 = tpu.memref_slice %arg8[%rem3A_42, %dma_wait3A_163, %dma_wait3A_164] : memref<2x4x128xi32, #tpu.memory_space<vmem>> -> memref<1x1x128xi32, #tpu.memory_space<vmem>>
      %dma_wait3A_166 = tpu.memref_squeeze %dma_wait3A_165 : memref<1x1x128xi32, #tpu.memory_space<vmem>> -> memref<128xi32, #tpu.memory_space<vmem>>
      %dma_wait3A_167 = arith.constant 0 : i32
      %dma_wait3A_168 = arith.constant 0 : i32
      %dma_wait3A_169 = tpu.memref_slice %arg23[%dma_wait3A_167, %dma_wait3A_168] : memref<10112x64xf32, #tpu.memory_space<vmem_shared>> -> memref<10112x64xf32, #tpu.memory_space<vmem_shared>>
      tpu.wait_indirect_dma semaphore(%arg19 : memref<!tpu.dma_semaphore, #tpu.memory_space<semaphore_mem>>) src(%arg10 : memref<128x64xf32, #tpu.memory_space<vmem>>) dst(%dma_wait3A_169 : memref<10112x64xf32, #tpu.memory_space<vmem_shared>>)
      %dma_wait3A_170 = arith.constant 2 : i32
      %dma_wait3A_171 = arith.constant 0 : i32
      %dma_wait3A_172 = tpu.memref_slice %arg8[%rem3A_42, %dma_wait3A_170, %dma_wait3A_171] : memref<2x4x128xi32, #tpu.memory_space<vmem>> -> memref<1x1x128xi32, #tpu.memory_space<vmem>>
      %dma_wait3A_173 = tpu.memref_squeeze %dma_wait3A_172 : memref<1x1x128xi32, #tpu.memory_space<vmem>> -> memref<128xi32, #tpu.memory_space<vmem>>
      %dma_wait3A_174 = arith.constant 0 : i32
      %dma_wait3A_175 = arith.constant 0 : i32
      %dma_wait3A_176 = tpu.memref_slice %arg23[%dma_wait3A_174, %dma_wait3A_175] : memref<10112x64xf32, #tpu.memory_space<vmem_shared>> -> memref<10112x64xf32, #tpu.memory_space<vmem_shared>>
      tpu.wait_indirect_dma semaphore(%arg20 : memref<!tpu.dma_semaphore, #tpu.memory_space<semaphore_mem>>) src(%arg11 : memref<128x64xf32, #tpu.memory_space<vmem>>) dst(%dma_wait3A_176 : memref<10112x64xf32, #tpu.memory_space<vmem_shared>>)
      %dma_wait3A_177 = arith.constant 3 : i32
      %dma_wait3A_178 = arith.constant 0 : i32
      %dma_wait3A_179 = tpu.memref_slice %arg8[%rem3A_42, %dma_wait3A_177, %dma_wait3A_178] : memref<2x4x128xi32, #tpu.memory_space<vmem>> -> memref<1x1x128xi32, #tpu.memory_space<vmem>>
      %dma_wait3A_180 = tpu.memref_squeeze %dma_wait3A_179 : memref<1x1x128xi32, #tpu.memory_space<vmem>> -> memref<128xi32, #tpu.memory_space<vmem>>
      %dma_wait3A_181 = arith.constant 0 : i32
      %dma_wait3A_182 = arith.constant 0 : i32
      %dma_wait3A_183 = tpu.memref_slice %arg23[%dma_wait3A_181, %dma_wait3A_182] : memref<10112x64xf32, #tpu.memory_space<vmem_shared>> -> memref<10112x64xf32, #tpu.memory_space<vmem_shared>>
      tpu.wait_indirect_dma semaphore(%arg21 : memref<!tpu.dma_semaphore, #tpu.memory_space<semaphore_mem>>) src(%arg12 : memref<128x64xf32, #tpu.memory_space<vmem>>) dst(%dma_wait3A_183 : memref<10112x64xf32, #tpu.memory_space<vmem_shared>>)
      %dma_wait3A_184 = arith.constant 0 : i32
      %dma_wait3A_185 = arith.constant 0 : i32
      %dma_wait3A_186 = tpu.memref_slice %arg7[%sub3A_44, %dma_wait3A_184, %dma_wait3A_185] : memref<2x4x128xi32, #tpu.memory_space<vmem>> -> memref<1x4x128xi32, #tpu.memory_space<vmem>>
      %dma_wait3A_187 = tpu.memref_squeeze %dma_wait3A_186 : memref<1x4x128xi32, #tpu.memory_space<vmem>> -> memref<4x128xi32, #tpu.memory_space<vmem>>
      %dma_wait3A_188 = arith.constant 0 : i32
      %dma_wait3A_189 = tpu.memref_slice %arg3[%add3A_49, %dma_wait3A_188] : memref<2568x128xi32, #tpu.memory_space<hbm>> -> memref<4x128xi32, #tpu.memory_space<hbm>>
      %dma_wait3A_190 = arith.constant 0 : i32
      %dma_wait3A_191 = arith.constant 0 : i32
      %dma_wait3A_192 = tpu.memref_slice %arg7[%sub3A_44, %dma_wait3A_190, %dma_wait3A_191] : memref<2x4x128xi32, #tpu.memory_space<vmem>> -> memref<1x4x128xi32, #tpu.memory_space<vmem>>
      %dma_wait3A_193 = tpu.memref_squeeze %dma_wait3A_192 : memref<1x4x128xi32, #tpu.memory_space<vmem>> -> memref<4x128xi32, #tpu.memory_space<vmem>>
      %dma_wait3A_194 = arith.constant 0 : i32
      %dma_wait3A_195 = tpu.memref_slice %arg3[%add3A_49, %dma_wait3A_194] : memref<2568x128xi32, #tpu.memory_space<hbm>> -> memref<4x128xi32, #tpu.memory_space<hbm>>
      tpu.wait_dma2 semaphore(%arg13 : memref<!tpu.dma_semaphore, #tpu.memory_space<semaphore_mem>>) src(%dma_wait3A_195 : memref<4x128xi32, #tpu.memory_space<hbm>>) dst(%dma_wait3A_193 : memref<4x128xi32, #tpu.memory_space<vmem>>)
      %dma_wait3A_196 = arith.constant 0 : i32
      %dma_wait3A_197 = arith.constant 0 : i32
      %dma_wait3A_198 = tpu.memref_slice %arg8[%sub3A_44, %dma_wait3A_196, %dma_wait3A_197] : memref<2x4x128xi32, #tpu.memory_space<vmem>> -> memref<1x4x128xi32, #tpu.memory_space<vmem>>
      %dma_wait3A_199 = tpu.memref_squeeze %dma_wait3A_198 : memref<1x4x128xi32, #tpu.memory_space<vmem>> -> memref<4x128xi32, #tpu.memory_space<vmem>>
      %dma_wait3A_200 = arith.constant 0 : i32
      %dma_wait3A_201 = tpu.memref_slice %arg4[%add3A_49, %dma_wait3A_200] : memref<2568x128xi32, #tpu.memory_space<hbm>> -> memref<4x128xi32, #tpu.memory_space<hbm>>
      %dma_wait3A_202 = arith.constant 0 : i32
      %dma_wait3A_203 = arith.constant 0 : i32
      %dma_wait3A_204 = tpu.memref_slice %arg8[%sub3A_44, %dma_wait3A_202, %dma_wait3A_203] : memref<2x4x128xi32, #tpu.memory_space<vmem>> -> memref<1x4x128xi32, #tpu.memory_space<vmem>>
      %dma_wait3A_205 = tpu.memref_squeeze %dma_wait3A_204 : memref<1x4x128xi32, #tpu.memory_space<vmem>> -> memref<4x128xi32, #tpu.memory_space<vmem>>
      %dma_wait3A_206 = arith.constant 0 : i32
      %dma_wait3A_207 = tpu.memref_slice %arg4[%add3A_49, %dma_wait3A_206] : memref<2568x128xi32, #tpu.memory_space<hbm>> -> memref<4x128xi32, #tpu.memory_space<hbm>>
      tpu.wait_dma2 semaphore(%arg13 : memref<!tpu.dma_semaphore, #tpu.memory_space<semaphore_mem>>) src(%dma_wait3A_207 : memref<4x128xi32, #tpu.memory_space<hbm>>) dst(%dma_wait3A_205 : memref<4x128xi32, #tpu.memory_space<vmem>>)
    }
    %barrier3A_34 = arith.constant 0 : index
    tpu.barrier barrier_id(%barrier3A_34)
    %mul3A_35 = arith.constant 632 : i32
    %mul3A_36 = arith.muli %arg1, %mul3A_35 : i32
    %mul3A_37 = arith.constant 632 : i32
    %mul3A_38 = arith.muli %arg1, %mul3A_37 : i32
    "tpu.region"() ({
      %run_scoped3A_39 = tpu.sem_alloc : memref<!tpu.dma_semaphore, #tpu.memory_space<semaphore_mem>>
      %dma_start3A = arith.constant 0 : i32
      %dma_start3A_40 = arith.constant 0 : i32
      %dma_start3A_41 = tpu.memref_slice %arg6[%arg0, %dma_start3A, %dma_start3A_40] : memref<2x10112x64xf32, #tpu.memory_space<hbm>> -> memref<1x10112x64xf32, #tpu.memory_space<hbm>>
      %dma_start3A_42 = tpu.memref_squeeze %dma_start3A_41 : memref<1x10112x64xf32, #tpu.memory_space<hbm>> -> memref<10112x64xf32, #tpu.memory_space<hbm>>
      %dma_start3A_43 = arith.constant 0 : i32
      %dma_start3A_44 = tpu.memref_slice %dma_start3A_42[%mul3A_38, %dma_start3A_43] : memref<10112x64xf32, #tpu.memory_space<hbm>> -> memref<632x64xf32, #tpu.memory_space<hbm>>
      %dma_start3A_45 = arith.constant 0 : i32
      %dma_start3A_46 = tpu.memref_slice %arg23[%mul3A_36, %dma_start3A_45] : memref<10112x64xf32, #tpu.memory_space<vmem_shared>> -> memref<632x64xf32, #tpu.memory_space<vmem_shared>>
      tpu.enqueue_dma source(%dma_start3A_46 : memref<632x64xf32, #tpu.memory_space<vmem_shared>>) target(%dma_start3A_44 : memref<632x64xf32, #tpu.memory_space<hbm>>) target_semaphore(%run_scoped3A_39 : memref<!tpu.dma_semaphore, #tpu.memory_space<semaphore_mem>>)
      %dma_wait3A = arith.constant 0 : i32
      %dma_wait3A_47 = arith.constant 0 : i32
      %dma_wait3A_48 = tpu.memref_slice %arg6[%arg0, %dma_wait3A, %dma_wait3A_47] : memref<2x10112x64xf32, #tpu.memory_space<hbm>> -> memref<1x10112x64xf32, #tpu.memory_space<hbm>>
      %dma_wait3A_49 = tpu.memref_squeeze %dma_wait3A_48 : memref<1x10112x64xf32, #tpu.memory_space<hbm>> -> memref<10112x64xf32, #tpu.memory_space<hbm>>
      %dma_wait3A_50 = arith.constant 0 : i32
      %dma_wait3A_51 = tpu.memref_slice %dma_wait3A_49[%mul3A_38, %dma_wait3A_50] : memref<10112x64xf32, #tpu.memory_space<hbm>> -> memref<632x64xf32, #tpu.memory_space<hbm>>
      %dma_wait3A_52 = arith.constant 0 : i32
      %dma_wait3A_53 = tpu.memref_slice %arg23[%mul3A_36, %dma_wait3A_52] : memref<10112x64xf32, #tpu.memory_space<vmem_shared>> -> memref<632x64xf32, #tpu.memory_space<vmem_shared>>
      tpu.wait_dma2 semaphore(%run_scoped3A_39 : memref<!tpu.dma_semaphore, #tpu.memory_space<semaphore_mem>>) src(%dma_wait3A_53 : memref<632x64xf32, #tpu.memory_space<vmem_shared>>) dst(%dma_wait3A_51 : memref<632x64xf32, #tpu.memory_space<hbm>>)
      tpu.yield
    }) : () -> ()
    return
  }
}

#map = affine_map<(d0, d1) -> (0, 0)>
#map1 = affine_map<(d0, d1) -> (0, 0, 0)>
module attributes {stable_mosaic.version = 14 : i64} {
  func.func @count_kernel(%arg0: i32, %arg1: i32, %arg2: memref<2568x128xi32, #tpu.memory_space<hbm>>, %arg3: memref<128x16xf32, #tpu.memory_space<hbm>>, %arg4: memref<10112x16xf32, #tpu.memory_space<hbm>>, %arg5: memref<2x10112x16xf32, #tpu.memory_space<hbm>>, %arg6: memref<80x128xi32, #tpu.memory_space<vmem>>, %arg7: memref<128x16xf32, #tpu.memory_space<vmem>>, %arg8: memref<!tpu.dma_semaphore, #tpu.memory_space<semaphore_mem>>, %arg9: memref<!tpu.dma_semaphore, #tpu.memory_space<semaphore_mem>>, %arg10: memref<!tpu.dma_semaphore, #tpu.memory_space<semaphore_mem>>, %arg11: memref<!tpu.dma_semaphore, #tpu.memory_space<semaphore_mem>>, %arg12: memref<!tpu.dma_semaphore, #tpu.memory_space<semaphore_mem>>, %arg13: memref<!tpu.dma_semaphore, #tpu.memory_space<semaphore_mem>>, %arg14: memref<!tpu.dma_semaphore, #tpu.memory_space<semaphore_mem>>, %arg15: memref<!tpu.dma_semaphore, #tpu.memory_space<semaphore_mem>>, %arg16: memref<10112x16xf32, #tpu.memory_space<vmem_shared>>) attributes {dimension_semantics = [#tpu.dimension_semantics<core_parallel>, #tpu.dimension_semantics<subcore_parallel>], iteration_bounds = array<i64: 2, 16>, scalar_prefetch = 0 : i64, scratch_operands = 11 : i64, tpu.core_type = #tpu.core_type<sc_vector_subcore>, window_params = [{transform_indices = #map}, {transform_indices = #map}, {transform_indices = #map}, {transform_indices = #map1}]} {
    %mul3A = arith.constant 16 : i32
    %mul3A_0 = arith.muli %arg0, %mul3A : i32
    %add3A = arith.addi %mul3A_0, %arg1 : i32
    "tpu.region"() ({
      %run_scoped3A = tpu.sem_alloc : memref<!tpu.dma_semaphore, #tpu.memory_space<semaphore_mem>>
      tpu.enqueue_dma source(%arg3 : memref<128x16xf32, #tpu.memory_space<hbm>>) target(%arg7 : memref<128x16xf32, #tpu.memory_space<vmem>>) target_semaphore(%run_scoped3A : memref<!tpu.dma_semaphore, #tpu.memory_space<semaphore_mem>>)
      tpu.wait_dma2 semaphore(%run_scoped3A : memref<!tpu.dma_semaphore, #tpu.memory_space<semaphore_mem>>) src(%arg3 : memref<128x16xf32, #tpu.memory_space<hbm>>) dst(%arg7 : memref<128x16xf32, #tpu.memory_space<vmem>>)
      tpu.yield
    }) : () -> ()
    %mul3A_1 = arith.constant 80 : i32
    %mul3A_2 = arith.muli %add3A, %mul3A_1 : i32
    "tpu.region"() ({
      %run_scoped3A = tpu.sem_alloc : memref<!tpu.dma_semaphore, #tpu.memory_space<semaphore_mem>>
      %dma_start3A = arith.constant 0 : i32
      %dma_start3A_16 = tpu.memref_slice %arg2[%mul3A_2, %dma_start3A] : memref<2568x128xi32, #tpu.memory_space<hbm>> -> memref<80x128xi32, #tpu.memory_space<hbm>>
      %dma_start3A_17 = arith.constant 0 : i32
      %dma_start3A_18 = tpu.memref_slice %arg2[%mul3A_2, %dma_start3A_17] : memref<2568x128xi32, #tpu.memory_space<hbm>> -> memref<80x128xi32, #tpu.memory_space<hbm>>
      tpu.enqueue_dma source(%dma_start3A_18 : memref<80x128xi32, #tpu.memory_space<hbm>>) target(%arg6 : memref<80x128xi32, #tpu.memory_space<vmem>>) target_semaphore(%run_scoped3A : memref<!tpu.dma_semaphore, #tpu.memory_space<semaphore_mem>>)
      %dma_wait3A = arith.constant 0 : i32
      %dma_wait3A_19 = tpu.memref_slice %arg2[%mul3A_2, %dma_wait3A] : memref<2568x128xi32, #tpu.memory_space<hbm>> -> memref<80x128xi32, #tpu.memory_space<hbm>>
      %dma_wait3A_20 = arith.constant 0 : i32
      %dma_wait3A_21 = tpu.memref_slice %arg2[%mul3A_2, %dma_wait3A_20] : memref<2568x128xi32, #tpu.memory_space<hbm>> -> memref<80x128xi32, #tpu.memory_space<hbm>>
      tpu.wait_dma2 semaphore(%run_scoped3A : memref<!tpu.dma_semaphore, #tpu.memory_space<semaphore_mem>>) src(%dma_wait3A_21 : memref<80x128xi32, #tpu.memory_space<hbm>>) dst(%arg6 : memref<80x128xi32, #tpu.memory_space<vmem>>)
      tpu.yield
    }) : () -> ()
    %mul3A_3 = arith.constant 632 : i32
    %mul3A_4 = arith.muli %arg1, %mul3A_3 : i32
    %mul3A_5 = arith.constant 632 : i32
    %mul3A_6 = arith.muli %arg1, %mul3A_5 : i32
    "tpu.region"() ({
      %run_scoped3A = tpu.sem_alloc : memref<!tpu.dma_semaphore, #tpu.memory_space<semaphore_mem>>
      %dma_start3A = arith.constant 0 : i32
      %dma_start3A_16 = tpu.memref_slice %arg16[%mul3A_6, %dma_start3A] : memref<10112x16xf32, #tpu.memory_space<vmem_shared>> -> memref<632x16xf32, #tpu.memory_space<vmem_shared>>
      %dma_start3A_17 = arith.constant 0 : i32
      %dma_start3A_18 = tpu.memref_slice %arg4[%mul3A_4, %dma_start3A_17] : memref<10112x16xf32, #tpu.memory_space<hbm>> -> memref<632x16xf32, #tpu.memory_space<hbm>>
      tpu.enqueue_dma source(%dma_start3A_18 : memref<632x16xf32, #tpu.memory_space<hbm>>) target(%dma_start3A_16 : memref<632x16xf32, #tpu.memory_space<vmem_shared>>) target_semaphore(%run_scoped3A : memref<!tpu.dma_semaphore, #tpu.memory_space<semaphore_mem>>)
      %dma_wait3A = arith.constant 0 : i32
      %dma_wait3A_19 = tpu.memref_slice %arg16[%mul3A_6, %dma_wait3A] : memref<10112x16xf32, #tpu.memory_space<vmem_shared>> -> memref<632x16xf32, #tpu.memory_space<vmem_shared>>
      %dma_wait3A_20 = arith.constant 0 : i32
      %dma_wait3A_21 = tpu.memref_slice %arg4[%mul3A_4, %dma_wait3A_20] : memref<10112x16xf32, #tpu.memory_space<hbm>> -> memref<632x16xf32, #tpu.memory_space<hbm>>
      tpu.wait_dma2 semaphore(%run_scoped3A : memref<!tpu.dma_semaphore, #tpu.memory_space<semaphore_mem>>) src(%dma_wait3A_21 : memref<632x16xf32, #tpu.memory_space<hbm>>) dst(%dma_wait3A_19 : memref<632x16xf32, #tpu.memory_space<vmem_shared>>)
      tpu.yield
    }) : () -> ()
    %barrier3A = arith.constant 0 : index
    tpu.barrier barrier_id(%barrier3A)
    %scan3A = arith.constant 0 : i32
    %scan3A_7 = arith.constant 10 : i32
    %scan3A_8 = arith.addi %scan3A, %scan3A_7 : i32
    %scan3A_9 = arith.constant 1 : i32
    scf.for %scan3A_16 = %scan3A to %scan3A_8 step %scan3A_9  : i32 {
      %mul3A_17 = arith.constant 8 : i32
      %mul3A_18 = arith.muli %scan3A_16, %mul3A_17 : i32
      %add3A_19 = arith.constant 0 : i32
      %add3A_20 = arith.addi %add3A_19, %mul3A_18 : i32
      %add3A_21 = arith.constant 0 : i32
      %add3A_22 = arith.addi %add3A_20, %add3A_21 : i32
      %dma_start3A = arith.constant 0 : i32
      %dma_start3A_23 = tpu.memref_slice %arg6[%add3A_22, %dma_start3A] : memref<80x128xi32, #tpu.memory_space<vmem>> -> memref<1x128xi32, #tpu.memory_space<vmem>>
      %dma_start3A_24 = tpu.memref_squeeze %dma_start3A_23 : memref<1x128xi32, #tpu.memory_space<vmem>> -> memref<128xi32, #tpu.memory_space<vmem>>
      %dma_start3A_25 = arith.constant 0 : i32
      %dma_start3A_26 = arith.constant 0 : i32
      %dma_start3A_27 = tpu.memref_slice %arg16[%dma_start3A_25, %dma_start3A_26] : memref<10112x16xf32, #tpu.memory_space<vmem_shared>> -> memref<10112x16xf32, #tpu.memory_space<vmem_shared>>
      tpu.enqueue_indirect_dma source(%arg7 : memref<128x16xf32, #tpu.memory_space<vmem>>) target(%dma_start3A_27 : memref<10112x16xf32, #tpu.memory_space<vmem_shared>>) offsets(%dma_start3A_24 : memref<128xi32, #tpu.memory_space<vmem>>) semaphore(%arg8 : memref<!tpu.dma_semaphore, #tpu.memory_space<semaphore_mem>>) {add = true}
      %add3A_28 = arith.constant 1 : i32
      %add3A_29 = arith.addi %add3A_20, %add3A_28 : i32
      %dma_start3A_30 = arith.constant 0 : i32
      %dma_start3A_31 = tpu.memref_slice %arg6[%add3A_29, %dma_start3A_30] : memref<80x128xi32, #tpu.memory_space<vmem>> -> memref<1x128xi32, #tpu.memory_space<vmem>>
      %dma_start3A_32 = tpu.memref_squeeze %dma_start3A_31 : memref<1x128xi32, #tpu.memory_space<vmem>> -> memref<128xi32, #tpu.memory_space<vmem>>
      %dma_start3A_33 = arith.constant 0 : i32
      %dma_start3A_34 = arith.constant 0 : i32
      %dma_start3A_35 = tpu.memref_slice %arg16[%dma_start3A_33, %dma_start3A_34] : memref<10112x16xf32, #tpu.memory_space<vmem_shared>> -> memref<10112x16xf32, #tpu.memory_space<vmem_shared>>
      tpu.enqueue_indirect_dma source(%arg7 : memref<128x16xf32, #tpu.memory_space<vmem>>) target(%dma_start3A_35 : memref<10112x16xf32, #tpu.memory_space<vmem_shared>>) offsets(%dma_start3A_32 : memref<128xi32, #tpu.memory_space<vmem>>) semaphore(%arg9 : memref<!tpu.dma_semaphore, #tpu.memory_space<semaphore_mem>>) {add = true}
      %add3A_36 = arith.constant 2 : i32
      %add3A_37 = arith.addi %add3A_20, %add3A_36 : i32
      %dma_start3A_38 = arith.constant 0 : i32
      %dma_start3A_39 = tpu.memref_slice %arg6[%add3A_37, %dma_start3A_38] : memref<80x128xi32, #tpu.memory_space<vmem>> -> memref<1x128xi32, #tpu.memory_space<vmem>>
      %dma_start3A_40 = tpu.memref_squeeze %dma_start3A_39 : memref<1x128xi32, #tpu.memory_space<vmem>> -> memref<128xi32, #tpu.memory_space<vmem>>
      %dma_start3A_41 = arith.constant 0 : i32
      %dma_start3A_42 = arith.constant 0 : i32
      %dma_start3A_43 = tpu.memref_slice %arg16[%dma_start3A_41, %dma_start3A_42] : memref<10112x16xf32, #tpu.memory_space<vmem_shared>> -> memref<10112x16xf32, #tpu.memory_space<vmem_shared>>
      tpu.enqueue_indirect_dma source(%arg7 : memref<128x16xf32, #tpu.memory_space<vmem>>) target(%dma_start3A_43 : memref<10112x16xf32, #tpu.memory_space<vmem_shared>>) offsets(%dma_start3A_40 : memref<128xi32, #tpu.memory_space<vmem>>) semaphore(%arg10 : memref<!tpu.dma_semaphore, #tpu.memory_space<semaphore_mem>>) {add = true}
      %add3A_44 = arith.constant 3 : i32
      %add3A_45 = arith.addi %add3A_20, %add3A_44 : i32
      %dma_start3A_46 = arith.constant 0 : i32
      %dma_start3A_47 = tpu.memref_slice %arg6[%add3A_45, %dma_start3A_46] : memref<80x128xi32, #tpu.memory_space<vmem>> -> memref<1x128xi32, #tpu.memory_space<vmem>>
      %dma_start3A_48 = tpu.memref_squeeze %dma_start3A_47 : memref<1x128xi32, #tpu.memory_space<vmem>> -> memref<128xi32, #tpu.memory_space<vmem>>
      %dma_start3A_49 = arith.constant 0 : i32
      %dma_start3A_50 = arith.constant 0 : i32
      %dma_start3A_51 = tpu.memref_slice %arg16[%dma_start3A_49, %dma_start3A_50] : memref<10112x16xf32, #tpu.memory_space<vmem_shared>> -> memref<10112x16xf32, #tpu.memory_space<vmem_shared>>
      tpu.enqueue_indirect_dma source(%arg7 : memref<128x16xf32, #tpu.memory_space<vmem>>) target(%dma_start3A_51 : memref<10112x16xf32, #tpu.memory_space<vmem_shared>>) offsets(%dma_start3A_48 : memref<128xi32, #tpu.memory_space<vmem>>) semaphore(%arg11 : memref<!tpu.dma_semaphore, #tpu.memory_space<semaphore_mem>>) {add = true}
      %add3A_52 = arith.constant 4 : i32
      %add3A_53 = arith.addi %add3A_20, %add3A_52 : i32
      %dma_start3A_54 = arith.constant 0 : i32
      %dma_start3A_55 = tpu.memref_slice %arg6[%add3A_53, %dma_start3A_54] : memref<80x128xi32, #tpu.memory_space<vmem>> -> memref<1x128xi32, #tpu.memory_space<vmem>>
      %dma_start3A_56 = tpu.memref_squeeze %dma_start3A_55 : memref<1x128xi32, #tpu.memory_space<vmem>> -> memref<128xi32, #tpu.memory_space<vmem>>
      %dma_start3A_57 = arith.constant 0 : i32
      %dma_start3A_58 = arith.constant 0 : i32
      %dma_start3A_59 = tpu.memref_slice %arg16[%dma_start3A_57, %dma_start3A_58] : memref<10112x16xf32, #tpu.memory_space<vmem_shared>> -> memref<10112x16xf32, #tpu.memory_space<vmem_shared>>
      tpu.enqueue_indirect_dma source(%arg7 : memref<128x16xf32, #tpu.memory_space<vmem>>) target(%dma_start3A_59 : memref<10112x16xf32, #tpu.memory_space<vmem_shared>>) offsets(%dma_start3A_56 : memref<128xi32, #tpu.memory_space<vmem>>) semaphore(%arg12 : memref<!tpu.dma_semaphore, #tpu.memory_space<semaphore_mem>>) {add = true}
      %add3A_60 = arith.constant 5 : i32
      %add3A_61 = arith.addi %add3A_20, %add3A_60 : i32
      %dma_start3A_62 = arith.constant 0 : i32
      %dma_start3A_63 = tpu.memref_slice %arg6[%add3A_61, %dma_start3A_62] : memref<80x128xi32, #tpu.memory_space<vmem>> -> memref<1x128xi32, #tpu.memory_space<vmem>>
      %dma_start3A_64 = tpu.memref_squeeze %dma_start3A_63 : memref<1x128xi32, #tpu.memory_space<vmem>> -> memref<128xi32, #tpu.memory_space<vmem>>
      %dma_start3A_65 = arith.constant 0 : i32
      %dma_start3A_66 = arith.constant 0 : i32
      %dma_start3A_67 = tpu.memref_slice %arg16[%dma_start3A_65, %dma_start3A_66] : memref<10112x16xf32, #tpu.memory_space<vmem_shared>> -> memref<10112x16xf32, #tpu.memory_space<vmem_shared>>
      tpu.enqueue_indirect_dma source(%arg7 : memref<128x16xf32, #tpu.memory_space<vmem>>) target(%dma_start3A_67 : memref<10112x16xf32, #tpu.memory_space<vmem_shared>>) offsets(%dma_start3A_64 : memref<128xi32, #tpu.memory_space<vmem>>) semaphore(%arg13 : memref<!tpu.dma_semaphore, #tpu.memory_space<semaphore_mem>>) {add = true}
      %add3A_68 = arith.constant 6 : i32
      %add3A_69 = arith.addi %add3A_20, %add3A_68 : i32
      %dma_start3A_70 = arith.constant 0 : i32
      %dma_start3A_71 = tpu.memref_slice %arg6[%add3A_69, %dma_start3A_70] : memref<80x128xi32, #tpu.memory_space<vmem>> -> memref<1x128xi32, #tpu.memory_space<vmem>>
      %dma_start3A_72 = tpu.memref_squeeze %dma_start3A_71 : memref<1x128xi32, #tpu.memory_space<vmem>> -> memref<128xi32, #tpu.memory_space<vmem>>
      %dma_start3A_73 = arith.constant 0 : i32
      %dma_start3A_74 = arith.constant 0 : i32
      %dma_start3A_75 = tpu.memref_slice %arg16[%dma_start3A_73, %dma_start3A_74] : memref<10112x16xf32, #tpu.memory_space<vmem_shared>> -> memref<10112x16xf32, #tpu.memory_space<vmem_shared>>
      tpu.enqueue_indirect_dma source(%arg7 : memref<128x16xf32, #tpu.memory_space<vmem>>) target(%dma_start3A_75 : memref<10112x16xf32, #tpu.memory_space<vmem_shared>>) offsets(%dma_start3A_72 : memref<128xi32, #tpu.memory_space<vmem>>) semaphore(%arg14 : memref<!tpu.dma_semaphore, #tpu.memory_space<semaphore_mem>>) {add = true}
      %add3A_76 = arith.constant 7 : i32
      %add3A_77 = arith.addi %add3A_20, %add3A_76 : i32
      %dma_start3A_78 = arith.constant 0 : i32
      %dma_start3A_79 = tpu.memref_slice %arg6[%add3A_77, %dma_start3A_78] : memref<80x128xi32, #tpu.memory_space<vmem>> -> memref<1x128xi32, #tpu.memory_space<vmem>>
      %dma_start3A_80 = tpu.memref_squeeze %dma_start3A_79 : memref<1x128xi32, #tpu.memory_space<vmem>> -> memref<128xi32, #tpu.memory_space<vmem>>
      %dma_start3A_81 = arith.constant 0 : i32
      %dma_start3A_82 = arith.constant 0 : i32
      %dma_start3A_83 = tpu.memref_slice %arg16[%dma_start3A_81, %dma_start3A_82] : memref<10112x16xf32, #tpu.memory_space<vmem_shared>> -> memref<10112x16xf32, #tpu.memory_space<vmem_shared>>
      tpu.enqueue_indirect_dma source(%arg7 : memref<128x16xf32, #tpu.memory_space<vmem>>) target(%dma_start3A_83 : memref<10112x16xf32, #tpu.memory_space<vmem_shared>>) offsets(%dma_start3A_80 : memref<128xi32, #tpu.memory_space<vmem>>) semaphore(%arg15 : memref<!tpu.dma_semaphore, #tpu.memory_space<semaphore_mem>>) {add = true}
      %dma_wait3A = arith.constant 0 : i32
      %dma_wait3A_84 = tpu.memref_slice %arg6[%add3A_22, %dma_wait3A] : memref<80x128xi32, #tpu.memory_space<vmem>> -> memref<1x128xi32, #tpu.memory_space<vmem>>
      %dma_wait3A_85 = tpu.memref_squeeze %dma_wait3A_84 : memref<1x128xi32, #tpu.memory_space<vmem>> -> memref<128xi32, #tpu.memory_space<vmem>>
      %dma_wait3A_86 = arith.constant 0 : i32
      %dma_wait3A_87 = arith.constant 0 : i32
      %dma_wait3A_88 = tpu.memref_slice %arg16[%dma_wait3A_86, %dma_wait3A_87] : memref<10112x16xf32, #tpu.memory_space<vmem_shared>> -> memref<10112x16xf32, #tpu.memory_space<vmem_shared>>
      tpu.wait_indirect_dma semaphore(%arg8 : memref<!tpu.dma_semaphore, #tpu.memory_space<semaphore_mem>>) src(%arg7 : memref<128x16xf32, #tpu.memory_space<vmem>>) dst(%dma_wait3A_88 : memref<10112x16xf32, #tpu.memory_space<vmem_shared>>)
      %dma_wait3A_89 = arith.constant 0 : i32
      %dma_wait3A_90 = tpu.memref_slice %arg6[%add3A_29, %dma_wait3A_89] : memref<80x128xi32, #tpu.memory_space<vmem>> -> memref<1x128xi32, #tpu.memory_space<vmem>>
      %dma_wait3A_91 = tpu.memref_squeeze %dma_wait3A_90 : memref<1x128xi32, #tpu.memory_space<vmem>> -> memref<128xi32, #tpu.memory_space<vmem>>
      %dma_wait3A_92 = arith.constant 0 : i32
      %dma_wait3A_93 = arith.constant 0 : i32
      %dma_wait3A_94 = tpu.memref_slice %arg16[%dma_wait3A_92, %dma_wait3A_93] : memref<10112x16xf32, #tpu.memory_space<vmem_shared>> -> memref<10112x16xf32, #tpu.memory_space<vmem_shared>>
      tpu.wait_indirect_dma semaphore(%arg9 : memref<!tpu.dma_semaphore, #tpu.memory_space<semaphore_mem>>) src(%arg7 : memref<128x16xf32, #tpu.memory_space<vmem>>) dst(%dma_wait3A_94 : memref<10112x16xf32, #tpu.memory_space<vmem_shared>>)
      %dma_wait3A_95 = arith.constant 0 : i32
      %dma_wait3A_96 = tpu.memref_slice %arg6[%add3A_37, %dma_wait3A_95] : memref<80x128xi32, #tpu.memory_space<vmem>> -> memref<1x128xi32, #tpu.memory_space<vmem>>
      %dma_wait3A_97 = tpu.memref_squeeze %dma_wait3A_96 : memref<1x128xi32, #tpu.memory_space<vmem>> -> memref<128xi32, #tpu.memory_space<vmem>>
      %dma_wait3A_98 = arith.constant 0 : i32
      %dma_wait3A_99 = arith.constant 0 : i32
      %dma_wait3A_100 = tpu.memref_slice %arg16[%dma_wait3A_98, %dma_wait3A_99] : memref<10112x16xf32, #tpu.memory_space<vmem_shared>> -> memref<10112x16xf32, #tpu.memory_space<vmem_shared>>
      tpu.wait_indirect_dma semaphore(%arg10 : memref<!tpu.dma_semaphore, #tpu.memory_space<semaphore_mem>>) src(%arg7 : memref<128x16xf32, #tpu.memory_space<vmem>>) dst(%dma_wait3A_100 : memref<10112x16xf32, #tpu.memory_space<vmem_shared>>)
      %dma_wait3A_101 = arith.constant 0 : i32
      %dma_wait3A_102 = tpu.memref_slice %arg6[%add3A_45, %dma_wait3A_101] : memref<80x128xi32, #tpu.memory_space<vmem>> -> memref<1x128xi32, #tpu.memory_space<vmem>>
      %dma_wait3A_103 = tpu.memref_squeeze %dma_wait3A_102 : memref<1x128xi32, #tpu.memory_space<vmem>> -> memref<128xi32, #tpu.memory_space<vmem>>
      %dma_wait3A_104 = arith.constant 0 : i32
      %dma_wait3A_105 = arith.constant 0 : i32
      %dma_wait3A_106 = tpu.memref_slice %arg16[%dma_wait3A_104, %dma_wait3A_105] : memref<10112x16xf32, #tpu.memory_space<vmem_shared>> -> memref<10112x16xf32, #tpu.memory_space<vmem_shared>>
      tpu.wait_indirect_dma semaphore(%arg11 : memref<!tpu.dma_semaphore, #tpu.memory_space<semaphore_mem>>) src(%arg7 : memref<128x16xf32, #tpu.memory_space<vmem>>) dst(%dma_wait3A_106 : memref<10112x16xf32, #tpu.memory_space<vmem_shared>>)
      %dma_wait3A_107 = arith.constant 0 : i32
      %dma_wait3A_108 = tpu.memref_slice %arg6[%add3A_53, %dma_wait3A_107] : memref<80x128xi32, #tpu.memory_space<vmem>> -> memref<1x128xi32, #tpu.memory_space<vmem>>
      %dma_wait3A_109 = tpu.memref_squeeze %dma_wait3A_108 : memref<1x128xi32, #tpu.memory_space<vmem>> -> memref<128xi32, #tpu.memory_space<vmem>>
      %dma_wait3A_110 = arith.constant 0 : i32
      %dma_wait3A_111 = arith.constant 0 : i32
      %dma_wait3A_112 = tpu.memref_slice %arg16[%dma_wait3A_110, %dma_wait3A_111] : memref<10112x16xf32, #tpu.memory_space<vmem_shared>> -> memref<10112x16xf32, #tpu.memory_space<vmem_shared>>
      tpu.wait_indirect_dma semaphore(%arg12 : memref<!tpu.dma_semaphore, #tpu.memory_space<semaphore_mem>>) src(%arg7 : memref<128x16xf32, #tpu.memory_space<vmem>>) dst(%dma_wait3A_112 : memref<10112x16xf32, #tpu.memory_space<vmem_shared>>)
      %dma_wait3A_113 = arith.constant 0 : i32
      %dma_wait3A_114 = tpu.memref_slice %arg6[%add3A_61, %dma_wait3A_113] : memref<80x128xi32, #tpu.memory_space<vmem>> -> memref<1x128xi32, #tpu.memory_space<vmem>>
      %dma_wait3A_115 = tpu.memref_squeeze %dma_wait3A_114 : memref<1x128xi32, #tpu.memory_space<vmem>> -> memref<128xi32, #tpu.memory_space<vmem>>
      %dma_wait3A_116 = arith.constant 0 : i32
      %dma_wait3A_117 = arith.constant 0 : i32
      %dma_wait3A_118 = tpu.memref_slice %arg16[%dma_wait3A_116, %dma_wait3A_117] : memref<10112x16xf32, #tpu.memory_space<vmem_shared>> -> memref<10112x16xf32, #tpu.memory_space<vmem_shared>>
      tpu.wait_indirect_dma semaphore(%arg13 : memref<!tpu.dma_semaphore, #tpu.memory_space<semaphore_mem>>) src(%arg7 : memref<128x16xf32, #tpu.memory_space<vmem>>) dst(%dma_wait3A_118 : memref<10112x16xf32, #tpu.memory_space<vmem_shared>>)
      %dma_wait3A_119 = arith.constant 0 : i32
      %dma_wait3A_120 = tpu.memref_slice %arg6[%add3A_69, %dma_wait3A_119] : memref<80x128xi32, #tpu.memory_space<vmem>> -> memref<1x128xi32, #tpu.memory_space<vmem>>
      %dma_wait3A_121 = tpu.memref_squeeze %dma_wait3A_120 : memref<1x128xi32, #tpu.memory_space<vmem>> -> memref<128xi32, #tpu.memory_space<vmem>>
      %dma_wait3A_122 = arith.constant 0 : i32
      %dma_wait3A_123 = arith.constant 0 : i32
      %dma_wait3A_124 = tpu.memref_slice %arg16[%dma_wait3A_122, %dma_wait3A_123] : memref<10112x16xf32, #tpu.memory_space<vmem_shared>> -> memref<10112x16xf32, #tpu.memory_space<vmem_shared>>
      tpu.wait_indirect_dma semaphore(%arg14 : memref<!tpu.dma_semaphore, #tpu.memory_space<semaphore_mem>>) src(%arg7 : memref<128x16xf32, #tpu.memory_space<vmem>>) dst(%dma_wait3A_124 : memref<10112x16xf32, #tpu.memory_space<vmem_shared>>)
      %dma_wait3A_125 = arith.constant 0 : i32
      %dma_wait3A_126 = tpu.memref_slice %arg6[%add3A_77, %dma_wait3A_125] : memref<80x128xi32, #tpu.memory_space<vmem>> -> memref<1x128xi32, #tpu.memory_space<vmem>>
      %dma_wait3A_127 = tpu.memref_squeeze %dma_wait3A_126 : memref<1x128xi32, #tpu.memory_space<vmem>> -> memref<128xi32, #tpu.memory_space<vmem>>
      %dma_wait3A_128 = arith.constant 0 : i32
      %dma_wait3A_129 = arith.constant 0 : i32
      %dma_wait3A_130 = tpu.memref_slice %arg16[%dma_wait3A_128, %dma_wait3A_129] : memref<10112x16xf32, #tpu.memory_space<vmem_shared>> -> memref<10112x16xf32, #tpu.memory_space<vmem_shared>>
      tpu.wait_indirect_dma semaphore(%arg15 : memref<!tpu.dma_semaphore, #tpu.memory_space<semaphore_mem>>) src(%arg7 : memref<128x16xf32, #tpu.memory_space<vmem>>) dst(%dma_wait3A_130 : memref<10112x16xf32, #tpu.memory_space<vmem_shared>>)
    }
    %scan3A_10 = arith.constant 10 : i32
    %barrier3A_11 = arith.constant 0 : index
    tpu.barrier barrier_id(%barrier3A_11)
    %mul3A_12 = arith.constant 632 : i32
    %mul3A_13 = arith.muli %arg1, %mul3A_12 : i32
    %mul3A_14 = arith.constant 632 : i32
    %mul3A_15 = arith.muli %arg1, %mul3A_14 : i32
    "tpu.region"() ({
      %run_scoped3A = tpu.sem_alloc : memref<!tpu.dma_semaphore, #tpu.memory_space<semaphore_mem>>
      %dma_start3A = arith.constant 0 : i32
      %dma_start3A_16 = arith.constant 0 : i32
      %dma_start3A_17 = tpu.memref_slice %arg5[%arg0, %dma_start3A, %dma_start3A_16] : memref<2x10112x16xf32, #tpu.memory_space<hbm>> -> memref<1x10112x16xf32, #tpu.memory_space<hbm>>
      %dma_start3A_18 = tpu.memref_squeeze %dma_start3A_17 : memref<1x10112x16xf32, #tpu.memory_space<hbm>> -> memref<10112x16xf32, #tpu.memory_space<hbm>>
      %dma_start3A_19 = arith.constant 0 : i32
      %dma_start3A_20 = tpu.memref_slice %dma_start3A_18[%mul3A_15, %dma_start3A_19] : memref<10112x16xf32, #tpu.memory_space<hbm>> -> memref<632x16xf32, #tpu.memory_space<hbm>>
      %dma_start3A_21 = arith.constant 0 : i32
      %dma_start3A_22 = tpu.memref_slice %arg16[%mul3A_13, %dma_start3A_21] : memref<10112x16xf32, #tpu.memory_space<vmem_shared>> -> memref<632x16xf32, #tpu.memory_space<vmem_shared>>
      tpu.enqueue_dma source(%dma_start3A_22 : memref<632x16xf32, #tpu.memory_space<vmem_shared>>) target(%dma_start3A_20 : memref<632x16xf32, #tpu.memory_space<hbm>>) target_semaphore(%run_scoped3A : memref<!tpu.dma_semaphore, #tpu.memory_space<semaphore_mem>>)
      %dma_wait3A = arith.constant 0 : i32
      %dma_wait3A_23 = arith.constant 0 : i32
      %dma_wait3A_24 = tpu.memref_slice %arg5[%arg0, %dma_wait3A, %dma_wait3A_23] : memref<2x10112x16xf32, #tpu.memory_space<hbm>> -> memref<1x10112x16xf32, #tpu.memory_space<hbm>>
      %dma_wait3A_25 = tpu.memref_squeeze %dma_wait3A_24 : memref<1x10112x16xf32, #tpu.memory_space<hbm>> -> memref<10112x16xf32, #tpu.memory_space<hbm>>
      %dma_wait3A_26 = arith.constant 0 : i32
      %dma_wait3A_27 = tpu.memref_slice %dma_wait3A_25[%mul3A_15, %dma_wait3A_26] : memref<10112x16xf32, #tpu.memory_space<hbm>> -> memref<632x16xf32, #tpu.memory_space<hbm>>
      %dma_wait3A_28 = arith.constant 0 : i32
      %dma_wait3A_29 = tpu.memref_slice %arg16[%mul3A_13, %dma_wait3A_28] : memref<10112x16xf32, #tpu.memory_space<vmem_shared>> -> memref<632x16xf32, #tpu.memory_space<vmem_shared>>
      tpu.wait_dma2 semaphore(%run_scoped3A : memref<!tpu.dma_semaphore, #tpu.memory_space<semaphore_mem>>) src(%dma_wait3A_29 : memref<632x16xf32, #tpu.memory_space<vmem_shared>>) dst(%dma_wait3A_27 : memref<632x16xf32, #tpu.memory_space<hbm>>)
      tpu.yield
    }) : () -> ()
    return
  }
}

#map = affine_map<(d0, d1) -> (0, 0)>
#map1 = affine_map<(d0, d1) -> (0, 0, 0)>
module attributes {stable_mosaic.version = 14 : i64} {
  func.func @spmm_kernel(%arg0: i32, %arg1: i32, %arg2: memref<10112x64xf32, #tpu.memory_space<hbm>>, %arg3: memref<2568x128xi32, #tpu.memory_space<hbm>>, %arg4: memref<2568x128xi32, #tpu.memory_space<hbm>>, %arg5: memref<10112x64xf32, #tpu.memory_space<hbm>>, %arg6: memref<2x10112x64xf32, #tpu.memory_space<hbm>>, %arg7: memref<2x4x128xi32, #tpu.memory_space<vmem>>, %arg8: memref<2x4x128xi32, #tpu.memory_space<vmem>>, %arg9: memref<128x64xf32, #tpu.memory_space<vmem>>, %arg10: memref<128x64xf32, #tpu.memory_space<vmem>>, %arg11: memref<128x64xf32, #tpu.memory_space<vmem>>, %arg12: memref<128x64xf32, #tpu.memory_space<vmem>>, %arg13: memref<!tpu.dma_semaphore, #tpu.memory_space<semaphore_mem>>, %arg14: memref<!tpu.dma_semaphore, #tpu.memory_space<semaphore_mem>>, %arg15: memref<!tpu.dma_semaphore, #tpu.memory_space<semaphore_mem>>, %arg16: memref<!tpu.dma_semaphore, #tpu.memory_space<semaphore_mem>>, %arg17: memref<!tpu.dma_semaphore, #tpu.memory_space<semaphore_mem>>, %arg18: memref<!tpu.dma_semaphore, #tpu.memory_space<semaphore_mem>>, %arg19: memref<!tpu.dma_semaphore, #tpu.memory_space<semaphore_mem>>, %arg20: memref<!tpu.dma_semaphore, #tpu.memory_space<semaphore_mem>>, %arg21: memref<!tpu.dma_semaphore, #tpu.memory_space<semaphore_mem>>, %arg22: memref<10112x64xf32, #tpu.memory_space<vmem_shared>>, %arg23: memref<10112x64xf32, #tpu.memory_space<vmem_shared>>) attributes {dimension_semantics = [#tpu.dimension_semantics<core_parallel>, #tpu.dimension_semantics<subcore_parallel>], iteration_bounds = array<i64: 2, 16>, scalar_prefetch = 0 : i64, scratch_operands = 17 : i64, tpu.core_type = #tpu.core_type<sc_vector_subcore>, window_params = [{transform_indices = #map}, {transform_indices = #map}, {transform_indices = #map}, {transform_indices = #map}, {transform_indices = #map1}]} {
    %eq3A = arith.constant 0 : i32
    %eq3A_0 = arith.cmpi eq, %arg0, %eq3A : i32
    %mul3A = arith.constant 92 : i32
    %mul3A_1 = arith.muli %arg1, %mul3A : i32
    %mul3A_2 = arith.constant 68 : i32
    %mul3A_3 = arith.muli %arg1, %mul3A_2 : i32
    %add3A = arith.constant 1472 : i32
    %add3A_4 = arith.addi %add3A, %mul3A_3 : i32
    %select_n3A = arith.select %eq3A_0, %mul3A_1, %add3A_4 : i32
    %eq3A_5 = arith.constant 0 : i32
    %eq3A_6 = arith.cmpi eq, %arg0, %eq3A_5 : i32
    %jit3A = arith.constant 23 : i32
    %jit3A_7 = arith.constant 17 : i32
    %select_n3A_8 = arith.select %eq3A_6, %jit3A, %jit3A_7 : i32
    %run_scoped3A = arith.constant 0 : i32
    "tpu.region"() ({
      %run_scoped3A_39 = tpu.sem_alloc : memref<!tpu.dma_semaphore, #tpu.memory_space<semaphore_mem>>
      %dma_start3A = arith.constant 0 : i32
      %dma_start3A_40 = arith.constant 0 : i32
      %dma_start3A_41 = tpu.memref_slice %arg7[%run_scoped3A, %dma_start3A, %dma_start3A_40] : memref<2x4x128xi32, #tpu.memory_space<vmem>> -> memref<1x4x128xi32, #tpu.memory_space<vmem>>
      %dma_start3A_42 = tpu.memref_squeeze %dma_start3A_41 : memref<1x4x128xi32, #tpu.memory_space<vmem>> -> memref<4x128xi32, #tpu.memory_space<vmem>>
      %dma_start3A_43 = arith.constant 0 : i32
      %dma_start3A_44 = tpu.memref_slice %arg3[%select_n3A, %dma_start3A_43] : memref<2568x128xi32, #tpu.memory_space<hbm>> -> memref<4x128xi32, #tpu.memory_space<hbm>>
      %dma_start3A_45 = arith.constant 0 : i32
      %dma_start3A_46 = arith.constant 0 : i32
      %dma_start3A_47 = tpu.memref_slice %arg7[%run_scoped3A, %dma_start3A_45, %dma_start3A_46] : memref<2x4x128xi32, #tpu.memory_space<vmem>> -> memref<1x4x128xi32, #tpu.memory_space<vmem>>
      %dma_start3A_48 = tpu.memref_squeeze %dma_start3A_47 : memref<1x4x128xi32, #tpu.memory_space<vmem>> -> memref<4x128xi32, #tpu.memory_space<vmem>>
      %dma_start3A_49 = arith.constant 0 : i32
      %dma_start3A_50 = tpu.memref_slice %arg3[%select_n3A, %dma_start3A_49] : memref<2568x128xi32, #tpu.memory_space<hbm>> -> memref<4x128xi32, #tpu.memory_space<hbm>>
      tpu.enqueue_dma source(%dma_start3A_50 : memref<4x128xi32, #tpu.memory_space<hbm>>) target(%dma_start3A_48 : memref<4x128xi32, #tpu.memory_space<vmem>>) target_semaphore(%run_scoped3A_39 : memref<!tpu.dma_semaphore, #tpu.memory_space<semaphore_mem>>)
      %dma_wait3A = arith.constant 0 : i32
      %dma_wait3A_51 = arith.constant 0 : i32
      %dma_wait3A_52 = tpu.memref_slice %arg7[%run_scoped3A, %dma_wait3A, %dma_wait3A_51] : memref<2x4x128xi32, #tpu.memory_space<vmem>> -> memref<1x4x128xi32, #tpu.memory_space<vmem>>
      %dma_wait3A_53 = tpu.memref_squeeze %dma_wait3A_52 : memref<1x4x128xi32, #tpu.memory_space<vmem>> -> memref<4x128xi32, #tpu.memory_space<vmem>>
      %dma_wait3A_54 = arith.constant 0 : i32
      %dma_wait3A_55 = tpu.memref_slice %arg3[%select_n3A, %dma_wait3A_54] : memref<2568x128xi32, #tpu.memory_space<hbm>> -> memref<4x128xi32, #tpu.memory_space<hbm>>
      %dma_wait3A_56 = arith.constant 0 : i32
      %dma_wait3A_57 = arith.constant 0 : i32
      %dma_wait3A_58 = tpu.memref_slice %arg7[%run_scoped3A, %dma_wait3A_56, %dma_wait3A_57] : memref<2x4x128xi32, #tpu.memory_space<vmem>> -> memref<1x4x128xi32, #tpu.memory_space<vmem>>
      %dma_wait3A_59 = tpu.memref_squeeze %dma_wait3A_58 : memref<1x4x128xi32, #tpu.memory_space<vmem>> -> memref<4x128xi32, #tpu.memory_space<vmem>>
      %dma_wait3A_60 = arith.constant 0 : i32
      %dma_wait3A_61 = tpu.memref_slice %arg3[%select_n3A, %dma_wait3A_60] : memref<2568x128xi32, #tpu.memory_space<hbm>> -> memref<4x128xi32, #tpu.memory_space<hbm>>
      tpu.wait_dma2 semaphore(%run_scoped3A_39 : memref<!tpu.dma_semaphore, #tpu.memory_space<semaphore_mem>>) src(%dma_wait3A_61 : memref<4x128xi32, #tpu.memory_space<hbm>>) dst(%dma_wait3A_59 : memref<4x128xi32, #tpu.memory_space<vmem>>)
      tpu.yield
    }) : () -> ()
    %run_scoped3A_9 = arith.constant 0 : i32
    "tpu.region"() ({
      %run_scoped3A_39 = tpu.sem_alloc : memref<!tpu.dma_semaphore, #tpu.memory_space<semaphore_mem>>
      %dma_start3A = arith.constant 0 : i32
      %dma_start3A_40 = arith.constant 0 : i32
      %dma_start3A_41 = tpu.memref_slice %arg8[%run_scoped3A_9, %dma_start3A, %dma_start3A_40] : memref<2x4x128xi32, #tpu.memory_space<vmem>> -> memref<1x4x128xi32, #tpu.memory_space<vmem>>
      %dma_start3A_42 = tpu.memref_squeeze %dma_start3A_41 : memref<1x4x128xi32, #tpu.memory_space<vmem>> -> memref<4x128xi32, #tpu.memory_space<vmem>>
      %dma_start3A_43 = arith.constant 0 : i32
      %dma_start3A_44 = tpu.memref_slice %arg4[%select_n3A, %dma_start3A_43] : memref<2568x128xi32, #tpu.memory_space<hbm>> -> memref<4x128xi32, #tpu.memory_space<hbm>>
      %dma_start3A_45 = arith.constant 0 : i32
      %dma_start3A_46 = arith.constant 0 : i32
      %dma_start3A_47 = tpu.memref_slice %arg8[%run_scoped3A_9, %dma_start3A_45, %dma_start3A_46] : memref<2x4x128xi32, #tpu.memory_space<vmem>> -> memref<1x4x128xi32, #tpu.memory_space<vmem>>
      %dma_start3A_48 = tpu.memref_squeeze %dma_start3A_47 : memref<1x4x128xi32, #tpu.memory_space<vmem>> -> memref<4x128xi32, #tpu.memory_space<vmem>>
      %dma_start3A_49 = arith.constant 0 : i32
      %dma_start3A_50 = tpu.memref_slice %arg4[%select_n3A, %dma_start3A_49] : memref<2568x128xi32, #tpu.memory_space<hbm>> -> memref<4x128xi32, #tpu.memory_space<hbm>>
      tpu.enqueue_dma source(%dma_start3A_50 : memref<4x128xi32, #tpu.memory_space<hbm>>) target(%dma_start3A_48 : memref<4x128xi32, #tpu.memory_space<vmem>>) target_semaphore(%run_scoped3A_39 : memref<!tpu.dma_semaphore, #tpu.memory_space<semaphore_mem>>)
      %dma_wait3A = arith.constant 0 : i32
      %dma_wait3A_51 = arith.constant 0 : i32
      %dma_wait3A_52 = tpu.memref_slice %arg8[%run_scoped3A_9, %dma_wait3A, %dma_wait3A_51] : memref<2x4x128xi32, #tpu.memory_space<vmem>> -> memref<1x4x128xi32, #tpu.memory_space<vmem>>
      %dma_wait3A_53 = tpu.memref_squeeze %dma_wait3A_52 : memref<1x4x128xi32, #tpu.memory_space<vmem>> -> memref<4x128xi32, #tpu.memory_space<vmem>>
      %dma_wait3A_54 = arith.constant 0 : i32
      %dma_wait3A_55 = tpu.memref_slice %arg4[%select_n3A, %dma_wait3A_54] : memref<2568x128xi32, #tpu.memory_space<hbm>> -> memref<4x128xi32, #tpu.memory_space<hbm>>
      %dma_wait3A_56 = arith.constant 0 : i32
      %dma_wait3A_57 = arith.constant 0 : i32
      %dma_wait3A_58 = tpu.memref_slice %arg8[%run_scoped3A_9, %dma_wait3A_56, %dma_wait3A_57] : memref<2x4x128xi32, #tpu.memory_space<vmem>> -> memref<1x4x128xi32, #tpu.memory_space<vmem>>
      %dma_wait3A_59 = tpu.memref_squeeze %dma_wait3A_58 : memref<1x4x128xi32, #tpu.memory_space<vmem>> -> memref<4x128xi32, #tpu.memory_space<vmem>>
      %dma_wait3A_60 = arith.constant 0 : i32
      %dma_wait3A_61 = tpu.memref_slice %arg4[%select_n3A, %dma_wait3A_60] : memref<2568x128xi32, #tpu.memory_space<hbm>> -> memref<4x128xi32, #tpu.memory_space<hbm>>
      tpu.wait_dma2 semaphore(%run_scoped3A_39 : memref<!tpu.dma_semaphore, #tpu.memory_space<semaphore_mem>>) src(%dma_wait3A_61 : memref<4x128xi32, #tpu.memory_space<hbm>>) dst(%dma_wait3A_59 : memref<4x128xi32, #tpu.memory_space<vmem>>)
      tpu.yield
    }) : () -> ()
    %mul3A_10 = arith.constant 632 : i32
    %mul3A_11 = arith.muli %arg1, %mul3A_10 : i32
    %mul3A_12 = arith.constant 632 : i32
    %mul3A_13 = arith.muli %arg1, %mul3A_12 : i32
    "tpu.region"() ({
      %run_scoped3A_39 = tpu.sem_alloc : memref<!tpu.dma_semaphore, #tpu.memory_space<semaphore_mem>>
      %dma_start3A = arith.constant 0 : i32
      %dma_start3A_40 = tpu.memref_slice %arg22[%mul3A_13, %dma_start3A] : memref<10112x64xf32, #tpu.memory_space<vmem_shared>> -> memref<632x64xf32, #tpu.memory_space<vmem_shared>>
      %dma_start3A_41 = arith.constant 0 : i32
      %dma_start3A_42 = tpu.memref_slice %arg2[%mul3A_11, %dma_start3A_41] : memref<10112x64xf32, #tpu.memory_space<hbm>> -> memref<632x64xf32, #tpu.memory_space<hbm>>
      tpu.enqueue_dma source(%dma_start3A_42 : memref<632x64xf32, #tpu.memory_space<hbm>>) target(%dma_start3A_40 : memref<632x64xf32, #tpu.memory_space<vmem_shared>>) target_semaphore(%run_scoped3A_39 : memref<!tpu.dma_semaphore, #tpu.memory_space<semaphore_mem>>)
      %dma_wait3A = arith.constant 0 : i32
      %dma_wait3A_43 = tpu.memref_slice %arg22[%mul3A_13, %dma_wait3A] : memref<10112x64xf32, #tpu.memory_space<vmem_shared>> -> memref<632x64xf32, #tpu.memory_space<vmem_shared>>
      %dma_wait3A_44 = arith.constant 0 : i32
      %dma_wait3A_45 = tpu.memref_slice %arg2[%mul3A_11, %dma_wait3A_44] : memref<10112x64xf32, #tpu.memory_space<hbm>> -> memref<632x64xf32, #tpu.memory_space<hbm>>
      tpu.wait_dma2 semaphore(%run_scoped3A_39 : memref<!tpu.dma_semaphore, #tpu.memory_space<semaphore_mem>>) src(%dma_wait3A_45 : memref<632x64xf32, #tpu.memory_space<hbm>>) dst(%dma_wait3A_43 : memref<632x64xf32, #tpu.memory_space<vmem_shared>>)
      tpu.yield
    }) : () -> ()
    %mul3A_14 = arith.constant 632 : i32
    %mul3A_15 = arith.muli %arg1, %mul3A_14 : i32
    %mul3A_16 = arith.constant 632 : i32
    %mul3A_17 = arith.muli %arg1, %mul3A_16 : i32
    "tpu.region"() ({
      %run_scoped3A_39 = tpu.sem_alloc : memref<!tpu.dma_semaphore, #tpu.memory_space<semaphore_mem>>
      %dma_start3A = arith.constant 0 : i32
      %dma_start3A_40 = tpu.memref_slice %arg23[%mul3A_17, %dma_start3A] : memref<10112x64xf32, #tpu.memory_space<vmem_shared>> -> memref<632x64xf32, #tpu.memory_space<vmem_shared>>
      %dma_start3A_41 = arith.constant 0 : i32
      %dma_start3A_42 = tpu.memref_slice %arg5[%mul3A_15, %dma_start3A_41] : memref<10112x64xf32, #tpu.memory_space<hbm>> -> memref<632x64xf32, #tpu.memory_space<hbm>>
      tpu.enqueue_dma source(%dma_start3A_42 : memref<632x64xf32, #tpu.memory_space<hbm>>) target(%dma_start3A_40 : memref<632x64xf32, #tpu.memory_space<vmem_shared>>) target_semaphore(%run_scoped3A_39 : memref<!tpu.dma_semaphore, #tpu.memory_space<semaphore_mem>>)
      %dma_wait3A = arith.constant 0 : i32
      %dma_wait3A_43 = tpu.memref_slice %arg23[%mul3A_17, %dma_wait3A] : memref<10112x64xf32, #tpu.memory_space<vmem_shared>> -> memref<632x64xf32, #tpu.memory_space<vmem_shared>>
      %dma_wait3A_44 = arith.constant 0 : i32
      %dma_wait3A_45 = tpu.memref_slice %arg5[%mul3A_15, %dma_wait3A_44] : memref<10112x64xf32, #tpu.memory_space<hbm>> -> memref<632x64xf32, #tpu.memory_space<hbm>>
      tpu.wait_dma2 semaphore(%run_scoped3A_39 : memref<!tpu.dma_semaphore, #tpu.memory_space<semaphore_mem>>) src(%dma_wait3A_45 : memref<632x64xf32, #tpu.memory_space<hbm>>) dst(%dma_wait3A_43 : memref<632x64xf32, #tpu.memory_space<vmem_shared>>)
      tpu.yield
    }) : () -> ()
    %barrier3A = arith.constant 0 : index
    tpu.barrier barrier_id(%barrier3A)
    %sub3A = arith.constant 0 : i32
    %sub3A_18 = arith.subi %select_n3A_8, %sub3A : i32
    %sub3A_19 = arith.constant 1 : i32
    %sub3A_20 = arith.constant 1 : i32
    %sub3A_21 = arith.subi %sub3A_19, %sub3A_20 : i32
    %add3A_22 = arith.addi %sub3A_18, %sub3A_21 : i32
    %div3A = arith.constant 1 : i32
    %div3A_23 = arith.divsi %add3A_22, %div3A : i32
    %while3A = arith.constant 1 : i32
    %while3A_24 = arith.constant 0 : i32
    %while3A_25 = arith.constant 0 : i32
    %while3A_26 = arith.subi %div3A_23, %while3A_25 : i32
    %while3A_27 = arith.addi %while3A_25, %while3A_26 : i32
    %while3A_28 = arith.constant 1 : i32
    %while3A_29 = arith.divsi %while3A_26, %while3A_28 : i32
    %while3A_30 = arith.muli %while3A_29, %while3A_28 : i32
    %while3A_31 = arith.addi %while3A_25, %while3A_30 : i32
    %while3A_32 = arith.constant 1 : i32
    scf.for %while3A_39 = %while3A_25 to %while3A_31 step %while3A_32  : i32 {
      %mul3A_40 = arith.muli %while3A_39, %while3A : i32
      %add3A_41 = arith.addi %while3A_24, %mul3A_40 : i32
      %rem3A = arith.constant 2 : i32
      %rem3A_42 = arith.remsi %add3A_41, %rem3A : i32
      %sub3A_43 = arith.constant 1 : i32
      %sub3A_44 = arith.subi %sub3A_43, %rem3A_42 : i32
      %add3A_45 = arith.constant 1 : i32
      %add3A_46 = arith.addi %add3A_41, %add3A_45 : i32
      %mul3A_47 = arith.constant 4 : i32
      %mul3A_48 = arith.muli %add3A_46, %mul3A_47 : i32
      %add3A_49 = arith.addi %select_n3A, %mul3A_48 : i32
      %dma_start3A = arith.constant 0 : i32
      %dma_start3A_50 = arith.constant 0 : i32
      %dma_start3A_51 = tpu.memref_slice %arg7[%sub3A_44, %dma_start3A, %dma_start3A_50] : memref<2x4x128xi32, #tpu.memory_space<vmem>> -> memref<1x4x128xi32, #tpu.memory_space<vmem>>
      %dma_start3A_52 = tpu.memref_squeeze %dma_start3A_51 : memref<1x4x128xi32, #tpu.memory_space<vmem>> -> memref<4x128xi32, #tpu.memory_space<vmem>>
      %dma_start3A_53 = arith.constant 0 : i32
      %dma_start3A_54 = tpu.memref_slice %arg3[%add3A_49, %dma_start3A_53] : memref<2568x128xi32, #tpu.memory_space<hbm>> -> memref<4x128xi32, #tpu.memory_space<hbm>>
      %dma_start3A_55 = arith.constant 0 : i32
      %dma_start3A_56 = arith.constant 0 : i32
      %dma_start3A_57 = tpu.memref_slice %arg7[%sub3A_44, %dma_start3A_55, %dma_start3A_56] : memref<2x4x128xi32, #tpu.memory_space<vmem>> -> memref<1x4x128xi32, #tpu.memory_space<vmem>>
      %dma_start3A_58 = tpu.memref_squeeze %dma_start3A_57 : memref<1x4x128xi32, #tpu.memory_space<vmem>> -> memref<4x128xi32, #tpu.memory_space<vmem>>
      %dma_start3A_59 = arith.constant 0 : i32
      %dma_start3A_60 = tpu.memref_slice %arg3[%add3A_49, %dma_start3A_59] : memref<2568x128xi32, #tpu.memory_space<hbm>> -> memref<4x128xi32, #tpu.memory_space<hbm>>
      tpu.enqueue_dma source(%dma_start3A_60 : memref<4x128xi32, #tpu.memory_space<hbm>>) target(%dma_start3A_58 : memref<4x128xi32, #tpu.memory_space<vmem>>) target_semaphore(%arg13 : memref<!tpu.dma_semaphore, #tpu.memory_space<semaphore_mem>>)
      %dma_start3A_61 = arith.constant 0 : i32
      %dma_start3A_62 = arith.constant 0 : i32
      %dma_start3A_63 = tpu.memref_slice %arg8[%sub3A_44, %dma_start3A_61, %dma_start3A_62] : memref<2x4x128xi32, #tpu.memory_space<vmem>> -> memref<1x4x128xi32, #tpu.memory_space<vmem>>
      %dma_start3A_64 = tpu.memref_squeeze %dma_start3A_63 : memref<1x4x128xi32, #tpu.memory_space<vmem>> -> memref<4x128xi32, #tpu.memory_space<vmem>>
      %dma_start3A_65 = arith.constant 0 : i32
      %dma_start3A_66 = tpu.memref_slice %arg4[%add3A_49, %dma_start3A_65] : memref<2568x128xi32, #tpu.memory_space<hbm>> -> memref<4x128xi32, #tpu.memory_space<hbm>>
      %dma_start3A_67 = arith.constant 0 : i32
      %dma_start3A_68 = arith.constant 0 : i32
      %dma_start3A_69 = tpu.memref_slice %arg8[%sub3A_44, %dma_start3A_67, %dma_start3A_68] : memref<2x4x128xi32, #tpu.memory_space<vmem>> -> memref<1x4x128xi32, #tpu.memory_space<vmem>>
      %dma_start3A_70 = tpu.memref_squeeze %dma_start3A_69 : memref<1x4x128xi32, #tpu.memory_space<vmem>> -> memref<4x128xi32, #tpu.memory_space<vmem>>
      %dma_start3A_71 = arith.constant 0 : i32
      %dma_start3A_72 = tpu.memref_slice %arg4[%add3A_49, %dma_start3A_71] : memref<2568x128xi32, #tpu.memory_space<hbm>> -> memref<4x128xi32, #tpu.memory_space<hbm>>
      tpu.enqueue_dma source(%dma_start3A_72 : memref<4x128xi32, #tpu.memory_space<hbm>>) target(%dma_start3A_70 : memref<4x128xi32, #tpu.memory_space<vmem>>) target_semaphore(%arg13 : memref<!tpu.dma_semaphore, #tpu.memory_space<semaphore_mem>>)
      %dma_start3A_73 = arith.constant 0 : i32
      %dma_start3A_74 = arith.constant 0 : i32
      %dma_start3A_75 = tpu.memref_slice %arg7[%rem3A_42, %dma_start3A_73, %dma_start3A_74] : memref<2x4x128xi32, #tpu.memory_space<vmem>> -> memref<1x1x128xi32, #tpu.memory_space<vmem>>
      %dma_start3A_76 = tpu.memref_squeeze %dma_start3A_75 : memref<1x1x128xi32, #tpu.memory_space<vmem>> -> memref<128xi32, #tpu.memory_space<vmem>>
      %dma_start3A_77 = arith.constant 0 : i32
      %dma_start3A_78 = arith.constant 0 : i32
      %dma_start3A_79 = tpu.memref_slice %arg22[%dma_start3A_77, %dma_start3A_78] : memref<10112x64xf32, #tpu.memory_space<vmem_shared>> -> memref<10112x64xf32, #tpu.memory_space<vmem_shared>>
      tpu.enqueue_indirect_dma source(%dma_start3A_79 : memref<10112x64xf32, #tpu.memory_space<vmem_shared>>) target(%arg9 : memref<128x64xf32, #tpu.memory_space<vmem>>) offsets(%dma_start3A_76 : memref<128xi32, #tpu.memory_space<vmem>>) semaphore(%arg14 : memref<!tpu.dma_semaphore, #tpu.memory_space<semaphore_mem>>)
      %dma_start3A_80 = arith.constant 1 : i32
      %dma_start3A_81 = arith.constant 0 : i32
      %dma_start3A_82 = tpu.memref_slice %arg7[%rem3A_42, %dma_start3A_80, %dma_start3A_81] : memref<2x4x128xi32, #tpu.memory_space<vmem>> -> memref<1x1x128xi32, #tpu.memory_space<vmem>>
      %dma_start3A_83 = tpu.memref_squeeze %dma_start3A_82 : memref<1x1x128xi32, #tpu.memory_space<vmem>> -> memref<128xi32, #tpu.memory_space<vmem>>
      %dma_start3A_84 = arith.constant 0 : i32
      %dma_start3A_85 = arith.constant 0 : i32
      %dma_start3A_86 = tpu.memref_slice %arg22[%dma_start3A_84, %dma_start3A_85] : memref<10112x64xf32, #tpu.memory_space<vmem_shared>> -> memref<10112x64xf32, #tpu.memory_space<vmem_shared>>
      tpu.enqueue_indirect_dma source(%dma_start3A_86 : memref<10112x64xf32, #tpu.memory_space<vmem_shared>>) target(%arg10 : memref<128x64xf32, #tpu.memory_space<vmem>>) offsets(%dma_start3A_83 : memref<128xi32, #tpu.memory_space<vmem>>) semaphore(%arg15 : memref<!tpu.dma_semaphore, #tpu.memory_space<semaphore_mem>>)
      %dma_start3A_87 = arith.constant 2 : i32
      %dma_start3A_88 = arith.constant 0 : i32
      %dma_start3A_89 = tpu.memref_slice %arg7[%rem3A_42, %dma_start3A_87, %dma_start3A_88] : memref<2x4x128xi32, #tpu.memory_space<vmem>> -> memref<1x1x128xi32, #tpu.memory_space<vmem>>
      %dma_start3A_90 = tpu.memref_squeeze %dma_start3A_89 : memref<1x1x128xi32, #tpu.memory_space<vmem>> -> memref<128xi32, #tpu.memory_space<vmem>>
      %dma_start3A_91 = arith.constant 0 : i32
      %dma_start3A_92 = arith.constant 0 : i32
      %dma_start3A_93 = tpu.memref_slice %arg22[%dma_start3A_91, %dma_start3A_92] : memref<10112x64xf32, #tpu.memory_space<vmem_shared>> -> memref<10112x64xf32, #tpu.memory_space<vmem_shared>>
      tpu.enqueue_indirect_dma source(%dma_start3A_93 : memref<10112x64xf32, #tpu.memory_space<vmem_shared>>) target(%arg11 : memref<128x64xf32, #tpu.memory_space<vmem>>) offsets(%dma_start3A_90 : memref<128xi32, #tpu.memory_space<vmem>>) semaphore(%arg16 : memref<!tpu.dma_semaphore, #tpu.memory_space<semaphore_mem>>)
      %dma_start3A_94 = arith.constant 3 : i32
      %dma_start3A_95 = arith.constant 0 : i32
      %dma_start3A_96 = tpu.memref_slice %arg7[%rem3A_42, %dma_start3A_94, %dma_start3A_95] : memref<2x4x128xi32, #tpu.memory_space<vmem>> -> memref<1x1x128xi32, #tpu.memory_space<vmem>>
      %dma_start3A_97 = tpu.memref_squeeze %dma_start3A_96 : memref<1x1x128xi32, #tpu.memory_space<vmem>> -> memref<128xi32, #tpu.memory_space<vmem>>
      %dma_start3A_98 = arith.constant 0 : i32
      %dma_start3A_99 = arith.constant 0 : i32
      %dma_start3A_100 = tpu.memref_slice %arg22[%dma_start3A_98, %dma_start3A_99] : memref<10112x64xf32, #tpu.memory_space<vmem_shared>> -> memref<10112x64xf32, #tpu.memory_space<vmem_shared>>
      tpu.enqueue_indirect_dma source(%dma_start3A_100 : memref<10112x64xf32, #tpu.memory_space<vmem_shared>>) target(%arg12 : memref<128x64xf32, #tpu.memory_space<vmem>>) offsets(%dma_start3A_97 : memref<128xi32, #tpu.memory_space<vmem>>) semaphore(%arg17 : memref<!tpu.dma_semaphore, #tpu.memory_space<semaphore_mem>>)
      %dma_wait3A = arith.constant 0 : i32
      %dma_wait3A_101 = arith.constant 0 : i32
      %dma_wait3A_102 = tpu.memref_slice %arg7[%rem3A_42, %dma_wait3A, %dma_wait3A_101] : memref<2x4x128xi32, #tpu.memory_space<vmem>> -> memref<1x1x128xi32, #tpu.memory_space<vmem>>
      %dma_wait3A_103 = tpu.memref_squeeze %dma_wait3A_102 : memref<1x1x128xi32, #tpu.memory_space<vmem>> -> memref<128xi32, #tpu.memory_space<vmem>>
      %dma_wait3A_104 = arith.constant 0 : i32
      %dma_wait3A_105 = arith.constant 0 : i32
      %dma_wait3A_106 = tpu.memref_slice %arg22[%dma_wait3A_104, %dma_wait3A_105] : memref<10112x64xf32, #tpu.memory_space<vmem_shared>> -> memref<10112x64xf32, #tpu.memory_space<vmem_shared>>
      tpu.wait_indirect_dma semaphore(%arg14 : memref<!tpu.dma_semaphore, #tpu.memory_space<semaphore_mem>>) src(%dma_wait3A_106 : memref<10112x64xf32, #tpu.memory_space<vmem_shared>>) dst(%arg9 : memref<128x64xf32, #tpu.memory_space<vmem>>)
      %dma_start3A_107 = arith.constant 0 : i32
      %dma_start3A_108 = arith.constant 0 : i32
      %dma_start3A_109 = tpu.memref_slice %arg8[%rem3A_42, %dma_start3A_107, %dma_start3A_108] : memref<2x4x128xi32, #tpu.memory_space<vmem>> -> memref<1x1x128xi32, #tpu.memory_space<vmem>>
      %dma_start3A_110 = tpu.memref_squeeze %dma_start3A_109 : memref<1x1x128xi32, #tpu.memory_space<vmem>> -> memref<128xi32, #tpu.memory_space<vmem>>
      %dma_start3A_111 = arith.constant 0 : i32
      %dma_start3A_112 = arith.constant 0 : i32
      %dma_start3A_113 = tpu.memref_slice %arg23[%dma_start3A_111, %dma_start3A_112] : memref<10112x64xf32, #tpu.memory_space<vmem_shared>> -> memref<10112x64xf32, #tpu.memory_space<vmem_shared>>
      tpu.enqueue_indirect_dma source(%arg9 : memref<128x64xf32, #tpu.memory_space<vmem>>) target(%dma_start3A_113 : memref<10112x64xf32, #tpu.memory_space<vmem_shared>>) offsets(%dma_start3A_110 : memref<128xi32, #tpu.memory_space<vmem>>) semaphore(%arg18 : memref<!tpu.dma_semaphore, #tpu.memory_space<semaphore_mem>>) {add = true}
      %dma_wait3A_114 = arith.constant 1 : i32
      %dma_wait3A_115 = arith.constant 0 : i32
      %dma_wait3A_116 = tpu.memref_slice %arg7[%rem3A_42, %dma_wait3A_114, %dma_wait3A_115] : memref<2x4x128xi32, #tpu.memory_space<vmem>> -> memref<1x1x128xi32, #tpu.memory_space<vmem>>
      %dma_wait3A_117 = tpu.memref_squeeze %dma_wait3A_116 : memref<1x1x128xi32, #tpu.memory_space<vmem>> -> memref<128xi32, #tpu.memory_space<vmem>>
      %dma_wait3A_118 = arith.constant 0 : i32
      %dma_wait3A_119 = arith.constant 0 : i32
      %dma_wait3A_120 = tpu.memref_slice %arg22[%dma_wait3A_118, %dma_wait3A_119] : memref<10112x64xf32, #tpu.memory_space<vmem_shared>> -> memref<10112x64xf32, #tpu.memory_space<vmem_shared>>
      tpu.wait_indirect_dma semaphore(%arg15 : memref<!tpu.dma_semaphore, #tpu.memory_space<semaphore_mem>>) src(%dma_wait3A_120 : memref<10112x64xf32, #tpu.memory_space<vmem_shared>>) dst(%arg10 : memref<128x64xf32, #tpu.memory_space<vmem>>)
      %dma_start3A_121 = arith.constant 1 : i32
      %dma_start3A_122 = arith.constant 0 : i32
      %dma_start3A_123 = tpu.memref_slice %arg8[%rem3A_42, %dma_start3A_121, %dma_start3A_122] : memref<2x4x128xi32, #tpu.memory_space<vmem>> -> memref<1x1x128xi32, #tpu.memory_space<vmem>>
      %dma_start3A_124 = tpu.memref_squeeze %dma_start3A_123 : memref<1x1x128xi32, #tpu.memory_space<vmem>> -> memref<128xi32, #tpu.memory_space<vmem>>
      %dma_start3A_125 = arith.constant 0 : i32
      %dma_start3A_126 = arith.constant 0 : i32
      %dma_start3A_127 = tpu.memref_slice %arg23[%dma_start3A_125, %dma_start3A_126] : memref<10112x64xf32, #tpu.memory_space<vmem_shared>> -> memref<10112x64xf32, #tpu.memory_space<vmem_shared>>
      tpu.enqueue_indirect_dma source(%arg10 : memref<128x64xf32, #tpu.memory_space<vmem>>) target(%dma_start3A_127 : memref<10112x64xf32, #tpu.memory_space<vmem_shared>>) offsets(%dma_start3A_124 : memref<128xi32, #tpu.memory_space<vmem>>) semaphore(%arg19 : memref<!tpu.dma_semaphore, #tpu.memory_space<semaphore_mem>>) {add = true}
      %dma_wait3A_128 = arith.constant 2 : i32
      %dma_wait3A_129 = arith.constant 0 : i32
      %dma_wait3A_130 = tpu.memref_slice %arg7[%rem3A_42, %dma_wait3A_128, %dma_wait3A_129] : memref<2x4x128xi32, #tpu.memory_space<vmem>> -> memref<1x1x128xi32, #tpu.memory_space<vmem>>
      %dma_wait3A_131 = tpu.memref_squeeze %dma_wait3A_130 : memref<1x1x128xi32, #tpu.memory_space<vmem>> -> memref<128xi32, #tpu.memory_space<vmem>>
      %dma_wait3A_132 = arith.constant 0 : i32
      %dma_wait3A_133 = arith.constant 0 : i32
      %dma_wait3A_134 = tpu.memref_slice %arg22[%dma_wait3A_132, %dma_wait3A_133] : memref<10112x64xf32, #tpu.memory_space<vmem_shared>> -> memref<10112x64xf32, #tpu.memory_space<vmem_shared>>
      tpu.wait_indirect_dma semaphore(%arg16 : memref<!tpu.dma_semaphore, #tpu.memory_space<semaphore_mem>>) src(%dma_wait3A_134 : memref<10112x64xf32, #tpu.memory_space<vmem_shared>>) dst(%arg11 : memref<128x64xf32, #tpu.memory_space<vmem>>)
      %dma_start3A_135 = arith.constant 2 : i32
      %dma_start3A_136 = arith.constant 0 : i32
      %dma_start3A_137 = tpu.memref_slice %arg8[%rem3A_42, %dma_start3A_135, %dma_start3A_136] : memref<2x4x128xi32, #tpu.memory_space<vmem>> -> memref<1x1x128xi32, #tpu.memory_space<vmem>>
      %dma_start3A_138 = tpu.memref_squeeze %dma_start3A_137 : memref<1x1x128xi32, #tpu.memory_space<vmem>> -> memref<128xi32, #tpu.memory_space<vmem>>
      %dma_start3A_139 = arith.constant 0 : i32
      %dma_start3A_140 = arith.constant 0 : i32
      %dma_start3A_141 = tpu.memref_slice %arg23[%dma_start3A_139, %dma_start3A_140] : memref<10112x64xf32, #tpu.memory_space<vmem_shared>> -> memref<10112x64xf32, #tpu.memory_space<vmem_shared>>
      tpu.enqueue_indirect_dma source(%arg11 : memref<128x64xf32, #tpu.memory_space<vmem>>) target(%dma_start3A_141 : memref<10112x64xf32, #tpu.memory_space<vmem_shared>>) offsets(%dma_start3A_138 : memref<128xi32, #tpu.memory_space<vmem>>) semaphore(%arg20 : memref<!tpu.dma_semaphore, #tpu.memory_space<semaphore_mem>>) {add = true}
      %dma_wait3A_142 = arith.constant 3 : i32
      %dma_wait3A_143 = arith.constant 0 : i32
      %dma_wait3A_144 = tpu.memref_slice %arg7[%rem3A_42, %dma_wait3A_142, %dma_wait3A_143] : memref<2x4x128xi32, #tpu.memory_space<vmem>> -> memref<1x1x128xi32, #tpu.memory_space<vmem>>
      %dma_wait3A_145 = tpu.memref_squeeze %dma_wait3A_144 : memref<1x1x128xi32, #tpu.memory_space<vmem>> -> memref<128xi32, #tpu.memory_space<vmem>>
      %dma_wait3A_146 = arith.constant 0 : i32
      %dma_wait3A_147 = arith.constant 0 : i32
      %dma_wait3A_148 = tpu.memref_slice %arg22[%dma_wait3A_146, %dma_wait3A_147] : memref<10112x64xf32, #tpu.memory_space<vmem_shared>> -> memref<10112x64xf32, #tpu.memory_space<vmem_shared>>
      tpu.wait_indirect_dma semaphore(%arg17 : memref<!tpu.dma_semaphore, #tpu.memory_space<semaphore_mem>>) src(%dma_wait3A_148 : memref<10112x64xf32, #tpu.memory_space<vmem_shared>>) dst(%arg12 : memref<128x64xf32, #tpu.memory_space<vmem>>)
      %dma_start3A_149 = arith.constant 3 : i32
      %dma_start3A_150 = arith.constant 0 : i32
      %dma_start3A_151 = tpu.memref_slice %arg8[%rem3A_42, %dma_start3A_149, %dma_start3A_150] : memref<2x4x128xi32, #tpu.memory_space<vmem>> -> memref<1x1x128xi32, #tpu.memory_space<vmem>>
      %dma_start3A_152 = tpu.memref_squeeze %dma_start3A_151 : memref<1x1x128xi32, #tpu.memory_space<vmem>> -> memref<128xi32, #tpu.memory_space<vmem>>
      %dma_start3A_153 = arith.constant 0 : i32
      %dma_start3A_154 = arith.constant 0 : i32
      %dma_start3A_155 = tpu.memref_slice %arg23[%dma_start3A_153, %dma_start3A_154] : memref<10112x64xf32, #tpu.memory_space<vmem_shared>> -> memref<10112x64xf32, #tpu.memory_space<vmem_shared>>
      tpu.enqueue_indirect_dma source(%arg12 : memref<128x64xf32, #tpu.memory_space<vmem>>) target(%dma_start3A_155 : memref<10112x64xf32, #tpu.memory_space<vmem_shared>>) offsets(%dma_start3A_152 : memref<128xi32, #tpu.memory_space<vmem>>) semaphore(%arg21 : memref<!tpu.dma_semaphore, #tpu.memory_space<semaphore_mem>>) {add = true}
      %dma_wait3A_156 = arith.constant 0 : i32
      %dma_wait3A_157 = arith.constant 0 : i32
      %dma_wait3A_158 = tpu.memref_slice %arg8[%rem3A_42, %dma_wait3A_156, %dma_wait3A_157] : memref<2x4x128xi32, #tpu.memory_space<vmem>> -> memref<1x1x128xi32, #tpu.memory_space<vmem>>
      %dma_wait3A_159 = tpu.memref_squeeze %dma_wait3A_158 : memref<1x1x128xi32, #tpu.memory_space<vmem>> -> memref<128xi32, #tpu.memory_space<vmem>>
      %dma_wait3A_160 = arith.constant 0 : i32
      %dma_wait3A_161 = arith.constant 0 : i32
      %dma_wait3A_162 = tpu.memref_slice %arg23[%dma_wait3A_160, %dma_wait3A_161] : memref<10112x64xf32, #tpu.memory_space<vmem_shared>> -> memref<10112x64xf32, #tpu.memory_space<vmem_shared>>
      tpu.wait_indirect_dma semaphore(%arg18 : memref<!tpu.dma_semaphore, #tpu.memory_space<semaphore_mem>>) src(%arg9 : memref<128x64xf32, #tpu.memory_space<vmem>>) dst(%dma_wait3A_162 : memref<10112x64xf32, #tpu.memory_space<vmem_shared>>)
      %dma_wait3A_163 = arith.constant 1 : i32
      %dma_wait3A_164 = arith.constant 0 : i32
      %dma_wait3A_165 = tpu.memref_slice %arg8[%rem3A_42, %dma_wait3A_163, %dma_wait3A_164] : memref<2x4x128xi32, #tpu.memory_space<vmem>> -> memref<1x1x128xi32, #tpu.memory_space<vmem>>
      %dma_wait3A_166 = tpu.memref_squeeze %dma_wait3A_165 : memref<1x1x128xi32, #tpu.memory_space<vmem>> -> memref<128xi32, #tpu.memory_space<vmem>>
      %dma_wait3A_167 = arith.constant 0 : i32
      %dma_wait3A_168 = arith.constant 0 : i32
      %dma_wait3A_169 = tpu.memref_slice %arg23[%dma_wait3A_167, %dma_wait3A_168] : memref<10112x64xf32, #tpu.memory_space<vmem_shared>> -> memref<10112x64xf32, #tpu.memory_space<vmem_shared>>
      tpu.wait_indirect_dma semaphore(%arg19 : memref<!tpu.dma_semaphore, #tpu.memory_space<semaphore_mem>>) src(%arg10 : memref<128x64xf32, #tpu.memory_space<vmem>>) dst(%dma_wait3A_169 : memref<10112x64xf32, #tpu.memory_space<vmem_shared>>)
      %dma_wait3A_170 = arith.constant 2 : i32
      %dma_wait3A_171 = arith.constant 0 : i32
      %dma_wait3A_172 = tpu.memref_slice %arg8[%rem3A_42, %dma_wait3A_170, %dma_wait3A_171] : memref<2x4x128xi32, #tpu.memory_space<vmem>> -> memref<1x1x128xi32, #tpu.memory_space<vmem>>
      %dma_wait3A_173 = tpu.memref_squeeze %dma_wait3A_172 : memref<1x1x128xi32, #tpu.memory_space<vmem>> -> memref<128xi32, #tpu.memory_space<vmem>>
      %dma_wait3A_174 = arith.constant 0 : i32
      %dma_wait3A_175 = arith.constant 0 : i32
      %dma_wait3A_176 = tpu.memref_slice %arg23[%dma_wait3A_174, %dma_wait3A_175] : memref<10112x64xf32, #tpu.memory_space<vmem_shared>> -> memref<10112x64xf32, #tpu.memory_space<vmem_shared>>
      tpu.wait_indirect_dma semaphore(%arg20 : memref<!tpu.dma_semaphore, #tpu.memory_space<semaphore_mem>>) src(%arg11 : memref<128x64xf32, #tpu.memory_space<vmem>>) dst(%dma_wait3A_176 : memref<10112x64xf32, #tpu.memory_space<vmem_shared>>)
      %dma_wait3A_177 = arith.constant 3 : i32
      %dma_wait3A_178 = arith.constant 0 : i32
      %dma_wait3A_179 = tpu.memref_slice %arg8[%rem3A_42, %dma_wait3A_177, %dma_wait3A_178] : memref<2x4x128xi32, #tpu.memory_space<vmem>> -> memref<1x1x128xi32, #tpu.memory_space<vmem>>
      %dma_wait3A_180 = tpu.memref_squeeze %dma_wait3A_179 : memref<1x1x128xi32, #tpu.memory_space<vmem>> -> memref<128xi32, #tpu.memory_space<vmem>>
      %dma_wait3A_181 = arith.constant 0 : i32
      %dma_wait3A_182 = arith.constant 0 : i32
      %dma_wait3A_183 = tpu.memref_slice %arg23[%dma_wait3A_181, %dma_wait3A_182] : memref<10112x64xf32, #tpu.memory_space<vmem_shared>> -> memref<10112x64xf32, #tpu.memory_space<vmem_shared>>
      tpu.wait_indirect_dma semaphore(%arg21 : memref<!tpu.dma_semaphore, #tpu.memory_space<semaphore_mem>>) src(%arg12 : memref<128x64xf32, #tpu.memory_space<vmem>>) dst(%dma_wait3A_183 : memref<10112x64xf32, #tpu.memory_space<vmem_shared>>)
      %dma_wait3A_184 = arith.constant 0 : i32
      %dma_wait3A_185 = arith.constant 0 : i32
      %dma_wait3A_186 = tpu.memref_slice %arg7[%sub3A_44, %dma_wait3A_184, %dma_wait3A_185] : memref<2x4x128xi32, #tpu.memory_space<vmem>> -> memref<1x4x128xi32, #tpu.memory_space<vmem>>
      %dma_wait3A_187 = tpu.memref_squeeze %dma_wait3A_186 : memref<1x4x128xi32, #tpu.memory_space<vmem>> -> memref<4x128xi32, #tpu.memory_space<vmem>>
      %dma_wait3A_188 = arith.constant 0 : i32
      %dma_wait3A_189 = tpu.memref_slice %arg3[%add3A_49, %dma_wait3A_188] : memref<2568x128xi32, #tpu.memory_space<hbm>> -> memref<4x128xi32, #tpu.memory_space<hbm>>
      %dma_wait3A_190 = arith.constant 0 : i32
      %dma_wait3A_191 = arith.constant 0 : i32
      %dma_wait3A_192 = tpu.memref_slice %arg7[%sub3A_44, %dma_wait3A_190, %dma_wait3A_191] : memref<2x4x128xi32, #tpu.memory_space<vmem>> -> memref<1x4x128xi32, #tpu.memory_space<vmem>>
      %dma_wait3A_193 = tpu.memref_squeeze %dma_wait3A_192 : memref<1x4x128xi32, #tpu.memory_space<vmem>> -> memref<4x128xi32, #tpu.memory_space<vmem>>
      %dma_wait3A_194 = arith.constant 0 : i32
      %dma_wait3A_195 = tpu.memref_slice %arg3[%add3A_49, %dma_wait3A_194] : memref<2568x128xi32, #tpu.memory_space<hbm>> -> memref<4x128xi32, #tpu.memory_space<hbm>>
      tpu.wait_dma2 semaphore(%arg13 : memref<!tpu.dma_semaphore, #tpu.memory_space<semaphore_mem>>) src(%dma_wait3A_195 : memref<4x128xi32, #tpu.memory_space<hbm>>) dst(%dma_wait3A_193 : memref<4x128xi32, #tpu.memory_space<vmem>>)
      %dma_wait3A_196 = arith.constant 0 : i32
      %dma_wait3A_197 = arith.constant 0 : i32
      %dma_wait3A_198 = tpu.memref_slice %arg8[%sub3A_44, %dma_wait3A_196, %dma_wait3A_197] : memref<2x4x128xi32, #tpu.memory_space<vmem>> -> memref<1x4x128xi32, #tpu.memory_space<vmem>>
      %dma_wait3A_199 = tpu.memref_squeeze %dma_wait3A_198 : memref<1x4x128xi32, #tpu.memory_space<vmem>> -> memref<4x128xi32, #tpu.memory_space<vmem>>
      %dma_wait3A_200 = arith.constant 0 : i32
      %dma_wait3A_201 = tpu.memref_slice %arg4[%add3A_49, %dma_wait3A_200] : memref<2568x128xi32, #tpu.memory_space<hbm>> -> memref<4x128xi32, #tpu.memory_space<hbm>>
      %dma_wait3A_202 = arith.constant 0 : i32
      %dma_wait3A_203 = arith.constant 0 : i32
      %dma_wait3A_204 = tpu.memref_slice %arg8[%sub3A_44, %dma_wait3A_202, %dma_wait3A_203] : memref<2x4x128xi32, #tpu.memory_space<vmem>> -> memref<1x4x128xi32, #tpu.memory_space<vmem>>
      %dma_wait3A_205 = tpu.memref_squeeze %dma_wait3A_204 : memref<1x4x128xi32, #tpu.memory_space<vmem>> -> memref<4x128xi32, #tpu.memory_space<vmem>>
      %dma_wait3A_206 = arith.constant 0 : i32
      %dma_wait3A_207 = tpu.memref_slice %arg4[%add3A_49, %dma_wait3A_206] : memref<2568x128xi32, #tpu.memory_space<hbm>> -> memref<4x128xi32, #tpu.memory_space<hbm>>
      tpu.wait_dma2 semaphore(%arg13 : memref<!tpu.dma_semaphore, #tpu.memory_space<semaphore_mem>>) src(%dma_wait3A_207 : memref<4x128xi32, #tpu.memory_space<hbm>>) dst(%dma_wait3A_205 : memref<4x128xi32, #tpu.memory_space<vmem>>)
    }
    %while3A_33 = arith.constant 1 : i32
    scf.for %while3A_39 = %while3A_31 to %while3A_27 step %while3A_33  : i32 {
      %mul3A_40 = arith.muli %while3A_39, %while3A : i32
      %add3A_41 = arith.addi %while3A_24, %mul3A_40 : i32
      %rem3A = arith.constant 2 : i32
      %rem3A_42 = arith.remsi %add3A_41, %rem3A : i32
      %sub3A_43 = arith.constant 1 : i32
      %sub3A_44 = arith.subi %sub3A_43, %rem3A_42 : i32
      %add3A_45 = arith.constant 1 : i32
      %add3A_46 = arith.addi %add3A_41, %add3A_45 : i32
      %mul3A_47 = arith.constant 4 : i32
      %mul3A_48 = arith.muli %add3A_46, %mul3A_47 : i32
      %add3A_49 = arith.addi %select_n3A, %mul3A_48 : i32
      %dma_start3A = arith.constant 0 : i32
      %dma_start3A_50 = arith.constant 0 : i32
      %dma_start3A_51 = tpu.memref_slice %arg7[%sub3A_44, %dma_start3A, %dma_start3A_50] : memref<2x4x128xi32, #tpu.memory_space<vmem>> -> memref<1x4x128xi32, #tpu.memory_space<vmem>>
      %dma_start3A_52 = tpu.memref_squeeze %dma_start3A_51 : memref<1x4x128xi32, #tpu.memory_space<vmem>> -> memref<4x128xi32, #tpu.memory_space<vmem>>
      %dma_start3A_53 = arith.constant 0 : i32
      %dma_start3A_54 = tpu.memref_slice %arg3[%add3A_49, %dma_start3A_53] : memref<2568x128xi32, #tpu.memory_space<hbm>> -> memref<4x128xi32, #tpu.memory_space<hbm>>
      %dma_start3A_55 = arith.constant 0 : i32
      %dma_start3A_56 = arith.constant 0 : i32
      %dma_start3A_57 = tpu.memref_slice %arg7[%sub3A_44, %dma_start3A_55, %dma_start3A_56] : memref<2x4x128xi32, #tpu.memory_space<vmem>> -> memref<1x4x128xi32, #tpu.memory_space<vmem>>
      %dma_start3A_58 = tpu.memref_squeeze %dma_start3A_57 : memref<1x4x128xi32, #tpu.memory_space<vmem>> -> memref<4x128xi32, #tpu.memory_space<vmem>>
      %dma_start3A_59 = arith.constant 0 : i32
      %dma_start3A_60 = tpu.memref_slice %arg3[%add3A_49, %dma_start3A_59] : memref<2568x128xi32, #tpu.memory_space<hbm>> -> memref<4x128xi32, #tpu.memory_space<hbm>>
      tpu.enqueue_dma source(%dma_start3A_60 : memref<4x128xi32, #tpu.memory_space<hbm>>) target(%dma_start3A_58 : memref<4x128xi32, #tpu.memory_space<vmem>>) target_semaphore(%arg13 : memref<!tpu.dma_semaphore, #tpu.memory_space<semaphore_mem>>)
      %dma_start3A_61 = arith.constant 0 : i32
      %dma_start3A_62 = arith.constant 0 : i32
      %dma_start3A_63 = tpu.memref_slice %arg8[%sub3A_44, %dma_start3A_61, %dma_start3A_62] : memref<2x4x128xi32, #tpu.memory_space<vmem>> -> memref<1x4x128xi32, #tpu.memory_space<vmem>>
      %dma_start3A_64 = tpu.memref_squeeze %dma_start3A_63 : memref<1x4x128xi32, #tpu.memory_space<vmem>> -> memref<4x128xi32, #tpu.memory_space<vmem>>
      %dma_start3A_65 = arith.constant 0 : i32
      %dma_start3A_66 = tpu.memref_slice %arg4[%add3A_49, %dma_start3A_65] : memref<2568x128xi32, #tpu.memory_space<hbm>> -> memref<4x128xi32, #tpu.memory_space<hbm>>
      %dma_start3A_67 = arith.constant 0 : i32
      %dma_start3A_68 = arith.constant 0 : i32
      %dma_start3A_69 = tpu.memref_slice %arg8[%sub3A_44, %dma_start3A_67, %dma_start3A_68] : memref<2x4x128xi32, #tpu.memory_space<vmem>> -> memref<1x4x128xi32, #tpu.memory_space<vmem>>
      %dma_start3A_70 = tpu.memref_squeeze %dma_start3A_69 : memref<1x4x128xi32, #tpu.memory_space<vmem>> -> memref<4x128xi32, #tpu.memory_space<vmem>>
      %dma_start3A_71 = arith.constant 0 : i32
      %dma_start3A_72 = tpu.memref_slice %arg4[%add3A_49, %dma_start3A_71] : memref<2568x128xi32, #tpu.memory_space<hbm>> -> memref<4x128xi32, #tpu.memory_space<hbm>>
      tpu.enqueue_dma source(%dma_start3A_72 : memref<4x128xi32, #tpu.memory_space<hbm>>) target(%dma_start3A_70 : memref<4x128xi32, #tpu.memory_space<vmem>>) target_semaphore(%arg13 : memref<!tpu.dma_semaphore, #tpu.memory_space<semaphore_mem>>)
      %dma_start3A_73 = arith.constant 0 : i32
      %dma_start3A_74 = arith.constant 0 : i32
      %dma_start3A_75 = tpu.memref_slice %arg7[%rem3A_42, %dma_start3A_73, %dma_start3A_74] : memref<2x4x128xi32, #tpu.memory_space<vmem>> -> memref<1x1x128xi32, #tpu.memory_space<vmem>>
      %dma_start3A_76 = tpu.memref_squeeze %dma_start3A_75 : memref<1x1x128xi32, #tpu.memory_space<vmem>> -> memref<128xi32, #tpu.memory_space<vmem>>
      %dma_start3A_77 = arith.constant 0 : i32
      %dma_start3A_78 = arith.constant 0 : i32
      %dma_start3A_79 = tpu.memref_slice %arg22[%dma_start3A_77, %dma_start3A_78] : memref<10112x64xf32, #tpu.memory_space<vmem_shared>> -> memref<10112x64xf32, #tpu.memory_space<vmem_shared>>
      tpu.enqueue_indirect_dma source(%dma_start3A_79 : memref<10112x64xf32, #tpu.memory_space<vmem_shared>>) target(%arg9 : memref<128x64xf32, #tpu.memory_space<vmem>>) offsets(%dma_start3A_76 : memref<128xi32, #tpu.memory_space<vmem>>) semaphore(%arg14 : memref<!tpu.dma_semaphore, #tpu.memory_space<semaphore_mem>>)
      %dma_start3A_80 = arith.constant 1 : i32
      %dma_start3A_81 = arith.constant 0 : i32
      %dma_start3A_82 = tpu.memref_slice %arg7[%rem3A_42, %dma_start3A_80, %dma_start3A_81] : memref<2x4x128xi32, #tpu.memory_space<vmem>> -> memref<1x1x128xi32, #tpu.memory_space<vmem>>
      %dma_start3A_83 = tpu.memref_squeeze %dma_start3A_82 : memref<1x1x128xi32, #tpu.memory_space<vmem>> -> memref<128xi32, #tpu.memory_space<vmem>>
      %dma_start3A_84 = arith.constant 0 : i32
      %dma_start3A_85 = arith.constant 0 : i32
      %dma_start3A_86 = tpu.memref_slice %arg22[%dma_start3A_84, %dma_start3A_85] : memref<10112x64xf32, #tpu.memory_space<vmem_shared>> -> memref<10112x64xf32, #tpu.memory_space<vmem_shared>>
      tpu.enqueue_indirect_dma source(%dma_start3A_86 : memref<10112x64xf32, #tpu.memory_space<vmem_shared>>) target(%arg10 : memref<128x64xf32, #tpu.memory_space<vmem>>) offsets(%dma_start3A_83 : memref<128xi32, #tpu.memory_space<vmem>>) semaphore(%arg15 : memref<!tpu.dma_semaphore, #tpu.memory_space<semaphore_mem>>)
      %dma_start3A_87 = arith.constant 2 : i32
      %dma_start3A_88 = arith.constant 0 : i32
      %dma_start3A_89 = tpu.memref_slice %arg7[%rem3A_42, %dma_start3A_87, %dma_start3A_88] : memref<2x4x128xi32, #tpu.memory_space<vmem>> -> memref<1x1x128xi32, #tpu.memory_space<vmem>>
      %dma_start3A_90 = tpu.memref_squeeze %dma_start3A_89 : memref<1x1x128xi32, #tpu.memory_space<vmem>> -> memref<128xi32, #tpu.memory_space<vmem>>
      %dma_start3A_91 = arith.constant 0 : i32
      %dma_start3A_92 = arith.constant 0 : i32
      %dma_start3A_93 = tpu.memref_slice %arg22[%dma_start3A_91, %dma_start3A_92] : memref<10112x64xf32, #tpu.memory_space<vmem_shared>> -> memref<10112x64xf32, #tpu.memory_space<vmem_shared>>
      tpu.enqueue_indirect_dma source(%dma_start3A_93 : memref<10112x64xf32, #tpu.memory_space<vmem_shared>>) target(%arg11 : memref<128x64xf32, #tpu.memory_space<vmem>>) offsets(%dma_start3A_90 : memref<128xi32, #tpu.memory_space<vmem>>) semaphore(%arg16 : memref<!tpu.dma_semaphore, #tpu.memory_space<semaphore_mem>>)
      %dma_start3A_94 = arith.constant 3 : i32
      %dma_start3A_95 = arith.constant 0 : i32
      %dma_start3A_96 = tpu.memref_slice %arg7[%rem3A_42, %dma_start3A_94, %dma_start3A_95] : memref<2x4x128xi32, #tpu.memory_space<vmem>> -> memref<1x1x128xi32, #tpu.memory_space<vmem>>
      %dma_start3A_97 = tpu.memref_squeeze %dma_start3A_96 : memref<1x1x128xi32, #tpu.memory_space<vmem>> -> memref<128xi32, #tpu.memory_space<vmem>>
      %dma_start3A_98 = arith.constant 0 : i32
      %dma_start3A_99 = arith.constant 0 : i32
      %dma_start3A_100 = tpu.memref_slice %arg22[%dma_start3A_98, %dma_start3A_99] : memref<10112x64xf32, #tpu.memory_space<vmem_shared>> -> memref<10112x64xf32, #tpu.memory_space<vmem_shared>>
      tpu.enqueue_indirect_dma source(%dma_start3A_100 : memref<10112x64xf32, #tpu.memory_space<vmem_shared>>) target(%arg12 : memref<128x64xf32, #tpu.memory_space<vmem>>) offsets(%dma_start3A_97 : memref<128xi32, #tpu.memory_space<vmem>>) semaphore(%arg17 : memref<!tpu.dma_semaphore, #tpu.memory_space<semaphore_mem>>)
      %dma_wait3A = arith.constant 0 : i32
      %dma_wait3A_101 = arith.constant 0 : i32
      %dma_wait3A_102 = tpu.memref_slice %arg7[%rem3A_42, %dma_wait3A, %dma_wait3A_101] : memref<2x4x128xi32, #tpu.memory_space<vmem>> -> memref<1x1x128xi32, #tpu.memory_space<vmem>>
      %dma_wait3A_103 = tpu.memref_squeeze %dma_wait3A_102 : memref<1x1x128xi32, #tpu.memory_space<vmem>> -> memref<128xi32, #tpu.memory_space<vmem>>
      %dma_wait3A_104 = arith.constant 0 : i32
      %dma_wait3A_105 = arith.constant 0 : i32
      %dma_wait3A_106 = tpu.memref_slice %arg22[%dma_wait3A_104, %dma_wait3A_105] : memref<10112x64xf32, #tpu.memory_space<vmem_shared>> -> memref<10112x64xf32, #tpu.memory_space<vmem_shared>>
      tpu.wait_indirect_dma semaphore(%arg14 : memref<!tpu.dma_semaphore, #tpu.memory_space<semaphore_mem>>) src(%dma_wait3A_106 : memref<10112x64xf32, #tpu.memory_space<vmem_shared>>) dst(%arg9 : memref<128x64xf32, #tpu.memory_space<vmem>>)
      %dma_start3A_107 = arith.constant 0 : i32
      %dma_start3A_108 = arith.constant 0 : i32
      %dma_start3A_109 = tpu.memref_slice %arg8[%rem3A_42, %dma_start3A_107, %dma_start3A_108] : memref<2x4x128xi32, #tpu.memory_space<vmem>> -> memref<1x1x128xi32, #tpu.memory_space<vmem>>
      %dma_start3A_110 = tpu.memref_squeeze %dma_start3A_109 : memref<1x1x128xi32, #tpu.memory_space<vmem>> -> memref<128xi32, #tpu.memory_space<vmem>>
      %dma_start3A_111 = arith.constant 0 : i32
      %dma_start3A_112 = arith.constant 0 : i32
      %dma_start3A_113 = tpu.memref_slice %arg23[%dma_start3A_111, %dma_start3A_112] : memref<10112x64xf32, #tpu.memory_space<vmem_shared>> -> memref<10112x64xf32, #tpu.memory_space<vmem_shared>>
      tpu.enqueue_indirect_dma source(%arg9 : memref<128x64xf32, #tpu.memory_space<vmem>>) target(%dma_start3A_113 : memref<10112x64xf32, #tpu.memory_space<vmem_shared>>) offsets(%dma_start3A_110 : memref<128xi32, #tpu.memory_space<vmem>>) semaphore(%arg18 : memref<!tpu.dma_semaphore, #tpu.memory_space<semaphore_mem>>) {add = true}
      %dma_wait3A_114 = arith.constant 1 : i32
      %dma_wait3A_115 = arith.constant 0 : i32
      %dma_wait3A_116 = tpu.memref_slice %arg7[%rem3A_42, %dma_wait3A_114, %dma_wait3A_115] : memref<2x4x128xi32, #tpu.memory_space<vmem>> -> memref<1x1x128xi32, #tpu.memory_space<vmem>>
      %dma_wait3A_117 = tpu.memref_squeeze %dma_wait3A_116 : memref<1x1x128xi32, #tpu.memory_space<vmem>> -> memref<128xi32, #tpu.memory_space<vmem>>
      %dma_wait3A_118 = arith.constant 0 : i32
      %dma_wait3A_119 = arith.constant 0 : i32
      %dma_wait3A_120 = tpu.memref_slice %arg22[%dma_wait3A_118, %dma_wait3A_119] : memref<10112x64xf32, #tpu.memory_space<vmem_shared>> -> memref<10112x64xf32, #tpu.memory_space<vmem_shared>>
      tpu.wait_indirect_dma semaphore(%arg15 : memref<!tpu.dma_semaphore, #tpu.memory_space<semaphore_mem>>) src(%dma_wait3A_120 : memref<10112x64xf32, #tpu.memory_space<vmem_shared>>) dst(%arg10 : memref<128x64xf32, #tpu.memory_space<vmem>>)
      %dma_start3A_121 = arith.constant 1 : i32
      %dma_start3A_122 = arith.constant 0 : i32
      %dma_start3A_123 = tpu.memref_slice %arg8[%rem3A_42, %dma_start3A_121, %dma_start3A_122] : memref<2x4x128xi32, #tpu.memory_space<vmem>> -> memref<1x1x128xi32, #tpu.memory_space<vmem>>
      %dma_start3A_124 = tpu.memref_squeeze %dma_start3A_123 : memref<1x1x128xi32, #tpu.memory_space<vmem>> -> memref<128xi32, #tpu.memory_space<vmem>>
      %dma_start3A_125 = arith.constant 0 : i32
      %dma_start3A_126 = arith.constant 0 : i32
      %dma_start3A_127 = tpu.memref_slice %arg23[%dma_start3A_125, %dma_start3A_126] : memref<10112x64xf32, #tpu.memory_space<vmem_shared>> -> memref<10112x64xf32, #tpu.memory_space<vmem_shared>>
      tpu.enqueue_indirect_dma source(%arg10 : memref<128x64xf32, #tpu.memory_space<vmem>>) target(%dma_start3A_127 : memref<10112x64xf32, #tpu.memory_space<vmem_shared>>) offsets(%dma_start3A_124 : memref<128xi32, #tpu.memory_space<vmem>>) semaphore(%arg19 : memref<!tpu.dma_semaphore, #tpu.memory_space<semaphore_mem>>) {add = true}
      %dma_wait3A_128 = arith.constant 2 : i32
      %dma_wait3A_129 = arith.constant 0 : i32
      %dma_wait3A_130 = tpu.memref_slice %arg7[%rem3A_42, %dma_wait3A_128, %dma_wait3A_129] : memref<2x4x128xi32, #tpu.memory_space<vmem>> -> memref<1x1x128xi32, #tpu.memory_space<vmem>>
      %dma_wait3A_131 = tpu.memref_squeeze %dma_wait3A_130 : memref<1x1x128xi32, #tpu.memory_space<vmem>> -> memref<128xi32, #tpu.memory_space<vmem>>
      %dma_wait3A_132 = arith.constant 0 : i32
      %dma_wait3A_133 = arith.constant 0 : i32
      %dma_wait3A_134 = tpu.memref_slice %arg22[%dma_wait3A_132, %dma_wait3A_133] : memref<10112x64xf32, #tpu.memory_space<vmem_shared>> -> memref<10112x64xf32, #tpu.memory_space<vmem_shared>>
      tpu.wait_indirect_dma semaphore(%arg16 : memref<!tpu.dma_semaphore, #tpu.memory_space<semaphore_mem>>) src(%dma_wait3A_134 : memref<10112x64xf32, #tpu.memory_space<vmem_shared>>) dst(%arg11 : memref<128x64xf32, #tpu.memory_space<vmem>>)
      %dma_start3A_135 = arith.constant 2 : i32
      %dma_start3A_136 = arith.constant 0 : i32
      %dma_start3A_137 = tpu.memref_slice %arg8[%rem3A_42, %dma_start3A_135, %dma_start3A_136] : memref<2x4x128xi32, #tpu.memory_space<vmem>> -> memref<1x1x128xi32, #tpu.memory_space<vmem>>
      %dma_start3A_138 = tpu.memref_squeeze %dma_start3A_137 : memref<1x1x128xi32, #tpu.memory_space<vmem>> -> memref<128xi32, #tpu.memory_space<vmem>>
      %dma_start3A_139 = arith.constant 0 : i32
      %dma_start3A_140 = arith.constant 0 : i32
      %dma_start3A_141 = tpu.memref_slice %arg23[%dma_start3A_139, %dma_start3A_140] : memref<10112x64xf32, #tpu.memory_space<vmem_shared>> -> memref<10112x64xf32, #tpu.memory_space<vmem_shared>>
      tpu.enqueue_indirect_dma source(%arg11 : memref<128x64xf32, #tpu.memory_space<vmem>>) target(%dma_start3A_141 : memref<10112x64xf32, #tpu.memory_space<vmem_shared>>) offsets(%dma_start3A_138 : memref<128xi32, #tpu.memory_space<vmem>>) semaphore(%arg20 : memref<!tpu.dma_semaphore, #tpu.memory_space<semaphore_mem>>) {add = true}
      %dma_wait3A_142 = arith.constant 3 : i32
      %dma_wait3A_143 = arith.constant 0 : i32
      %dma_wait3A_144 = tpu.memref_slice %arg7[%rem3A_42, %dma_wait3A_142, %dma_wait3A_143] : memref<2x4x128xi32, #tpu.memory_space<vmem>> -> memref<1x1x128xi32, #tpu.memory_space<vmem>>
      %dma_wait3A_145 = tpu.memref_squeeze %dma_wait3A_144 : memref<1x1x128xi32, #tpu.memory_space<vmem>> -> memref<128xi32, #tpu.memory_space<vmem>>
      %dma_wait3A_146 = arith.constant 0 : i32
      %dma_wait3A_147 = arith.constant 0 : i32
      %dma_wait3A_148 = tpu.memref_slice %arg22[%dma_wait3A_146, %dma_wait3A_147] : memref<10112x64xf32, #tpu.memory_space<vmem_shared>> -> memref<10112x64xf32, #tpu.memory_space<vmem_shared>>
      tpu.wait_indirect_dma semaphore(%arg17 : memref<!tpu.dma_semaphore, #tpu.memory_space<semaphore_mem>>) src(%dma_wait3A_148 : memref<10112x64xf32, #tpu.memory_space<vmem_shared>>) dst(%arg12 : memref<128x64xf32, #tpu.memory_space<vmem>>)
      %dma_start3A_149 = arith.constant 3 : i32
      %dma_start3A_150 = arith.constant 0 : i32
      %dma_start3A_151 = tpu.memref_slice %arg8[%rem3A_42, %dma_start3A_149, %dma_start3A_150] : memref<2x4x128xi32, #tpu.memory_space<vmem>> -> memref<1x1x128xi32, #tpu.memory_space<vmem>>
      %dma_start3A_152 = tpu.memref_squeeze %dma_start3A_151 : memref<1x1x128xi32, #tpu.memory_space<vmem>> -> memref<128xi32, #tpu.memory_space<vmem>>
      %dma_start3A_153 = arith.constant 0 : i32
      %dma_start3A_154 = arith.constant 0 : i32
      %dma_start3A_155 = tpu.memref_slice %arg23[%dma_start3A_153, %dma_start3A_154] : memref<10112x64xf32, #tpu.memory_space<vmem_shared>> -> memref<10112x64xf32, #tpu.memory_space<vmem_shared>>
      tpu.enqueue_indirect_dma source(%arg12 : memref<128x64xf32, #tpu.memory_space<vmem>>) target(%dma_start3A_155 : memref<10112x64xf32, #tpu.memory_space<vmem_shared>>) offsets(%dma_start3A_152 : memref<128xi32, #tpu.memory_space<vmem>>) semaphore(%arg21 : memref<!tpu.dma_semaphore, #tpu.memory_space<semaphore_mem>>) {add = true}
      %dma_wait3A_156 = arith.constant 0 : i32
      %dma_wait3A_157 = arith.constant 0 : i32
      %dma_wait3A_158 = tpu.memref_slice %arg8[%rem3A_42, %dma_wait3A_156, %dma_wait3A_157] : memref<2x4x128xi32, #tpu.memory_space<vmem>> -> memref<1x1x128xi32, #tpu.memory_space<vmem>>
      %dma_wait3A_159 = tpu.memref_squeeze %dma_wait3A_158 : memref<1x1x128xi32, #tpu.memory_space<vmem>> -> memref<128xi32, #tpu.memory_space<vmem>>
      %dma_wait3A_160 = arith.constant 0 : i32
      %dma_wait3A_161 = arith.constant 0 : i32
      %dma_wait3A_162 = tpu.memref_slice %arg23[%dma_wait3A_160, %dma_wait3A_161] : memref<10112x64xf32, #tpu.memory_space<vmem_shared>> -> memref<10112x64xf32, #tpu.memory_space<vmem_shared>>
      tpu.wait_indirect_dma semaphore(%arg18 : memref<!tpu.dma_semaphore, #tpu.memory_space<semaphore_mem>>) src(%arg9 : memref<128x64xf32, #tpu.memory_space<vmem>>) dst(%dma_wait3A_162 : memref<10112x64xf32, #tpu.memory_space<vmem_shared>>)
      %dma_wait3A_163 = arith.constant 1 : i32
      %dma_wait3A_164 = arith.constant 0 : i32
      %dma_wait3A_165 = tpu.memref_slice %arg8[%rem3A_42, %dma_wait3A_163, %dma_wait3A_164] : memref<2x4x128xi32, #tpu.memory_space<vmem>> -> memref<1x1x128xi32, #tpu.memory_space<vmem>>
      %dma_wait3A_166 = tpu.memref_squeeze %dma_wait3A_165 : memref<1x1x128xi32, #tpu.memory_space<vmem>> -> memref<128xi32, #tpu.memory_space<vmem>>
      %dma_wait3A_167 = arith.constant 0 : i32
      %dma_wait3A_168 = arith.constant 0 : i32
      %dma_wait3A_169 = tpu.memref_slice %arg23[%dma_wait3A_167, %dma_wait3A_168] : memref<10112x64xf32, #tpu.memory_space<vmem_shared>> -> memref<10112x64xf32, #tpu.memory_space<vmem_shared>>
      tpu.wait_indirect_dma semaphore(%arg19 : memref<!tpu.dma_semaphore, #tpu.memory_space<semaphore_mem>>) src(%arg10 : memref<128x64xf32, #tpu.memory_space<vmem>>) dst(%dma_wait3A_169 : memref<10112x64xf32, #tpu.memory_space<vmem_shared>>)
      %dma_wait3A_170 = arith.constant 2 : i32
      %dma_wait3A_171 = arith.constant 0 : i32
      %dma_wait3A_172 = tpu.memref_slice %arg8[%rem3A_42, %dma_wait3A_170, %dma_wait3A_171] : memref<2x4x128xi32, #tpu.memory_space<vmem>> -> memref<1x1x128xi32, #tpu.memory_space<vmem>>
      %dma_wait3A_173 = tpu.memref_squeeze %dma_wait3A_172 : memref<1x1x128xi32, #tpu.memory_space<vmem>> -> memref<128xi32, #tpu.memory_space<vmem>>
      %dma_wait3A_174 = arith.constant 0 : i32
      %dma_wait3A_175 = arith.constant 0 : i32
      %dma_wait3A_176 = tpu.memref_slice %arg23[%dma_wait3A_174, %dma_wait3A_175] : memref<10112x64xf32, #tpu.memory_space<vmem_shared>> -> memref<10112x64xf32, #tpu.memory_space<vmem_shared>>
      tpu.wait_indirect_dma semaphore(%arg20 : memref<!tpu.dma_semaphore, #tpu.memory_space<semaphore_mem>>) src(%arg11 : memref<128x64xf32, #tpu.memory_space<vmem>>) dst(%dma_wait3A_176 : memref<10112x64xf32, #tpu.memory_space<vmem_shared>>)
      %dma_wait3A_177 = arith.constant 3 : i32
      %dma_wait3A_178 = arith.constant 0 : i32
      %dma_wait3A_179 = tpu.memref_slice %arg8[%rem3A_42, %dma_wait3A_177, %dma_wait3A_178] : memref<2x4x128xi32, #tpu.memory_space<vmem>> -> memref<1x1x128xi32, #tpu.memory_space<vmem>>
      %dma_wait3A_180 = tpu.memref_squeeze %dma_wait3A_179 : memref<1x1x128xi32, #tpu.memory_space<vmem>> -> memref<128xi32, #tpu.memory_space<vmem>>
      %dma_wait3A_181 = arith.constant 0 : i32
      %dma_wait3A_182 = arith.constant 0 : i32
      %dma_wait3A_183 = tpu.memref_slice %arg23[%dma_wait3A_181, %dma_wait3A_182] : memref<10112x64xf32, #tpu.memory_space<vmem_shared>> -> memref<10112x64xf32, #tpu.memory_space<vmem_shared>>
      tpu.wait_indirect_dma semaphore(%arg21 : memref<!tpu.dma_semaphore, #tpu.memory_space<semaphore_mem>>) src(%arg12 : memref<128x64xf32, #tpu.memory_space<vmem>>) dst(%dma_wait3A_183 : memref<10112x64xf32, #tpu.memory_space<vmem_shared>>)
      %dma_wait3A_184 = arith.constant 0 : i32
      %dma_wait3A_185 = arith.constant 0 : i32
      %dma_wait3A_186 = tpu.memref_slice %arg7[%sub3A_44, %dma_wait3A_184, %dma_wait3A_185] : memref<2x4x128xi32, #tpu.memory_space<vmem>> -> memref<1x4x128xi32, #tpu.memory_space<vmem>>
      %dma_wait3A_187 = tpu.memref_squeeze %dma_wait3A_186 : memref<1x4x128xi32, #tpu.memory_space<vmem>> -> memref<4x128xi32, #tpu.memory_space<vmem>>
      %dma_wait3A_188 = arith.constant 0 : i32
      %dma_wait3A_189 = tpu.memref_slice %arg3[%add3A_49, %dma_wait3A_188] : memref<2568x128xi32, #tpu.memory_space<hbm>> -> memref<4x128xi32, #tpu.memory_space<hbm>>
      %dma_wait3A_190 = arith.constant 0 : i32
      %dma_wait3A_191 = arith.constant 0 : i32
      %dma_wait3A_192 = tpu.memref_slice %arg7[%sub3A_44, %dma_wait3A_190, %dma_wait3A_191] : memref<2x4x128xi32, #tpu.memory_space<vmem>> -> memref<1x4x128xi32, #tpu.memory_space<vmem>>
      %dma_wait3A_193 = tpu.memref_squeeze %dma_wait3A_192 : memref<1x4x128xi32, #tpu.memory_space<vmem>> -> memref<4x128xi32, #tpu.memory_space<vmem>>
      %dma_wait3A_194 = arith.constant 0 : i32
      %dma_wait3A_195 = tpu.memref_slice %arg3[%add3A_49, %dma_wait3A_194] : memref<2568x128xi32, #tpu.memory_space<hbm>> -> memref<4x128xi32, #tpu.memory_space<hbm>>
      tpu.wait_dma2 semaphore(%arg13 : memref<!tpu.dma_semaphore, #tpu.memory_space<semaphore_mem>>) src(%dma_wait3A_195 : memref<4x128xi32, #tpu.memory_space<hbm>>) dst(%dma_wait3A_193 : memref<4x128xi32, #tpu.memory_space<vmem>>)
      %dma_wait3A_196 = arith.constant 0 : i32
      %dma_wait3A_197 = arith.constant 0 : i32
      %dma_wait3A_198 = tpu.memref_slice %arg8[%sub3A_44, %dma_wait3A_196, %dma_wait3A_197] : memref<2x4x128xi32, #tpu.memory_space<vmem>> -> memref<1x4x128xi32, #tpu.memory_space<vmem>>
      %dma_wait3A_199 = tpu.memref_squeeze %dma_wait3A_198 : memref<1x4x128xi32, #tpu.memory_space<vmem>> -> memref<4x128xi32, #tpu.memory_space<vmem>>
      %dma_wait3A_200 = arith.constant 0 : i32
      %dma_wait3A_201 = tpu.memref_slice %arg4[%add3A_49, %dma_wait3A_200] : memref<2568x128xi32, #tpu.memory_space<hbm>> -> memref<4x128xi32, #tpu.memory_space<hbm>>
      %dma_wait3A_202 = arith.constant 0 : i32
      %dma_wait3A_203 = arith.constant 0 : i32
      %dma_wait3A_204 = tpu.memref_slice %arg8[%sub3A_44, %dma_wait3A_202, %dma_wait3A_203] : memref<2x4x128xi32, #tpu.memory_space<vmem>> -> memref<1x4x128xi32, #tpu.memory_space<vmem>>
      %dma_wait3A_205 = tpu.memref_squeeze %dma_wait3A_204 : memref<1x4x128xi32, #tpu.memory_space<vmem>> -> memref<4x128xi32, #tpu.memory_space<vmem>>
      %dma_wait3A_206 = arith.constant 0 : i32
      %dma_wait3A_207 = tpu.memref_slice %arg4[%add3A_49, %dma_wait3A_206] : memref<2568x128xi32, #tpu.memory_space<hbm>> -> memref<4x128xi32, #tpu.memory_space<hbm>>
      tpu.wait_dma2 semaphore(%arg13 : memref<!tpu.dma_semaphore, #tpu.memory_space<semaphore_mem>>) src(%dma_wait3A_207 : memref<4x128xi32, #tpu.memory_space<hbm>>) dst(%dma_wait3A_205 : memref<4x128xi32, #tpu.memory_space<vmem>>)
    }
    %barrier3A_34 = arith.constant 0 : index
    tpu.barrier barrier_id(%barrier3A_34)
    %mul3A_35 = arith.constant 632 : i32
    %mul3A_36 = arith.muli %arg1, %mul3A_35 : i32
    %mul3A_37 = arith.constant 632 : i32
    %mul3A_38 = arith.muli %arg1, %mul3A_37 : i32
    "tpu.region"() ({
      %run_scoped3A_39 = tpu.sem_alloc : memref<!tpu.dma_semaphore, #tpu.memory_space<semaphore_mem>>
      %dma_start3A = arith.constant 0 : i32
      %dma_start3A_40 = arith.constant 0 : i32
      %dma_start3A_41 = tpu.memref_slice %arg6[%arg0, %dma_start3A, %dma_start3A_40] : memref<2x10112x64xf32, #tpu.memory_space<hbm>> -> memref<1x10112x64xf32, #tpu.memory_space<hbm>>
      %dma_start3A_42 = tpu.memref_squeeze %dma_start3A_41 : memref<1x10112x64xf32, #tpu.memory_space<hbm>> -> memref<10112x64xf32, #tpu.memory_space<hbm>>
      %dma_start3A_43 = arith.constant 0 : i32
      %dma_start3A_44 = tpu.memref_slice %dma_start3A_42[%mul3A_38, %dma_start3A_43] : memref<10112x64xf32, #tpu.memory_space<hbm>> -> memref<632x64xf32, #tpu.memory_space<hbm>>
      %dma_start3A_45 = arith.constant 0 : i32
      %dma_start3A_46 = tpu.memref_slice %arg23[%mul3A_36, %dma_start3A_45] : memref<10112x64xf32, #tpu.memory_space<vmem_shared>> -> memref<632x64xf32, #tpu.memory_space<vmem_shared>>
      tpu.enqueue_dma source(%dma_start3A_46 : memref<632x64xf32, #tpu.memory_space<vmem_shared>>) target(%dma_start3A_44 : memref<632x64xf32, #tpu.memory_space<hbm>>) target_semaphore(%run_scoped3A_39 : memref<!tpu.dma_semaphore, #tpu.memory_space<semaphore_mem>>)
      %dma_wait3A = arith.constant 0 : i32
      %dma_wait3A_47 = arith.constant 0 : i32
      %dma_wait3A_48 = tpu.memref_slice %arg6[%arg0, %dma_wait3A, %dma_wait3A_47] : memref<2x10112x64xf32, #tpu.memory_space<hbm>> -> memref<1x10112x64xf32, #tpu.memory_space<hbm>>
      %dma_wait3A_49 = tpu.memref_squeeze %dma_wait3A_48 : memref<1x10112x64xf32, #tpu.memory_space<hbm>> -> memref<10112x64xf32, #tpu.memory_space<hbm>>
      %dma_wait3A_50 = arith.constant 0 : i32
      %dma_wait3A_51 = tpu.memref_slice %dma_wait3A_49[%mul3A_38, %dma_wait3A_50] : memref<10112x64xf32, #tpu.memory_space<hbm>> -> memref<632x64xf32, #tpu.memory_space<hbm>>
      %dma_wait3A_52 = arith.constant 0 : i32
      %dma_wait3A_53 = tpu.memref_slice %arg23[%mul3A_36, %dma_wait3A_52] : memref<10112x64xf32, #tpu.memory_space<vmem_shared>> -> memref<632x64xf32, #tpu.memory_space<vmem_shared>>
      tpu.wait_dma2 semaphore(%run_scoped3A_39 : memref<!tpu.dma_semaphore, #tpu.memory_space<semaphore_mem>>) src(%dma_wait3A_53 : memref<632x64xf32, #tpu.memory_space<vmem_shared>>) dst(%dma_wait3A_51 : memref<632x64xf32, #tpu.memory_space<hbm>>)
      tpu.yield
    }) : () -> ()
    return
  }
}

#map = affine_map<(d0, d1) -> (0, 0)>
#map1 = affine_map<(d0, d1) -> (0, 0, 0)>
module attributes {stable_mosaic.version = 14 : i64} {
  func.func @spmm_kernel(%arg0: i32, %arg1: i32, %arg2: memref<10112x128xf32, #tpu.memory_space<hbm>>, %arg3: memref<2568x128xi32, #tpu.memory_space<hbm>>, %arg4: memref<2568x128xi32, #tpu.memory_space<hbm>>, %arg5: memref<10112x64xf32, #tpu.memory_space<hbm>>, %arg6: memref<2x10112x64xf32, #tpu.memory_space<hbm>>, %arg7: memref<2x4x128xi32, #tpu.memory_space<vmem>>, %arg8: memref<2x4x128xi32, #tpu.memory_space<vmem>>, %arg9: memref<128x64xf32, #tpu.memory_space<vmem>>, %arg10: memref<128x64xf32, #tpu.memory_space<vmem>>, %arg11: memref<128x64xf32, #tpu.memory_space<vmem>>, %arg12: memref<128x64xf32, #tpu.memory_space<vmem>>, %arg13: memref<!tpu.dma_semaphore, #tpu.memory_space<semaphore_mem>>, %arg14: memref<!tpu.dma_semaphore, #tpu.memory_space<semaphore_mem>>, %arg15: memref<!tpu.dma_semaphore, #tpu.memory_space<semaphore_mem>>, %arg16: memref<!tpu.dma_semaphore, #tpu.memory_space<semaphore_mem>>, %arg17: memref<!tpu.dma_semaphore, #tpu.memory_space<semaphore_mem>>, %arg18: memref<!tpu.dma_semaphore, #tpu.memory_space<semaphore_mem>>, %arg19: memref<!tpu.dma_semaphore, #tpu.memory_space<semaphore_mem>>, %arg20: memref<!tpu.dma_semaphore, #tpu.memory_space<semaphore_mem>>, %arg21: memref<!tpu.dma_semaphore, #tpu.memory_space<semaphore_mem>>, %arg22: memref<10112x64xf32, #tpu.memory_space<vmem_shared>>, %arg23: memref<10112x64xf32, #tpu.memory_space<vmem_shared>>) attributes {dimension_semantics = [#tpu.dimension_semantics<core_parallel>, #tpu.dimension_semantics<subcore_parallel>], iteration_bounds = array<i64: 2, 16>, scalar_prefetch = 0 : i64, scratch_operands = 17 : i64, tpu.core_type = #tpu.core_type<sc_vector_subcore>, window_params = [{transform_indices = #map}, {transform_indices = #map}, {transform_indices = #map}, {transform_indices = #map}, {transform_indices = #map1}]} {
    %eq3A = arith.constant 0 : i32
    %eq3A_0 = arith.cmpi eq, %arg0, %eq3A : i32
    %mul3A = arith.constant 92 : i32
    %mul3A_1 = arith.muli %arg1, %mul3A : i32
    %mul3A_2 = arith.constant 68 : i32
    %mul3A_3 = arith.muli %arg1, %mul3A_2 : i32
    %add3A = arith.constant 1472 : i32
    %add3A_4 = arith.addi %add3A, %mul3A_3 : i32
    %select_n3A = arith.select %eq3A_0, %mul3A_1, %add3A_4 : i32
    %eq3A_5 = arith.constant 0 : i32
    %eq3A_6 = arith.cmpi eq, %arg0, %eq3A_5 : i32
    %jit3A = arith.constant 23 : i32
    %jit3A_7 = arith.constant 17 : i32
    %select_n3A_8 = arith.select %eq3A_6, %jit3A, %jit3A_7 : i32
    %run_scoped3A = arith.constant 0 : i32
    "tpu.region"() ({
      %run_scoped3A_39 = tpu.sem_alloc : memref<!tpu.dma_semaphore, #tpu.memory_space<semaphore_mem>>
      %dma_start3A = arith.constant 0 : i32
      %dma_start3A_40 = arith.constant 0 : i32
      %dma_start3A_41 = tpu.memref_slice %arg7[%run_scoped3A, %dma_start3A, %dma_start3A_40] : memref<2x4x128xi32, #tpu.memory_space<vmem>> -> memref<1x4x128xi32, #tpu.memory_space<vmem>>
      %dma_start3A_42 = tpu.memref_squeeze %dma_start3A_41 : memref<1x4x128xi32, #tpu.memory_space<vmem>> -> memref<4x128xi32, #tpu.memory_space<vmem>>
      %dma_start3A_43 = arith.constant 0 : i32
      %dma_start3A_44 = tpu.memref_slice %arg3[%select_n3A, %dma_start3A_43] : memref<2568x128xi32, #tpu.memory_space<hbm>> -> memref<4x128xi32, #tpu.memory_space<hbm>>
      %dma_start3A_45 = arith.constant 0 : i32
      %dma_start3A_46 = arith.constant 0 : i32
      %dma_start3A_47 = tpu.memref_slice %arg7[%run_scoped3A, %dma_start3A_45, %dma_start3A_46] : memref<2x4x128xi32, #tpu.memory_space<vmem>> -> memref<1x4x128xi32, #tpu.memory_space<vmem>>
      %dma_start3A_48 = tpu.memref_squeeze %dma_start3A_47 : memref<1x4x128xi32, #tpu.memory_space<vmem>> -> memref<4x128xi32, #tpu.memory_space<vmem>>
      %dma_start3A_49 = arith.constant 0 : i32
      %dma_start3A_50 = tpu.memref_slice %arg3[%select_n3A, %dma_start3A_49] : memref<2568x128xi32, #tpu.memory_space<hbm>> -> memref<4x128xi32, #tpu.memory_space<hbm>>
      tpu.enqueue_dma source(%dma_start3A_50 : memref<4x128xi32, #tpu.memory_space<hbm>>) target(%dma_start3A_48 : memref<4x128xi32, #tpu.memory_space<vmem>>) target_semaphore(%run_scoped3A_39 : memref<!tpu.dma_semaphore, #tpu.memory_space<semaphore_mem>>)
      %dma_wait3A = arith.constant 0 : i32
      %dma_wait3A_51 = arith.constant 0 : i32
      %dma_wait3A_52 = tpu.memref_slice %arg7[%run_scoped3A, %dma_wait3A, %dma_wait3A_51] : memref<2x4x128xi32, #tpu.memory_space<vmem>> -> memref<1x4x128xi32, #tpu.memory_space<vmem>>
      %dma_wait3A_53 = tpu.memref_squeeze %dma_wait3A_52 : memref<1x4x128xi32, #tpu.memory_space<vmem>> -> memref<4x128xi32, #tpu.memory_space<vmem>>
      %dma_wait3A_54 = arith.constant 0 : i32
      %dma_wait3A_55 = tpu.memref_slice %arg3[%select_n3A, %dma_wait3A_54] : memref<2568x128xi32, #tpu.memory_space<hbm>> -> memref<4x128xi32, #tpu.memory_space<hbm>>
      %dma_wait3A_56 = arith.constant 0 : i32
      %dma_wait3A_57 = arith.constant 0 : i32
      %dma_wait3A_58 = tpu.memref_slice %arg7[%run_scoped3A, %dma_wait3A_56, %dma_wait3A_57] : memref<2x4x128xi32, #tpu.memory_space<vmem>> -> memref<1x4x128xi32, #tpu.memory_space<vmem>>
      %dma_wait3A_59 = tpu.memref_squeeze %dma_wait3A_58 : memref<1x4x128xi32, #tpu.memory_space<vmem>> -> memref<4x128xi32, #tpu.memory_space<vmem>>
      %dma_wait3A_60 = arith.constant 0 : i32
      %dma_wait3A_61 = tpu.memref_slice %arg3[%select_n3A, %dma_wait3A_60] : memref<2568x128xi32, #tpu.memory_space<hbm>> -> memref<4x128xi32, #tpu.memory_space<hbm>>
      tpu.wait_dma2 semaphore(%run_scoped3A_39 : memref<!tpu.dma_semaphore, #tpu.memory_space<semaphore_mem>>) src(%dma_wait3A_61 : memref<4x128xi32, #tpu.memory_space<hbm>>) dst(%dma_wait3A_59 : memref<4x128xi32, #tpu.memory_space<vmem>>)
      tpu.yield
    }) : () -> ()
    %run_scoped3A_9 = arith.constant 0 : i32
    "tpu.region"() ({
      %run_scoped3A_39 = tpu.sem_alloc : memref<!tpu.dma_semaphore, #tpu.memory_space<semaphore_mem>>
      %dma_start3A = arith.constant 0 : i32
      %dma_start3A_40 = arith.constant 0 : i32
      %dma_start3A_41 = tpu.memref_slice %arg8[%run_scoped3A_9, %dma_start3A, %dma_start3A_40] : memref<2x4x128xi32, #tpu.memory_space<vmem>> -> memref<1x4x128xi32, #tpu.memory_space<vmem>>
      %dma_start3A_42 = tpu.memref_squeeze %dma_start3A_41 : memref<1x4x128xi32, #tpu.memory_space<vmem>> -> memref<4x128xi32, #tpu.memory_space<vmem>>
      %dma_start3A_43 = arith.constant 0 : i32
      %dma_start3A_44 = tpu.memref_slice %arg4[%select_n3A, %dma_start3A_43] : memref<2568x128xi32, #tpu.memory_space<hbm>> -> memref<4x128xi32, #tpu.memory_space<hbm>>
      %dma_start3A_45 = arith.constant 0 : i32
      %dma_start3A_46 = arith.constant 0 : i32
      %dma_start3A_47 = tpu.memref_slice %arg8[%run_scoped3A_9, %dma_start3A_45, %dma_start3A_46] : memref<2x4x128xi32, #tpu.memory_space<vmem>> -> memref<1x4x128xi32, #tpu.memory_space<vmem>>
      %dma_start3A_48 = tpu.memref_squeeze %dma_start3A_47 : memref<1x4x128xi32, #tpu.memory_space<vmem>> -> memref<4x128xi32, #tpu.memory_space<vmem>>
      %dma_start3A_49 = arith.constant 0 : i32
      %dma_start3A_50 = tpu.memref_slice %arg4[%select_n3A, %dma_start3A_49] : memref<2568x128xi32, #tpu.memory_space<hbm>> -> memref<4x128xi32, #tpu.memory_space<hbm>>
      tpu.enqueue_dma source(%dma_start3A_50 : memref<4x128xi32, #tpu.memory_space<hbm>>) target(%dma_start3A_48 : memref<4x128xi32, #tpu.memory_space<vmem>>) target_semaphore(%run_scoped3A_39 : memref<!tpu.dma_semaphore, #tpu.memory_space<semaphore_mem>>)
      %dma_wait3A = arith.constant 0 : i32
      %dma_wait3A_51 = arith.constant 0 : i32
      %dma_wait3A_52 = tpu.memref_slice %arg8[%run_scoped3A_9, %dma_wait3A, %dma_wait3A_51] : memref<2x4x128xi32, #tpu.memory_space<vmem>> -> memref<1x4x128xi32, #tpu.memory_space<vmem>>
      %dma_wait3A_53 = tpu.memref_squeeze %dma_wait3A_52 : memref<1x4x128xi32, #tpu.memory_space<vmem>> -> memref<4x128xi32, #tpu.memory_space<vmem>>
      %dma_wait3A_54 = arith.constant 0 : i32
      %dma_wait3A_55 = tpu.memref_slice %arg4[%select_n3A, %dma_wait3A_54] : memref<2568x128xi32, #tpu.memory_space<hbm>> -> memref<4x128xi32, #tpu.memory_space<hbm>>
      %dma_wait3A_56 = arith.constant 0 : i32
      %dma_wait3A_57 = arith.constant 0 : i32
      %dma_wait3A_58 = tpu.memref_slice %arg8[%run_scoped3A_9, %dma_wait3A_56, %dma_wait3A_57] : memref<2x4x128xi32, #tpu.memory_space<vmem>> -> memref<1x4x128xi32, #tpu.memory_space<vmem>>
      %dma_wait3A_59 = tpu.memref_squeeze %dma_wait3A_58 : memref<1x4x128xi32, #tpu.memory_space<vmem>> -> memref<4x128xi32, #tpu.memory_space<vmem>>
      %dma_wait3A_60 = arith.constant 0 : i32
      %dma_wait3A_61 = tpu.memref_slice %arg4[%select_n3A, %dma_wait3A_60] : memref<2568x128xi32, #tpu.memory_space<hbm>> -> memref<4x128xi32, #tpu.memory_space<hbm>>
      tpu.wait_dma2 semaphore(%run_scoped3A_39 : memref<!tpu.dma_semaphore, #tpu.memory_space<semaphore_mem>>) src(%dma_wait3A_61 : memref<4x128xi32, #tpu.memory_space<hbm>>) dst(%dma_wait3A_59 : memref<4x128xi32, #tpu.memory_space<vmem>>)
      tpu.yield
    }) : () -> ()
    %mul3A_10 = arith.constant 632 : i32
    %mul3A_11 = arith.muli %arg1, %mul3A_10 : i32
    %mul3A_12 = arith.constant 632 : i32
    %mul3A_13 = arith.muli %arg1, %mul3A_12 : i32
    "tpu.region"() ({
      %run_scoped3A_39 = tpu.sem_alloc : memref<!tpu.dma_semaphore, #tpu.memory_space<semaphore_mem>>
      %dma_start3A = arith.constant 0 : i32
      %dma_start3A_40 = tpu.memref_slice %arg22[%mul3A_13, %dma_start3A] : memref<10112x64xf32, #tpu.memory_space<vmem_shared>> -> memref<632x64xf32, #tpu.memory_space<vmem_shared>>
      %dma_start3A_41 = arith.constant 0 : i32
      %dma_start3A_42 = tpu.memref_slice %arg2[%mul3A_11, %dma_start3A_41] : memref<10112x128xf32, #tpu.memory_space<hbm>> -> memref<632x64xf32, #tpu.memory_space<hbm>>
      tpu.enqueue_dma source(%dma_start3A_42 : memref<632x64xf32, #tpu.memory_space<hbm>>) target(%dma_start3A_40 : memref<632x64xf32, #tpu.memory_space<vmem_shared>>) target_semaphore(%run_scoped3A_39 : memref<!tpu.dma_semaphore, #tpu.memory_space<semaphore_mem>>)
      %dma_wait3A = arith.constant 0 : i32
      %dma_wait3A_43 = tpu.memref_slice %arg22[%mul3A_13, %dma_wait3A] : memref<10112x64xf32, #tpu.memory_space<vmem_shared>> -> memref<632x64xf32, #tpu.memory_space<vmem_shared>>
      %dma_wait3A_44 = arith.constant 0 : i32
      %dma_wait3A_45 = tpu.memref_slice %arg2[%mul3A_11, %dma_wait3A_44] : memref<10112x128xf32, #tpu.memory_space<hbm>> -> memref<632x64xf32, #tpu.memory_space<hbm>>
      tpu.wait_dma2 semaphore(%run_scoped3A_39 : memref<!tpu.dma_semaphore, #tpu.memory_space<semaphore_mem>>) src(%dma_wait3A_45 : memref<632x64xf32, #tpu.memory_space<hbm>>) dst(%dma_wait3A_43 : memref<632x64xf32, #tpu.memory_space<vmem_shared>>)
      tpu.yield
    }) : () -> ()
    %mul3A_14 = arith.constant 632 : i32
    %mul3A_15 = arith.muli %arg1, %mul3A_14 : i32
    %mul3A_16 = arith.constant 632 : i32
    %mul3A_17 = arith.muli %arg1, %mul3A_16 : i32
    "tpu.region"() ({
      %run_scoped3A_39 = tpu.sem_alloc : memref<!tpu.dma_semaphore, #tpu.memory_space<semaphore_mem>>
      %dma_start3A = arith.constant 0 : i32
      %dma_start3A_40 = tpu.memref_slice %arg23[%mul3A_17, %dma_start3A] : memref<10112x64xf32, #tpu.memory_space<vmem_shared>> -> memref<632x64xf32, #tpu.memory_space<vmem_shared>>
      %dma_start3A_41 = arith.constant 0 : i32
      %dma_start3A_42 = tpu.memref_slice %arg5[%mul3A_15, %dma_start3A_41] : memref<10112x64xf32, #tpu.memory_space<hbm>> -> memref<632x64xf32, #tpu.memory_space<hbm>>
      tpu.enqueue_dma source(%dma_start3A_42 : memref<632x64xf32, #tpu.memory_space<hbm>>) target(%dma_start3A_40 : memref<632x64xf32, #tpu.memory_space<vmem_shared>>) target_semaphore(%run_scoped3A_39 : memref<!tpu.dma_semaphore, #tpu.memory_space<semaphore_mem>>)
      %dma_wait3A = arith.constant 0 : i32
      %dma_wait3A_43 = tpu.memref_slice %arg23[%mul3A_17, %dma_wait3A] : memref<10112x64xf32, #tpu.memory_space<vmem_shared>> -> memref<632x64xf32, #tpu.memory_space<vmem_shared>>
      %dma_wait3A_44 = arith.constant 0 : i32
      %dma_wait3A_45 = tpu.memref_slice %arg5[%mul3A_15, %dma_wait3A_44] : memref<10112x64xf32, #tpu.memory_space<hbm>> -> memref<632x64xf32, #tpu.memory_space<hbm>>
      tpu.wait_dma2 semaphore(%run_scoped3A_39 : memref<!tpu.dma_semaphore, #tpu.memory_space<semaphore_mem>>) src(%dma_wait3A_45 : memref<632x64xf32, #tpu.memory_space<hbm>>) dst(%dma_wait3A_43 : memref<632x64xf32, #tpu.memory_space<vmem_shared>>)
      tpu.yield
    }) : () -> ()
    %barrier3A = arith.constant 0 : index
    tpu.barrier barrier_id(%barrier3A)
    %sub3A = arith.constant 0 : i32
    %sub3A_18 = arith.subi %select_n3A_8, %sub3A : i32
    %sub3A_19 = arith.constant 1 : i32
    %sub3A_20 = arith.constant 1 : i32
    %sub3A_21 = arith.subi %sub3A_19, %sub3A_20 : i32
    %add3A_22 = arith.addi %sub3A_18, %sub3A_21 : i32
    %div3A = arith.constant 1 : i32
    %div3A_23 = arith.divsi %add3A_22, %div3A : i32
    %while3A = arith.constant 1 : i32
    %while3A_24 = arith.constant 0 : i32
    %while3A_25 = arith.constant 0 : i32
    %while3A_26 = arith.subi %div3A_23, %while3A_25 : i32
    %while3A_27 = arith.addi %while3A_25, %while3A_26 : i32
    %while3A_28 = arith.constant 1 : i32
    %while3A_29 = arith.divsi %while3A_26, %while3A_28 : i32
    %while3A_30 = arith.muli %while3A_29, %while3A_28 : i32
    %while3A_31 = arith.addi %while3A_25, %while3A_30 : i32
    %while3A_32 = arith.constant 1 : i32
    scf.for %while3A_39 = %while3A_25 to %while3A_31 step %while3A_32  : i32 {
      %mul3A_40 = arith.muli %while3A_39, %while3A : i32
      %add3A_41 = arith.addi %while3A_24, %mul3A_40 : i32
      %rem3A = arith.constant 2 : i32
      %rem3A_42 = arith.remsi %add3A_41, %rem3A : i32
      %sub3A_43 = arith.constant 1 : i32
      %sub3A_44 = arith.subi %sub3A_43, %rem3A_42 : i32
      %add3A_45 = arith.constant 1 : i32
      %add3A_46 = arith.addi %add3A_41, %add3A_45 : i32
      %mul3A_47 = arith.constant 4 : i32
      %mul3A_48 = arith.muli %add3A_46, %mul3A_47 : i32
      %add3A_49 = arith.addi %select_n3A, %mul3A_48 : i32
      %dma_start3A = arith.constant 0 : i32
      %dma_start3A_50 = arith.constant 0 : i32
      %dma_start3A_51 = tpu.memref_slice %arg7[%sub3A_44, %dma_start3A, %dma_start3A_50] : memref<2x4x128xi32, #tpu.memory_space<vmem>> -> memref<1x4x128xi32, #tpu.memory_space<vmem>>
      %dma_start3A_52 = tpu.memref_squeeze %dma_start3A_51 : memref<1x4x128xi32, #tpu.memory_space<vmem>> -> memref<4x128xi32, #tpu.memory_space<vmem>>
      %dma_start3A_53 = arith.constant 0 : i32
      %dma_start3A_54 = tpu.memref_slice %arg3[%add3A_49, %dma_start3A_53] : memref<2568x128xi32, #tpu.memory_space<hbm>> -> memref<4x128xi32, #tpu.memory_space<hbm>>
      %dma_start3A_55 = arith.constant 0 : i32
      %dma_start3A_56 = arith.constant 0 : i32
      %dma_start3A_57 = tpu.memref_slice %arg7[%sub3A_44, %dma_start3A_55, %dma_start3A_56] : memref<2x4x128xi32, #tpu.memory_space<vmem>> -> memref<1x4x128xi32, #tpu.memory_space<vmem>>
      %dma_start3A_58 = tpu.memref_squeeze %dma_start3A_57 : memref<1x4x128xi32, #tpu.memory_space<vmem>> -> memref<4x128xi32, #tpu.memory_space<vmem>>
      %dma_start3A_59 = arith.constant 0 : i32
      %dma_start3A_60 = tpu.memref_slice %arg3[%add3A_49, %dma_start3A_59] : memref<2568x128xi32, #tpu.memory_space<hbm>> -> memref<4x128xi32, #tpu.memory_space<hbm>>
      tpu.enqueue_dma source(%dma_start3A_60 : memref<4x128xi32, #tpu.memory_space<hbm>>) target(%dma_start3A_58 : memref<4x128xi32, #tpu.memory_space<vmem>>) target_semaphore(%arg13 : memref<!tpu.dma_semaphore, #tpu.memory_space<semaphore_mem>>)
      %dma_start3A_61 = arith.constant 0 : i32
      %dma_start3A_62 = arith.constant 0 : i32
      %dma_start3A_63 = tpu.memref_slice %arg8[%sub3A_44, %dma_start3A_61, %dma_start3A_62] : memref<2x4x128xi32, #tpu.memory_space<vmem>> -> memref<1x4x128xi32, #tpu.memory_space<vmem>>
      %dma_start3A_64 = tpu.memref_squeeze %dma_start3A_63 : memref<1x4x128xi32, #tpu.memory_space<vmem>> -> memref<4x128xi32, #tpu.memory_space<vmem>>
      %dma_start3A_65 = arith.constant 0 : i32
      %dma_start3A_66 = tpu.memref_slice %arg4[%add3A_49, %dma_start3A_65] : memref<2568x128xi32, #tpu.memory_space<hbm>> -> memref<4x128xi32, #tpu.memory_space<hbm>>
      %dma_start3A_67 = arith.constant 0 : i32
      %dma_start3A_68 = arith.constant 0 : i32
      %dma_start3A_69 = tpu.memref_slice %arg8[%sub3A_44, %dma_start3A_67, %dma_start3A_68] : memref<2x4x128xi32, #tpu.memory_space<vmem>> -> memref<1x4x128xi32, #tpu.memory_space<vmem>>
      %dma_start3A_70 = tpu.memref_squeeze %dma_start3A_69 : memref<1x4x128xi32, #tpu.memory_space<vmem>> -> memref<4x128xi32, #tpu.memory_space<vmem>>
      %dma_start3A_71 = arith.constant 0 : i32
      %dma_start3A_72 = tpu.memref_slice %arg4[%add3A_49, %dma_start3A_71] : memref<2568x128xi32, #tpu.memory_space<hbm>> -> memref<4x128xi32, #tpu.memory_space<hbm>>
      tpu.enqueue_dma source(%dma_start3A_72 : memref<4x128xi32, #tpu.memory_space<hbm>>) target(%dma_start3A_70 : memref<4x128xi32, #tpu.memory_space<vmem>>) target_semaphore(%arg13 : memref<!tpu.dma_semaphore, #tpu.memory_space<semaphore_mem>>)
      %dma_start3A_73 = arith.constant 0 : i32
      %dma_start3A_74 = arith.constant 0 : i32
      %dma_start3A_75 = tpu.memref_slice %arg7[%rem3A_42, %dma_start3A_73, %dma_start3A_74] : memref<2x4x128xi32, #tpu.memory_space<vmem>> -> memref<1x1x128xi32, #tpu.memory_space<vmem>>
      %dma_start3A_76 = tpu.memref_squeeze %dma_start3A_75 : memref<1x1x128xi32, #tpu.memory_space<vmem>> -> memref<128xi32, #tpu.memory_space<vmem>>
      %dma_start3A_77 = arith.constant 0 : i32
      %dma_start3A_78 = arith.constant 0 : i32
      %dma_start3A_79 = tpu.memref_slice %arg22[%dma_start3A_77, %dma_start3A_78] : memref<10112x64xf32, #tpu.memory_space<vmem_shared>> -> memref<10112x64xf32, #tpu.memory_space<vmem_shared>>
      tpu.enqueue_indirect_dma source(%dma_start3A_79 : memref<10112x64xf32, #tpu.memory_space<vmem_shared>>) target(%arg9 : memref<128x64xf32, #tpu.memory_space<vmem>>) offsets(%dma_start3A_76 : memref<128xi32, #tpu.memory_space<vmem>>) semaphore(%arg14 : memref<!tpu.dma_semaphore, #tpu.memory_space<semaphore_mem>>)
      %dma_start3A_80 = arith.constant 1 : i32
      %dma_start3A_81 = arith.constant 0 : i32
      %dma_start3A_82 = tpu.memref_slice %arg7[%rem3A_42, %dma_start3A_80, %dma_start3A_81] : memref<2x4x128xi32, #tpu.memory_space<vmem>> -> memref<1x1x128xi32, #tpu.memory_space<vmem>>
      %dma_start3A_83 = tpu.memref_squeeze %dma_start3A_82 : memref<1x1x128xi32, #tpu.memory_space<vmem>> -> memref<128xi32, #tpu.memory_space<vmem>>
      %dma_start3A_84 = arith.constant 0 : i32
      %dma_start3A_85 = arith.constant 0 : i32
      %dma_start3A_86 = tpu.memref_slice %arg22[%dma_start3A_84, %dma_start3A_85] : memref<10112x64xf32, #tpu.memory_space<vmem_shared>> -> memref<10112x64xf32, #tpu.memory_space<vmem_shared>>
      tpu.enqueue_indirect_dma source(%dma_start3A_86 : memref<10112x64xf32, #tpu.memory_space<vmem_shared>>) target(%arg10 : memref<128x64xf32, #tpu.memory_space<vmem>>) offsets(%dma_start3A_83 : memref<128xi32, #tpu.memory_space<vmem>>) semaphore(%arg15 : memref<!tpu.dma_semaphore, #tpu.memory_space<semaphore_mem>>)
      %dma_start3A_87 = arith.constant 2 : i32
      %dma_start3A_88 = arith.constant 0 : i32
      %dma_start3A_89 = tpu.memref_slice %arg7[%rem3A_42, %dma_start3A_87, %dma_start3A_88] : memref<2x4x128xi32, #tpu.memory_space<vmem>> -> memref<1x1x128xi32, #tpu.memory_space<vmem>>
      %dma_start3A_90 = tpu.memref_squeeze %dma_start3A_89 : memref<1x1x128xi32, #tpu.memory_space<vmem>> -> memref<128xi32, #tpu.memory_space<vmem>>
      %dma_start3A_91 = arith.constant 0 : i32
      %dma_start3A_92 = arith.constant 0 : i32
      %dma_start3A_93 = tpu.memref_slice %arg22[%dma_start3A_91, %dma_start3A_92] : memref<10112x64xf32, #tpu.memory_space<vmem_shared>> -> memref<10112x64xf32, #tpu.memory_space<vmem_shared>>
      tpu.enqueue_indirect_dma source(%dma_start3A_93 : memref<10112x64xf32, #tpu.memory_space<vmem_shared>>) target(%arg11 : memref<128x64xf32, #tpu.memory_space<vmem>>) offsets(%dma_start3A_90 : memref<128xi32, #tpu.memory_space<vmem>>) semaphore(%arg16 : memref<!tpu.dma_semaphore, #tpu.memory_space<semaphore_mem>>)
      %dma_start3A_94 = arith.constant 3 : i32
      %dma_start3A_95 = arith.constant 0 : i32
      %dma_start3A_96 = tpu.memref_slice %arg7[%rem3A_42, %dma_start3A_94, %dma_start3A_95] : memref<2x4x128xi32, #tpu.memory_space<vmem>> -> memref<1x1x128xi32, #tpu.memory_space<vmem>>
      %dma_start3A_97 = tpu.memref_squeeze %dma_start3A_96 : memref<1x1x128xi32, #tpu.memory_space<vmem>> -> memref<128xi32, #tpu.memory_space<vmem>>
      %dma_start3A_98 = arith.constant 0 : i32
      %dma_start3A_99 = arith.constant 0 : i32
      %dma_start3A_100 = tpu.memref_slice %arg22[%dma_start3A_98, %dma_start3A_99] : memref<10112x64xf32, #tpu.memory_space<vmem_shared>> -> memref<10112x64xf32, #tpu.memory_space<vmem_shared>>
      tpu.enqueue_indirect_dma source(%dma_start3A_100 : memref<10112x64xf32, #tpu.memory_space<vmem_shared>>) target(%arg12 : memref<128x64xf32, #tpu.memory_space<vmem>>) offsets(%dma_start3A_97 : memref<128xi32, #tpu.memory_space<vmem>>) semaphore(%arg17 : memref<!tpu.dma_semaphore, #tpu.memory_space<semaphore_mem>>)
      %dma_wait3A = arith.constant 0 : i32
      %dma_wait3A_101 = arith.constant 0 : i32
      %dma_wait3A_102 = tpu.memref_slice %arg7[%rem3A_42, %dma_wait3A, %dma_wait3A_101] : memref<2x4x128xi32, #tpu.memory_space<vmem>> -> memref<1x1x128xi32, #tpu.memory_space<vmem>>
      %dma_wait3A_103 = tpu.memref_squeeze %dma_wait3A_102 : memref<1x1x128xi32, #tpu.memory_space<vmem>> -> memref<128xi32, #tpu.memory_space<vmem>>
      %dma_wait3A_104 = arith.constant 0 : i32
      %dma_wait3A_105 = arith.constant 0 : i32
      %dma_wait3A_106 = tpu.memref_slice %arg22[%dma_wait3A_104, %dma_wait3A_105] : memref<10112x64xf32, #tpu.memory_space<vmem_shared>> -> memref<10112x64xf32, #tpu.memory_space<vmem_shared>>
      tpu.wait_indirect_dma semaphore(%arg14 : memref<!tpu.dma_semaphore, #tpu.memory_space<semaphore_mem>>) src(%dma_wait3A_106 : memref<10112x64xf32, #tpu.memory_space<vmem_shared>>) dst(%arg9 : memref<128x64xf32, #tpu.memory_space<vmem>>)
      %dma_start3A_107 = arith.constant 0 : i32
      %dma_start3A_108 = arith.constant 0 : i32
      %dma_start3A_109 = tpu.memref_slice %arg8[%rem3A_42, %dma_start3A_107, %dma_start3A_108] : memref<2x4x128xi32, #tpu.memory_space<vmem>> -> memref<1x1x128xi32, #tpu.memory_space<vmem>>
      %dma_start3A_110 = tpu.memref_squeeze %dma_start3A_109 : memref<1x1x128xi32, #tpu.memory_space<vmem>> -> memref<128xi32, #tpu.memory_space<vmem>>
      %dma_start3A_111 = arith.constant 0 : i32
      %dma_start3A_112 = arith.constant 0 : i32
      %dma_start3A_113 = tpu.memref_slice %arg23[%dma_start3A_111, %dma_start3A_112] : memref<10112x64xf32, #tpu.memory_space<vmem_shared>> -> memref<10112x64xf32, #tpu.memory_space<vmem_shared>>
      tpu.enqueue_indirect_dma source(%arg9 : memref<128x64xf32, #tpu.memory_space<vmem>>) target(%dma_start3A_113 : memref<10112x64xf32, #tpu.memory_space<vmem_shared>>) offsets(%dma_start3A_110 : memref<128xi32, #tpu.memory_space<vmem>>) semaphore(%arg18 : memref<!tpu.dma_semaphore, #tpu.memory_space<semaphore_mem>>) {add = true}
      %dma_wait3A_114 = arith.constant 1 : i32
      %dma_wait3A_115 = arith.constant 0 : i32
      %dma_wait3A_116 = tpu.memref_slice %arg7[%rem3A_42, %dma_wait3A_114, %dma_wait3A_115] : memref<2x4x128xi32, #tpu.memory_space<vmem>> -> memref<1x1x128xi32, #tpu.memory_space<vmem>>
      %dma_wait3A_117 = tpu.memref_squeeze %dma_wait3A_116 : memref<1x1x128xi32, #tpu.memory_space<vmem>> -> memref<128xi32, #tpu.memory_space<vmem>>
      %dma_wait3A_118 = arith.constant 0 : i32
      %dma_wait3A_119 = arith.constant 0 : i32
      %dma_wait3A_120 = tpu.memref_slice %arg22[%dma_wait3A_118, %dma_wait3A_119] : memref<10112x64xf32, #tpu.memory_space<vmem_shared>> -> memref<10112x64xf32, #tpu.memory_space<vmem_shared>>
      tpu.wait_indirect_dma semaphore(%arg15 : memref<!tpu.dma_semaphore, #tpu.memory_space<semaphore_mem>>) src(%dma_wait3A_120 : memref<10112x64xf32, #tpu.memory_space<vmem_shared>>) dst(%arg10 : memref<128x64xf32, #tpu.memory_space<vmem>>)
      %dma_start3A_121 = arith.constant 1 : i32
      %dma_start3A_122 = arith.constant 0 : i32
      %dma_start3A_123 = tpu.memref_slice %arg8[%rem3A_42, %dma_start3A_121, %dma_start3A_122] : memref<2x4x128xi32, #tpu.memory_space<vmem>> -> memref<1x1x128xi32, #tpu.memory_space<vmem>>
      %dma_start3A_124 = tpu.memref_squeeze %dma_start3A_123 : memref<1x1x128xi32, #tpu.memory_space<vmem>> -> memref<128xi32, #tpu.memory_space<vmem>>
      %dma_start3A_125 = arith.constant 0 : i32
      %dma_start3A_126 = arith.constant 0 : i32
      %dma_start3A_127 = tpu.memref_slice %arg23[%dma_start3A_125, %dma_start3A_126] : memref<10112x64xf32, #tpu.memory_space<vmem_shared>> -> memref<10112x64xf32, #tpu.memory_space<vmem_shared>>
      tpu.enqueue_indirect_dma source(%arg10 : memref<128x64xf32, #tpu.memory_space<vmem>>) target(%dma_start3A_127 : memref<10112x64xf32, #tpu.memory_space<vmem_shared>>) offsets(%dma_start3A_124 : memref<128xi32, #tpu.memory_space<vmem>>) semaphore(%arg19 : memref<!tpu.dma_semaphore, #tpu.memory_space<semaphore_mem>>) {add = true}
      %dma_wait3A_128 = arith.constant 2 : i32
      %dma_wait3A_129 = arith.constant 0 : i32
      %dma_wait3A_130 = tpu.memref_slice %arg7[%rem3A_42, %dma_wait3A_128, %dma_wait3A_129] : memref<2x4x128xi32, #tpu.memory_space<vmem>> -> memref<1x1x128xi32, #tpu.memory_space<vmem>>
      %dma_wait3A_131 = tpu.memref_squeeze %dma_wait3A_130 : memref<1x1x128xi32, #tpu.memory_space<vmem>> -> memref<128xi32, #tpu.memory_space<vmem>>
      %dma_wait3A_132 = arith.constant 0 : i32
      %dma_wait3A_133 = arith.constant 0 : i32
      %dma_wait3A_134 = tpu.memref_slice %arg22[%dma_wait3A_132, %dma_wait3A_133] : memref<10112x64xf32, #tpu.memory_space<vmem_shared>> -> memref<10112x64xf32, #tpu.memory_space<vmem_shared>>
      tpu.wait_indirect_dma semaphore(%arg16 : memref<!tpu.dma_semaphore, #tpu.memory_space<semaphore_mem>>) src(%dma_wait3A_134 : memref<10112x64xf32, #tpu.memory_space<vmem_shared>>) dst(%arg11 : memref<128x64xf32, #tpu.memory_space<vmem>>)
      %dma_start3A_135 = arith.constant 2 : i32
      %dma_start3A_136 = arith.constant 0 : i32
      %dma_start3A_137 = tpu.memref_slice %arg8[%rem3A_42, %dma_start3A_135, %dma_start3A_136] : memref<2x4x128xi32, #tpu.memory_space<vmem>> -> memref<1x1x128xi32, #tpu.memory_space<vmem>>
      %dma_start3A_138 = tpu.memref_squeeze %dma_start3A_137 : memref<1x1x128xi32, #tpu.memory_space<vmem>> -> memref<128xi32, #tpu.memory_space<vmem>>
      %dma_start3A_139 = arith.constant 0 : i32
      %dma_start3A_140 = arith.constant 0 : i32
      %dma_start3A_141 = tpu.memref_slice %arg23[%dma_start3A_139, %dma_start3A_140] : memref<10112x64xf32, #tpu.memory_space<vmem_shared>> -> memref<10112x64xf32, #tpu.memory_space<vmem_shared>>
      tpu.enqueue_indirect_dma source(%arg11 : memref<128x64xf32, #tpu.memory_space<vmem>>) target(%dma_start3A_141 : memref<10112x64xf32, #tpu.memory_space<vmem_shared>>) offsets(%dma_start3A_138 : memref<128xi32, #tpu.memory_space<vmem>>) semaphore(%arg20 : memref<!tpu.dma_semaphore, #tpu.memory_space<semaphore_mem>>) {add = true}
      %dma_wait3A_142 = arith.constant 3 : i32
      %dma_wait3A_143 = arith.constant 0 : i32
      %dma_wait3A_144 = tpu.memref_slice %arg7[%rem3A_42, %dma_wait3A_142, %dma_wait3A_143] : memref<2x4x128xi32, #tpu.memory_space<vmem>> -> memref<1x1x128xi32, #tpu.memory_space<vmem>>
      %dma_wait3A_145 = tpu.memref_squeeze %dma_wait3A_144 : memref<1x1x128xi32, #tpu.memory_space<vmem>> -> memref<128xi32, #tpu.memory_space<vmem>>
      %dma_wait3A_146 = arith.constant 0 : i32
      %dma_wait3A_147 = arith.constant 0 : i32
      %dma_wait3A_148 = tpu.memref_slice %arg22[%dma_wait3A_146, %dma_wait3A_147] : memref<10112x64xf32, #tpu.memory_space<vmem_shared>> -> memref<10112x64xf32, #tpu.memory_space<vmem_shared>>
      tpu.wait_indirect_dma semaphore(%arg17 : memref<!tpu.dma_semaphore, #tpu.memory_space<semaphore_mem>>) src(%dma_wait3A_148 : memref<10112x64xf32, #tpu.memory_space<vmem_shared>>) dst(%arg12 : memref<128x64xf32, #tpu.memory_space<vmem>>)
      %dma_start3A_149 = arith.constant 3 : i32
      %dma_start3A_150 = arith.constant 0 : i32
      %dma_start3A_151 = tpu.memref_slice %arg8[%rem3A_42, %dma_start3A_149, %dma_start3A_150] : memref<2x4x128xi32, #tpu.memory_space<vmem>> -> memref<1x1x128xi32, #tpu.memory_space<vmem>>
      %dma_start3A_152 = tpu.memref_squeeze %dma_start3A_151 : memref<1x1x128xi32, #tpu.memory_space<vmem>> -> memref<128xi32, #tpu.memory_space<vmem>>
      %dma_start3A_153 = arith.constant 0 : i32
      %dma_start3A_154 = arith.constant 0 : i32
      %dma_start3A_155 = tpu.memref_slice %arg23[%dma_start3A_153, %dma_start3A_154] : memref<10112x64xf32, #tpu.memory_space<vmem_shared>> -> memref<10112x64xf32, #tpu.memory_space<vmem_shared>>
      tpu.enqueue_indirect_dma source(%arg12 : memref<128x64xf32, #tpu.memory_space<vmem>>) target(%dma_start3A_155 : memref<10112x64xf32, #tpu.memory_space<vmem_shared>>) offsets(%dma_start3A_152 : memref<128xi32, #tpu.memory_space<vmem>>) semaphore(%arg21 : memref<!tpu.dma_semaphore, #tpu.memory_space<semaphore_mem>>) {add = true}
      %dma_wait3A_156 = arith.constant 0 : i32
      %dma_wait3A_157 = arith.constant 0 : i32
      %dma_wait3A_158 = tpu.memref_slice %arg8[%rem3A_42, %dma_wait3A_156, %dma_wait3A_157] : memref<2x4x128xi32, #tpu.memory_space<vmem>> -> memref<1x1x128xi32, #tpu.memory_space<vmem>>
      %dma_wait3A_159 = tpu.memref_squeeze %dma_wait3A_158 : memref<1x1x128xi32, #tpu.memory_space<vmem>> -> memref<128xi32, #tpu.memory_space<vmem>>
      %dma_wait3A_160 = arith.constant 0 : i32
      %dma_wait3A_161 = arith.constant 0 : i32
      %dma_wait3A_162 = tpu.memref_slice %arg23[%dma_wait3A_160, %dma_wait3A_161] : memref<10112x64xf32, #tpu.memory_space<vmem_shared>> -> memref<10112x64xf32, #tpu.memory_space<vmem_shared>>
      tpu.wait_indirect_dma semaphore(%arg18 : memref<!tpu.dma_semaphore, #tpu.memory_space<semaphore_mem>>) src(%arg9 : memref<128x64xf32, #tpu.memory_space<vmem>>) dst(%dma_wait3A_162 : memref<10112x64xf32, #tpu.memory_space<vmem_shared>>)
      %dma_wait3A_163 = arith.constant 1 : i32
      %dma_wait3A_164 = arith.constant 0 : i32
      %dma_wait3A_165 = tpu.memref_slice %arg8[%rem3A_42, %dma_wait3A_163, %dma_wait3A_164] : memref<2x4x128xi32, #tpu.memory_space<vmem>> -> memref<1x1x128xi32, #tpu.memory_space<vmem>>
      %dma_wait3A_166 = tpu.memref_squeeze %dma_wait3A_165 : memref<1x1x128xi32, #tpu.memory_space<vmem>> -> memref<128xi32, #tpu.memory_space<vmem>>
      %dma_wait3A_167 = arith.constant 0 : i32
      %dma_wait3A_168 = arith.constant 0 : i32
      %dma_wait3A_169 = tpu.memref_slice %arg23[%dma_wait3A_167, %dma_wait3A_168] : memref<10112x64xf32, #tpu.memory_space<vmem_shared>> -> memref<10112x64xf32, #tpu.memory_space<vmem_shared>>
      tpu.wait_indirect_dma semaphore(%arg19 : memref<!tpu.dma_semaphore, #tpu.memory_space<semaphore_mem>>) src(%arg10 : memref<128x64xf32, #tpu.memory_space<vmem>>) dst(%dma_wait3A_169 : memref<10112x64xf32, #tpu.memory_space<vmem_shared>>)
      %dma_wait3A_170 = arith.constant 2 : i32
      %dma_wait3A_171 = arith.constant 0 : i32
      %dma_wait3A_172 = tpu.memref_slice %arg8[%rem3A_42, %dma_wait3A_170, %dma_wait3A_171] : memref<2x4x128xi32, #tpu.memory_space<vmem>> -> memref<1x1x128xi32, #tpu.memory_space<vmem>>
      %dma_wait3A_173 = tpu.memref_squeeze %dma_wait3A_172 : memref<1x1x128xi32, #tpu.memory_space<vmem>> -> memref<128xi32, #tpu.memory_space<vmem>>
      %dma_wait3A_174 = arith.constant 0 : i32
      %dma_wait3A_175 = arith.constant 0 : i32
      %dma_wait3A_176 = tpu.memref_slice %arg23[%dma_wait3A_174, %dma_wait3A_175] : memref<10112x64xf32, #tpu.memory_space<vmem_shared>> -> memref<10112x64xf32, #tpu.memory_space<vmem_shared>>
      tpu.wait_indirect_dma semaphore(%arg20 : memref<!tpu.dma_semaphore, #tpu.memory_space<semaphore_mem>>) src(%arg11 : memref<128x64xf32, #tpu.memory_space<vmem>>) dst(%dma_wait3A_176 : memref<10112x64xf32, #tpu.memory_space<vmem_shared>>)
      %dma_wait3A_177 = arith.constant 3 : i32
      %dma_wait3A_178 = arith.constant 0 : i32
      %dma_wait3A_179 = tpu.memref_slice %arg8[%rem3A_42, %dma_wait3A_177, %dma_wait3A_178] : memref<2x4x128xi32, #tpu.memory_space<vmem>> -> memref<1x1x128xi32, #tpu.memory_space<vmem>>
      %dma_wait3A_180 = tpu.memref_squeeze %dma_wait3A_179 : memref<1x1x128xi32, #tpu.memory_space<vmem>> -> memref<128xi32, #tpu.memory_space<vmem>>
      %dma_wait3A_181 = arith.constant 0 : i32
      %dma_wait3A_182 = arith.constant 0 : i32
      %dma_wait3A_183 = tpu.memref_slice %arg23[%dma_wait3A_181, %dma_wait3A_182] : memref<10112x64xf32, #tpu.memory_space<vmem_shared>> -> memref<10112x64xf32, #tpu.memory_space<vmem_shared>>
      tpu.wait_indirect_dma semaphore(%arg21 : memref<!tpu.dma_semaphore, #tpu.memory_space<semaphore_mem>>) src(%arg12 : memref<128x64xf32, #tpu.memory_space<vmem>>) dst(%dma_wait3A_183 : memref<10112x64xf32, #tpu.memory_space<vmem_shared>>)
      %dma_wait3A_184 = arith.constant 0 : i32
      %dma_wait3A_185 = arith.constant 0 : i32
      %dma_wait3A_186 = tpu.memref_slice %arg7[%sub3A_44, %dma_wait3A_184, %dma_wait3A_185] : memref<2x4x128xi32, #tpu.memory_space<vmem>> -> memref<1x4x128xi32, #tpu.memory_space<vmem>>
      %dma_wait3A_187 = tpu.memref_squeeze %dma_wait3A_186 : memref<1x4x128xi32, #tpu.memory_space<vmem>> -> memref<4x128xi32, #tpu.memory_space<vmem>>
      %dma_wait3A_188 = arith.constant 0 : i32
      %dma_wait3A_189 = tpu.memref_slice %arg3[%add3A_49, %dma_wait3A_188] : memref<2568x128xi32, #tpu.memory_space<hbm>> -> memref<4x128xi32, #tpu.memory_space<hbm>>
      %dma_wait3A_190 = arith.constant 0 : i32
      %dma_wait3A_191 = arith.constant 0 : i32
      %dma_wait3A_192 = tpu.memref_slice %arg7[%sub3A_44, %dma_wait3A_190, %dma_wait3A_191] : memref<2x4x128xi32, #tpu.memory_space<vmem>> -> memref<1x4x128xi32, #tpu.memory_space<vmem>>
      %dma_wait3A_193 = tpu.memref_squeeze %dma_wait3A_192 : memref<1x4x128xi32, #tpu.memory_space<vmem>> -> memref<4x128xi32, #tpu.memory_space<vmem>>
      %dma_wait3A_194 = arith.constant 0 : i32
      %dma_wait3A_195 = tpu.memref_slice %arg3[%add3A_49, %dma_wait3A_194] : memref<2568x128xi32, #tpu.memory_space<hbm>> -> memref<4x128xi32, #tpu.memory_space<hbm>>
      tpu.wait_dma2 semaphore(%arg13 : memref<!tpu.dma_semaphore, #tpu.memory_space<semaphore_mem>>) src(%dma_wait3A_195 : memref<4x128xi32, #tpu.memory_space<hbm>>) dst(%dma_wait3A_193 : memref<4x128xi32, #tpu.memory_space<vmem>>)
      %dma_wait3A_196 = arith.constant 0 : i32
      %dma_wait3A_197 = arith.constant 0 : i32
      %dma_wait3A_198 = tpu.memref_slice %arg8[%sub3A_44, %dma_wait3A_196, %dma_wait3A_197] : memref<2x4x128xi32, #tpu.memory_space<vmem>> -> memref<1x4x128xi32, #tpu.memory_space<vmem>>
      %dma_wait3A_199 = tpu.memref_squeeze %dma_wait3A_198 : memref<1x4x128xi32, #tpu.memory_space<vmem>> -> memref<4x128xi32, #tpu.memory_space<vmem>>
      %dma_wait3A_200 = arith.constant 0 : i32
      %dma_wait3A_201 = tpu.memref_slice %arg4[%add3A_49, %dma_wait3A_200] : memref<2568x128xi32, #tpu.memory_space<hbm>> -> memref<4x128xi32, #tpu.memory_space<hbm>>
      %dma_wait3A_202 = arith.constant 0 : i32
      %dma_wait3A_203 = arith.constant 0 : i32
      %dma_wait3A_204 = tpu.memref_slice %arg8[%sub3A_44, %dma_wait3A_202, %dma_wait3A_203] : memref<2x4x128xi32, #tpu.memory_space<vmem>> -> memref<1x4x128xi32, #tpu.memory_space<vmem>>
      %dma_wait3A_205 = tpu.memref_squeeze %dma_wait3A_204 : memref<1x4x128xi32, #tpu.memory_space<vmem>> -> memref<4x128xi32, #tpu.memory_space<vmem>>
      %dma_wait3A_206 = arith.constant 0 : i32
      %dma_wait3A_207 = tpu.memref_slice %arg4[%add3A_49, %dma_wait3A_206] : memref<2568x128xi32, #tpu.memory_space<hbm>> -> memref<4x128xi32, #tpu.memory_space<hbm>>
      tpu.wait_dma2 semaphore(%arg13 : memref<!tpu.dma_semaphore, #tpu.memory_space<semaphore_mem>>) src(%dma_wait3A_207 : memref<4x128xi32, #tpu.memory_space<hbm>>) dst(%dma_wait3A_205 : memref<4x128xi32, #tpu.memory_space<vmem>>)
    }
    %while3A_33 = arith.constant 1 : i32
    scf.for %while3A_39 = %while3A_31 to %while3A_27 step %while3A_33  : i32 {
      %mul3A_40 = arith.muli %while3A_39, %while3A : i32
      %add3A_41 = arith.addi %while3A_24, %mul3A_40 : i32
      %rem3A = arith.constant 2 : i32
      %rem3A_42 = arith.remsi %add3A_41, %rem3A : i32
      %sub3A_43 = arith.constant 1 : i32
      %sub3A_44 = arith.subi %sub3A_43, %rem3A_42 : i32
      %add3A_45 = arith.constant 1 : i32
      %add3A_46 = arith.addi %add3A_41, %add3A_45 : i32
      %mul3A_47 = arith.constant 4 : i32
      %mul3A_48 = arith.muli %add3A_46, %mul3A_47 : i32
      %add3A_49 = arith.addi %select_n3A, %mul3A_48 : i32
      %dma_start3A = arith.constant 0 : i32
      %dma_start3A_50 = arith.constant 0 : i32
      %dma_start3A_51 = tpu.memref_slice %arg7[%sub3A_44, %dma_start3A, %dma_start3A_50] : memref<2x4x128xi32, #tpu.memory_space<vmem>> -> memref<1x4x128xi32, #tpu.memory_space<vmem>>
      %dma_start3A_52 = tpu.memref_squeeze %dma_start3A_51 : memref<1x4x128xi32, #tpu.memory_space<vmem>> -> memref<4x128xi32, #tpu.memory_space<vmem>>
      %dma_start3A_53 = arith.constant 0 : i32
      %dma_start3A_54 = tpu.memref_slice %arg3[%add3A_49, %dma_start3A_53] : memref<2568x128xi32, #tpu.memory_space<hbm>> -> memref<4x128xi32, #tpu.memory_space<hbm>>
      %dma_start3A_55 = arith.constant 0 : i32
      %dma_start3A_56 = arith.constant 0 : i32
      %dma_start3A_57 = tpu.memref_slice %arg7[%sub3A_44, %dma_start3A_55, %dma_start3A_56] : memref<2x4x128xi32, #tpu.memory_space<vmem>> -> memref<1x4x128xi32, #tpu.memory_space<vmem>>
      %dma_start3A_58 = tpu.memref_squeeze %dma_start3A_57 : memref<1x4x128xi32, #tpu.memory_space<vmem>> -> memref<4x128xi32, #tpu.memory_space<vmem>>
      %dma_start3A_59 = arith.constant 0 : i32
      %dma_start3A_60 = tpu.memref_slice %arg3[%add3A_49, %dma_start3A_59] : memref<2568x128xi32, #tpu.memory_space<hbm>> -> memref<4x128xi32, #tpu.memory_space<hbm>>
      tpu.enqueue_dma source(%dma_start3A_60 : memref<4x128xi32, #tpu.memory_space<hbm>>) target(%dma_start3A_58 : memref<4x128xi32, #tpu.memory_space<vmem>>) target_semaphore(%arg13 : memref<!tpu.dma_semaphore, #tpu.memory_space<semaphore_mem>>)
      %dma_start3A_61 = arith.constant 0 : i32
      %dma_start3A_62 = arith.constant 0 : i32
      %dma_start3A_63 = tpu.memref_slice %arg8[%sub3A_44, %dma_start3A_61, %dma_start3A_62] : memref<2x4x128xi32, #tpu.memory_space<vmem>> -> memref<1x4x128xi32, #tpu.memory_space<vmem>>
      %dma_start3A_64 = tpu.memref_squeeze %dma_start3A_63 : memref<1x4x128xi32, #tpu.memory_space<vmem>> -> memref<4x128xi32, #tpu.memory_space<vmem>>
      %dma_start3A_65 = arith.constant 0 : i32
      %dma_start3A_66 = tpu.memref_slice %arg4[%add3A_49, %dma_start3A_65] : memref<2568x128xi32, #tpu.memory_space<hbm>> -> memref<4x128xi32, #tpu.memory_space<hbm>>
      %dma_start3A_67 = arith.constant 0 : i32
      %dma_start3A_68 = arith.constant 0 : i32
      %dma_start3A_69 = tpu.memref_slice %arg8[%sub3A_44, %dma_start3A_67, %dma_start3A_68] : memref<2x4x128xi32, #tpu.memory_space<vmem>> -> memref<1x4x128xi32, #tpu.memory_space<vmem>>
      %dma_start3A_70 = tpu.memref_squeeze %dma_start3A_69 : memref<1x4x128xi32, #tpu.memory_space<vmem>> -> memref<4x128xi32, #tpu.memory_space<vmem>>
      %dma_start3A_71 = arith.constant 0 : i32
      %dma_start3A_72 = tpu.memref_slice %arg4[%add3A_49, %dma_start3A_71] : memref<2568x128xi32, #tpu.memory_space<hbm>> -> memref<4x128xi32, #tpu.memory_space<hbm>>
      tpu.enqueue_dma source(%dma_start3A_72 : memref<4x128xi32, #tpu.memory_space<hbm>>) target(%dma_start3A_70 : memref<4x128xi32, #tpu.memory_space<vmem>>) target_semaphore(%arg13 : memref<!tpu.dma_semaphore, #tpu.memory_space<semaphore_mem>>)
      %dma_start3A_73 = arith.constant 0 : i32
      %dma_start3A_74 = arith.constant 0 : i32
      %dma_start3A_75 = tpu.memref_slice %arg7[%rem3A_42, %dma_start3A_73, %dma_start3A_74] : memref<2x4x128xi32, #tpu.memory_space<vmem>> -> memref<1x1x128xi32, #tpu.memory_space<vmem>>
      %dma_start3A_76 = tpu.memref_squeeze %dma_start3A_75 : memref<1x1x128xi32, #tpu.memory_space<vmem>> -> memref<128xi32, #tpu.memory_space<vmem>>
      %dma_start3A_77 = arith.constant 0 : i32
      %dma_start3A_78 = arith.constant 0 : i32
      %dma_start3A_79 = tpu.memref_slice %arg22[%dma_start3A_77, %dma_start3A_78] : memref<10112x64xf32, #tpu.memory_space<vmem_shared>> -> memref<10112x64xf32, #tpu.memory_space<vmem_shared>>
      tpu.enqueue_indirect_dma source(%dma_start3A_79 : memref<10112x64xf32, #tpu.memory_space<vmem_shared>>) target(%arg9 : memref<128x64xf32, #tpu.memory_space<vmem>>) offsets(%dma_start3A_76 : memref<128xi32, #tpu.memory_space<vmem>>) semaphore(%arg14 : memref<!tpu.dma_semaphore, #tpu.memory_space<semaphore_mem>>)
      %dma_start3A_80 = arith.constant 1 : i32
      %dma_start3A_81 = arith.constant 0 : i32
      %dma_start3A_82 = tpu.memref_slice %arg7[%rem3A_42, %dma_start3A_80, %dma_start3A_81] : memref<2x4x128xi32, #tpu.memory_space<vmem>> -> memref<1x1x128xi32, #tpu.memory_space<vmem>>
      %dma_start3A_83 = tpu.memref_squeeze %dma_start3A_82 : memref<1x1x128xi32, #tpu.memory_space<vmem>> -> memref<128xi32, #tpu.memory_space<vmem>>
      %dma_start3A_84 = arith.constant 0 : i32
      %dma_start3A_85 = arith.constant 0 : i32
      %dma_start3A_86 = tpu.memref_slice %arg22[%dma_start3A_84, %dma_start3A_85] : memref<10112x64xf32, #tpu.memory_space<vmem_shared>> -> memref<10112x64xf32, #tpu.memory_space<vmem_shared>>
      tpu.enqueue_indirect_dma source(%dma_start3A_86 : memref<10112x64xf32, #tpu.memory_space<vmem_shared>>) target(%arg10 : memref<128x64xf32, #tpu.memory_space<vmem>>) offsets(%dma_start3A_83 : memref<128xi32, #tpu.memory_space<vmem>>) semaphore(%arg15 : memref<!tpu.dma_semaphore, #tpu.memory_space<semaphore_mem>>)
      %dma_start3A_87 = arith.constant 2 : i32
      %dma_start3A_88 = arith.constant 0 : i32
      %dma_start3A_89 = tpu.memref_slice %arg7[%rem3A_42, %dma_start3A_87, %dma_start3A_88] : memref<2x4x128xi32, #tpu.memory_space<vmem>> -> memref<1x1x128xi32, #tpu.memory_space<vmem>>
      %dma_start3A_90 = tpu.memref_squeeze %dma_start3A_89 : memref<1x1x128xi32, #tpu.memory_space<vmem>> -> memref<128xi32, #tpu.memory_space<vmem>>
      %dma_start3A_91 = arith.constant 0 : i32
      %dma_start3A_92 = arith.constant 0 : i32
      %dma_start3A_93 = tpu.memref_slice %arg22[%dma_start3A_91, %dma_start3A_92] : memref<10112x64xf32, #tpu.memory_space<vmem_shared>> -> memref<10112x64xf32, #tpu.memory_space<vmem_shared>>
      tpu.enqueue_indirect_dma source(%dma_start3A_93 : memref<10112x64xf32, #tpu.memory_space<vmem_shared>>) target(%arg11 : memref<128x64xf32, #tpu.memory_space<vmem>>) offsets(%dma_start3A_90 : memref<128xi32, #tpu.memory_space<vmem>>) semaphore(%arg16 : memref<!tpu.dma_semaphore, #tpu.memory_space<semaphore_mem>>)
      %dma_start3A_94 = arith.constant 3 : i32
      %dma_start3A_95 = arith.constant 0 : i32
      %dma_start3A_96 = tpu.memref_slice %arg7[%rem3A_42, %dma_start3A_94, %dma_start3A_95] : memref<2x4x128xi32, #tpu.memory_space<vmem>> -> memref<1x1x128xi32, #tpu.memory_space<vmem>>
      %dma_start3A_97 = tpu.memref_squeeze %dma_start3A_96 : memref<1x1x128xi32, #tpu.memory_space<vmem>> -> memref<128xi32, #tpu.memory_space<vmem>>
      %dma_start3A_98 = arith.constant 0 : i32
      %dma_start3A_99 = arith.constant 0 : i32
      %dma_start3A_100 = tpu.memref_slice %arg22[%dma_start3A_98, %dma_start3A_99] : memref<10112x64xf32, #tpu.memory_space<vmem_shared>> -> memref<10112x64xf32, #tpu.memory_space<vmem_shared>>
      tpu.enqueue_indirect_dma source(%dma_start3A_100 : memref<10112x64xf32, #tpu.memory_space<vmem_shared>>) target(%arg12 : memref<128x64xf32, #tpu.memory_space<vmem>>) offsets(%dma_start3A_97 : memref<128xi32, #tpu.memory_space<vmem>>) semaphore(%arg17 : memref<!tpu.dma_semaphore, #tpu.memory_space<semaphore_mem>>)
      %dma_wait3A = arith.constant 0 : i32
      %dma_wait3A_101 = arith.constant 0 : i32
      %dma_wait3A_102 = tpu.memref_slice %arg7[%rem3A_42, %dma_wait3A, %dma_wait3A_101] : memref<2x4x128xi32, #tpu.memory_space<vmem>> -> memref<1x1x128xi32, #tpu.memory_space<vmem>>
      %dma_wait3A_103 = tpu.memref_squeeze %dma_wait3A_102 : memref<1x1x128xi32, #tpu.memory_space<vmem>> -> memref<128xi32, #tpu.memory_space<vmem>>
      %dma_wait3A_104 = arith.constant 0 : i32
      %dma_wait3A_105 = arith.constant 0 : i32
      %dma_wait3A_106 = tpu.memref_slice %arg22[%dma_wait3A_104, %dma_wait3A_105] : memref<10112x64xf32, #tpu.memory_space<vmem_shared>> -> memref<10112x64xf32, #tpu.memory_space<vmem_shared>>
      tpu.wait_indirect_dma semaphore(%arg14 : memref<!tpu.dma_semaphore, #tpu.memory_space<semaphore_mem>>) src(%dma_wait3A_106 : memref<10112x64xf32, #tpu.memory_space<vmem_shared>>) dst(%arg9 : memref<128x64xf32, #tpu.memory_space<vmem>>)
      %dma_start3A_107 = arith.constant 0 : i32
      %dma_start3A_108 = arith.constant 0 : i32
      %dma_start3A_109 = tpu.memref_slice %arg8[%rem3A_42, %dma_start3A_107, %dma_start3A_108] : memref<2x4x128xi32, #tpu.memory_space<vmem>> -> memref<1x1x128xi32, #tpu.memory_space<vmem>>
      %dma_start3A_110 = tpu.memref_squeeze %dma_start3A_109 : memref<1x1x128xi32, #tpu.memory_space<vmem>> -> memref<128xi32, #tpu.memory_space<vmem>>
      %dma_start3A_111 = arith.constant 0 : i32
      %dma_start3A_112 = arith.constant 0 : i32
      %dma_start3A_113 = tpu.memref_slice %arg23[%dma_start3A_111, %dma_start3A_112] : memref<10112x64xf32, #tpu.memory_space<vmem_shared>> -> memref<10112x64xf32, #tpu.memory_space<vmem_shared>>
      tpu.enqueue_indirect_dma source(%arg9 : memref<128x64xf32, #tpu.memory_space<vmem>>) target(%dma_start3A_113 : memref<10112x64xf32, #tpu.memory_space<vmem_shared>>) offsets(%dma_start3A_110 : memref<128xi32, #tpu.memory_space<vmem>>) semaphore(%arg18 : memref<!tpu.dma_semaphore, #tpu.memory_space<semaphore_mem>>) {add = true}
      %dma_wait3A_114 = arith.constant 1 : i32
      %dma_wait3A_115 = arith.constant 0 : i32
      %dma_wait3A_116 = tpu.memref_slice %arg7[%rem3A_42, %dma_wait3A_114, %dma_wait3A_115] : memref<2x4x128xi32, #tpu.memory_space<vmem>> -> memref<1x1x128xi32, #tpu.memory_space<vmem>>
      %dma_wait3A_117 = tpu.memref_squeeze %dma_wait3A_116 : memref<1x1x128xi32, #tpu.memory_space<vmem>> -> memref<128xi32, #tpu.memory_space<vmem>>
      %dma_wait3A_118 = arith.constant 0 : i32
      %dma_wait3A_119 = arith.constant 0 : i32
      %dma_wait3A_120 = tpu.memref_slice %arg22[%dma_wait3A_118, %dma_wait3A_119] : memref<10112x64xf32, #tpu.memory_space<vmem_shared>> -> memref<10112x64xf32, #tpu.memory_space<vmem_shared>>
      tpu.wait_indirect_dma semaphore(%arg15 : memref<!tpu.dma_semaphore, #tpu.memory_space<semaphore_mem>>) src(%dma_wait3A_120 : memref<10112x64xf32, #tpu.memory_space<vmem_shared>>) dst(%arg10 : memref<128x64xf32, #tpu.memory_space<vmem>>)
      %dma_start3A_121 = arith.constant 1 : i32
      %dma_start3A_122 = arith.constant 0 : i32
      %dma_start3A_123 = tpu.memref_slice %arg8[%rem3A_42, %dma_start3A_121, %dma_start3A_122] : memref<2x4x128xi32, #tpu.memory_space<vmem>> -> memref<1x1x128xi32, #tpu.memory_space<vmem>>
      %dma_start3A_124 = tpu.memref_squeeze %dma_start3A_123 : memref<1x1x128xi32, #tpu.memory_space<vmem>> -> memref<128xi32, #tpu.memory_space<vmem>>
      %dma_start3A_125 = arith.constant 0 : i32
      %dma_start3A_126 = arith.constant 0 : i32
      %dma_start3A_127 = tpu.memref_slice %arg23[%dma_start3A_125, %dma_start3A_126] : memref<10112x64xf32, #tpu.memory_space<vmem_shared>> -> memref<10112x64xf32, #tpu.memory_space<vmem_shared>>
      tpu.enqueue_indirect_dma source(%arg10 : memref<128x64xf32, #tpu.memory_space<vmem>>) target(%dma_start3A_127 : memref<10112x64xf32, #tpu.memory_space<vmem_shared>>) offsets(%dma_start3A_124 : memref<128xi32, #tpu.memory_space<vmem>>) semaphore(%arg19 : memref<!tpu.dma_semaphore, #tpu.memory_space<semaphore_mem>>) {add = true}
      %dma_wait3A_128 = arith.constant 2 : i32
      %dma_wait3A_129 = arith.constant 0 : i32
      %dma_wait3A_130 = tpu.memref_slice %arg7[%rem3A_42, %dma_wait3A_128, %dma_wait3A_129] : memref<2x4x128xi32, #tpu.memory_space<vmem>> -> memref<1x1x128xi32, #tpu.memory_space<vmem>>
      %dma_wait3A_131 = tpu.memref_squeeze %dma_wait3A_130 : memref<1x1x128xi32, #tpu.memory_space<vmem>> -> memref<128xi32, #tpu.memory_space<vmem>>
      %dma_wait3A_132 = arith.constant 0 : i32
      %dma_wait3A_133 = arith.constant 0 : i32
      %dma_wait3A_134 = tpu.memref_slice %arg22[%dma_wait3A_132, %dma_wait3A_133] : memref<10112x64xf32, #tpu.memory_space<vmem_shared>> -> memref<10112x64xf32, #tpu.memory_space<vmem_shared>>
      tpu.wait_indirect_dma semaphore(%arg16 : memref<!tpu.dma_semaphore, #tpu.memory_space<semaphore_mem>>) src(%dma_wait3A_134 : memref<10112x64xf32, #tpu.memory_space<vmem_shared>>) dst(%arg11 : memref<128x64xf32, #tpu.memory_space<vmem>>)
      %dma_start3A_135 = arith.constant 2 : i32
      %dma_start3A_136 = arith.constant 0 : i32
      %dma_start3A_137 = tpu.memref_slice %arg8[%rem3A_42, %dma_start3A_135, %dma_start3A_136] : memref<2x4x128xi32, #tpu.memory_space<vmem>> -> memref<1x1x128xi32, #tpu.memory_space<vmem>>
      %dma_start3A_138 = tpu.memref_squeeze %dma_start3A_137 : memref<1x1x128xi32, #tpu.memory_space<vmem>> -> memref<128xi32, #tpu.memory_space<vmem>>
      %dma_start3A_139 = arith.constant 0 : i32
      %dma_start3A_140 = arith.constant 0 : i32
      %dma_start3A_141 = tpu.memref_slice %arg23[%dma_start3A_139, %dma_start3A_140] : memref<10112x64xf32, #tpu.memory_space<vmem_shared>> -> memref<10112x64xf32, #tpu.memory_space<vmem_shared>>
      tpu.enqueue_indirect_dma source(%arg11 : memref<128x64xf32, #tpu.memory_space<vmem>>) target(%dma_start3A_141 : memref<10112x64xf32, #tpu.memory_space<vmem_shared>>) offsets(%dma_start3A_138 : memref<128xi32, #tpu.memory_space<vmem>>) semaphore(%arg20 : memref<!tpu.dma_semaphore, #tpu.memory_space<semaphore_mem>>) {add = true}
      %dma_wait3A_142 = arith.constant 3 : i32
      %dma_wait3A_143 = arith.constant 0 : i32
      %dma_wait3A_144 = tpu.memref_slice %arg7[%rem3A_42, %dma_wait3A_142, %dma_wait3A_143] : memref<2x4x128xi32, #tpu.memory_space<vmem>> -> memref<1x1x128xi32, #tpu.memory_space<vmem>>
      %dma_wait3A_145 = tpu.memref_squeeze %dma_wait3A_144 : memref<1x1x128xi32, #tpu.memory_space<vmem>> -> memref<128xi32, #tpu.memory_space<vmem>>
      %dma_wait3A_146 = arith.constant 0 : i32
      %dma_wait3A_147 = arith.constant 0 : i32
      %dma_wait3A_148 = tpu.memref_slice %arg22[%dma_wait3A_146, %dma_wait3A_147] : memref<10112x64xf32, #tpu.memory_space<vmem_shared>> -> memref<10112x64xf32, #tpu.memory_space<vmem_shared>>
      tpu.wait_indirect_dma semaphore(%arg17 : memref<!tpu.dma_semaphore, #tpu.memory_space<semaphore_mem>>) src(%dma_wait3A_148 : memref<10112x64xf32, #tpu.memory_space<vmem_shared>>) dst(%arg12 : memref<128x64xf32, #tpu.memory_space<vmem>>)
      %dma_start3A_149 = arith.constant 3 : i32
      %dma_start3A_150 = arith.constant 0 : i32
      %dma_start3A_151 = tpu.memref_slice %arg8[%rem3A_42, %dma_start3A_149, %dma_start3A_150] : memref<2x4x128xi32, #tpu.memory_space<vmem>> -> memref<1x1x128xi32, #tpu.memory_space<vmem>>
      %dma_start3A_152 = tpu.memref_squeeze %dma_start3A_151 : memref<1x1x128xi32, #tpu.memory_space<vmem>> -> memref<128xi32, #tpu.memory_space<vmem>>
      %dma_start3A_153 = arith.constant 0 : i32
      %dma_start3A_154 = arith.constant 0 : i32
      %dma_start3A_155 = tpu.memref_slice %arg23[%dma_start3A_153, %dma_start3A_154] : memref<10112x64xf32, #tpu.memory_space<vmem_shared>> -> memref<10112x64xf32, #tpu.memory_space<vmem_shared>>
      tpu.enqueue_indirect_dma source(%arg12 : memref<128x64xf32, #tpu.memory_space<vmem>>) target(%dma_start3A_155 : memref<10112x64xf32, #tpu.memory_space<vmem_shared>>) offsets(%dma_start3A_152 : memref<128xi32, #tpu.memory_space<vmem>>) semaphore(%arg21 : memref<!tpu.dma_semaphore, #tpu.memory_space<semaphore_mem>>) {add = true}
      %dma_wait3A_156 = arith.constant 0 : i32
      %dma_wait3A_157 = arith.constant 0 : i32
      %dma_wait3A_158 = tpu.memref_slice %arg8[%rem3A_42, %dma_wait3A_156, %dma_wait3A_157] : memref<2x4x128xi32, #tpu.memory_space<vmem>> -> memref<1x1x128xi32, #tpu.memory_space<vmem>>
      %dma_wait3A_159 = tpu.memref_squeeze %dma_wait3A_158 : memref<1x1x128xi32, #tpu.memory_space<vmem>> -> memref<128xi32, #tpu.memory_space<vmem>>
      %dma_wait3A_160 = arith.constant 0 : i32
      %dma_wait3A_161 = arith.constant 0 : i32
      %dma_wait3A_162 = tpu.memref_slice %arg23[%dma_wait3A_160, %dma_wait3A_161] : memref<10112x64xf32, #tpu.memory_space<vmem_shared>> -> memref<10112x64xf32, #tpu.memory_space<vmem_shared>>
      tpu.wait_indirect_dma semaphore(%arg18 : memref<!tpu.dma_semaphore, #tpu.memory_space<semaphore_mem>>) src(%arg9 : memref<128x64xf32, #tpu.memory_space<vmem>>) dst(%dma_wait3A_162 : memref<10112x64xf32, #tpu.memory_space<vmem_shared>>)
      %dma_wait3A_163 = arith.constant 1 : i32
      %dma_wait3A_164 = arith.constant 0 : i32
      %dma_wait3A_165 = tpu.memref_slice %arg8[%rem3A_42, %dma_wait3A_163, %dma_wait3A_164] : memref<2x4x128xi32, #tpu.memory_space<vmem>> -> memref<1x1x128xi32, #tpu.memory_space<vmem>>
      %dma_wait3A_166 = tpu.memref_squeeze %dma_wait3A_165 : memref<1x1x128xi32, #tpu.memory_space<vmem>> -> memref<128xi32, #tpu.memory_space<vmem>>
      %dma_wait3A_167 = arith.constant 0 : i32
      %dma_wait3A_168 = arith.constant 0 : i32
      %dma_wait3A_169 = tpu.memref_slice %arg23[%dma_wait3A_167, %dma_wait3A_168] : memref<10112x64xf32, #tpu.memory_space<vmem_shared>> -> memref<10112x64xf32, #tpu.memory_space<vmem_shared>>
      tpu.wait_indirect_dma semaphore(%arg19 : memref<!tpu.dma_semaphore, #tpu.memory_space<semaphore_mem>>) src(%arg10 : memref<128x64xf32, #tpu.memory_space<vmem>>) dst(%dma_wait3A_169 : memref<10112x64xf32, #tpu.memory_space<vmem_shared>>)
      %dma_wait3A_170 = arith.constant 2 : i32
      %dma_wait3A_171 = arith.constant 0 : i32
      %dma_wait3A_172 = tpu.memref_slice %arg8[%rem3A_42, %dma_wait3A_170, %dma_wait3A_171] : memref<2x4x128xi32, #tpu.memory_space<vmem>> -> memref<1x1x128xi32, #tpu.memory_space<vmem>>
      %dma_wait3A_173 = tpu.memref_squeeze %dma_wait3A_172 : memref<1x1x128xi32, #tpu.memory_space<vmem>> -> memref<128xi32, #tpu.memory_space<vmem>>
      %dma_wait3A_174 = arith.constant 0 : i32
      %dma_wait3A_175 = arith.constant 0 : i32
      %dma_wait3A_176 = tpu.memref_slice %arg23[%dma_wait3A_174, %dma_wait3A_175] : memref<10112x64xf32, #tpu.memory_space<vmem_shared>> -> memref<10112x64xf32, #tpu.memory_space<vmem_shared>>
      tpu.wait_indirect_dma semaphore(%arg20 : memref<!tpu.dma_semaphore, #tpu.memory_space<semaphore_mem>>) src(%arg11 : memref<128x64xf32, #tpu.memory_space<vmem>>) dst(%dma_wait3A_176 : memref<10112x64xf32, #tpu.memory_space<vmem_shared>>)
      %dma_wait3A_177 = arith.constant 3 : i32
      %dma_wait3A_178 = arith.constant 0 : i32
      %dma_wait3A_179 = tpu.memref_slice %arg8[%rem3A_42, %dma_wait3A_177, %dma_wait3A_178] : memref<2x4x128xi32, #tpu.memory_space<vmem>> -> memref<1x1x128xi32, #tpu.memory_space<vmem>>
      %dma_wait3A_180 = tpu.memref_squeeze %dma_wait3A_179 : memref<1x1x128xi32, #tpu.memory_space<vmem>> -> memref<128xi32, #tpu.memory_space<vmem>>
      %dma_wait3A_181 = arith.constant 0 : i32
      %dma_wait3A_182 = arith.constant 0 : i32
      %dma_wait3A_183 = tpu.memref_slice %arg23[%dma_wait3A_181, %dma_wait3A_182] : memref<10112x64xf32, #tpu.memory_space<vmem_shared>> -> memref<10112x64xf32, #tpu.memory_space<vmem_shared>>
      tpu.wait_indirect_dma semaphore(%arg21 : memref<!tpu.dma_semaphore, #tpu.memory_space<semaphore_mem>>) src(%arg12 : memref<128x64xf32, #tpu.memory_space<vmem>>) dst(%dma_wait3A_183 : memref<10112x64xf32, #tpu.memory_space<vmem_shared>>)
      %dma_wait3A_184 = arith.constant 0 : i32
      %dma_wait3A_185 = arith.constant 0 : i32
      %dma_wait3A_186 = tpu.memref_slice %arg7[%sub3A_44, %dma_wait3A_184, %dma_wait3A_185] : memref<2x4x128xi32, #tpu.memory_space<vmem>> -> memref<1x4x128xi32, #tpu.memory_space<vmem>>
      %dma_wait3A_187 = tpu.memref_squeeze %dma_wait3A_186 : memref<1x4x128xi32, #tpu.memory_space<vmem>> -> memref<4x128xi32, #tpu.memory_space<vmem>>
      %dma_wait3A_188 = arith.constant 0 : i32
      %dma_wait3A_189 = tpu.memref_slice %arg3[%add3A_49, %dma_wait3A_188] : memref<2568x128xi32, #tpu.memory_space<hbm>> -> memref<4x128xi32, #tpu.memory_space<hbm>>
      %dma_wait3A_190 = arith.constant 0 : i32
      %dma_wait3A_191 = arith.constant 0 : i32
      %dma_wait3A_192 = tpu.memref_slice %arg7[%sub3A_44, %dma_wait3A_190, %dma_wait3A_191] : memref<2x4x128xi32, #tpu.memory_space<vmem>> -> memref<1x4x128xi32, #tpu.memory_space<vmem>>
      %dma_wait3A_193 = tpu.memref_squeeze %dma_wait3A_192 : memref<1x4x128xi32, #tpu.memory_space<vmem>> -> memref<4x128xi32, #tpu.memory_space<vmem>>
      %dma_wait3A_194 = arith.constant 0 : i32
      %dma_wait3A_195 = tpu.memref_slice %arg3[%add3A_49, %dma_wait3A_194] : memref<2568x128xi32, #tpu.memory_space<hbm>> -> memref<4x128xi32, #tpu.memory_space<hbm>>
      tpu.wait_dma2 semaphore(%arg13 : memref<!tpu.dma_semaphore, #tpu.memory_space<semaphore_mem>>) src(%dma_wait3A_195 : memref<4x128xi32, #tpu.memory_space<hbm>>) dst(%dma_wait3A_193 : memref<4x128xi32, #tpu.memory_space<vmem>>)
      %dma_wait3A_196 = arith.constant 0 : i32
      %dma_wait3A_197 = arith.constant 0 : i32
      %dma_wait3A_198 = tpu.memref_slice %arg8[%sub3A_44, %dma_wait3A_196, %dma_wait3A_197] : memref<2x4x128xi32, #tpu.memory_space<vmem>> -> memref<1x4x128xi32, #tpu.memory_space<vmem>>
      %dma_wait3A_199 = tpu.memref_squeeze %dma_wait3A_198 : memref<1x4x128xi32, #tpu.memory_space<vmem>> -> memref<4x128xi32, #tpu.memory_space<vmem>>
      %dma_wait3A_200 = arith.constant 0 : i32
      %dma_wait3A_201 = tpu.memref_slice %arg4[%add3A_49, %dma_wait3A_200] : memref<2568x128xi32, #tpu.memory_space<hbm>> -> memref<4x128xi32, #tpu.memory_space<hbm>>
      %dma_wait3A_202 = arith.constant 0 : i32
      %dma_wait3A_203 = arith.constant 0 : i32
      %dma_wait3A_204 = tpu.memref_slice %arg8[%sub3A_44, %dma_wait3A_202, %dma_wait3A_203] : memref<2x4x128xi32, #tpu.memory_space<vmem>> -> memref<1x4x128xi32, #tpu.memory_space<vmem>>
      %dma_wait3A_205 = tpu.memref_squeeze %dma_wait3A_204 : memref<1x4x128xi32, #tpu.memory_space<vmem>> -> memref<4x128xi32, #tpu.memory_space<vmem>>
      %dma_wait3A_206 = arith.constant 0 : i32
      %dma_wait3A_207 = tpu.memref_slice %arg4[%add3A_49, %dma_wait3A_206] : memref<2568x128xi32, #tpu.memory_space<hbm>> -> memref<4x128xi32, #tpu.memory_space<hbm>>
      tpu.wait_dma2 semaphore(%arg13 : memref<!tpu.dma_semaphore, #tpu.memory_space<semaphore_mem>>) src(%dma_wait3A_207 : memref<4x128xi32, #tpu.memory_space<hbm>>) dst(%dma_wait3A_205 : memref<4x128xi32, #tpu.memory_space<vmem>>)
    }
    %barrier3A_34 = arith.constant 0 : index
    tpu.barrier barrier_id(%barrier3A_34)
    %mul3A_35 = arith.constant 632 : i32
    %mul3A_36 = arith.muli %arg1, %mul3A_35 : i32
    %mul3A_37 = arith.constant 632 : i32
    %mul3A_38 = arith.muli %arg1, %mul3A_37 : i32
    "tpu.region"() ({
      %run_scoped3A_39 = tpu.sem_alloc : memref<!tpu.dma_semaphore, #tpu.memory_space<semaphore_mem>>
      %dma_start3A = arith.constant 0 : i32
      %dma_start3A_40 = arith.constant 0 : i32
      %dma_start3A_41 = tpu.memref_slice %arg6[%arg0, %dma_start3A, %dma_start3A_40] : memref<2x10112x64xf32, #tpu.memory_space<hbm>> -> memref<1x10112x64xf32, #tpu.memory_space<hbm>>
      %dma_start3A_42 = tpu.memref_squeeze %dma_start3A_41 : memref<1x10112x64xf32, #tpu.memory_space<hbm>> -> memref<10112x64xf32, #tpu.memory_space<hbm>>
      %dma_start3A_43 = arith.constant 0 : i32
      %dma_start3A_44 = tpu.memref_slice %dma_start3A_42[%mul3A_38, %dma_start3A_43] : memref<10112x64xf32, #tpu.memory_space<hbm>> -> memref<632x64xf32, #tpu.memory_space<hbm>>
      %dma_start3A_45 = arith.constant 0 : i32
      %dma_start3A_46 = tpu.memref_slice %arg23[%mul3A_36, %dma_start3A_45] : memref<10112x64xf32, #tpu.memory_space<vmem_shared>> -> memref<632x64xf32, #tpu.memory_space<vmem_shared>>
      tpu.enqueue_dma source(%dma_start3A_46 : memref<632x64xf32, #tpu.memory_space<vmem_shared>>) target(%dma_start3A_44 : memref<632x64xf32, #tpu.memory_space<hbm>>) target_semaphore(%run_scoped3A_39 : memref<!tpu.dma_semaphore, #tpu.memory_space<semaphore_mem>>)
      %dma_wait3A = arith.constant 0 : i32
      %dma_wait3A_47 = arith.constant 0 : i32
      %dma_wait3A_48 = tpu.memref_slice %arg6[%arg0, %dma_wait3A, %dma_wait3A_47] : memref<2x10112x64xf32, #tpu.memory_space<hbm>> -> memref<1x10112x64xf32, #tpu.memory_space<hbm>>
      %dma_wait3A_49 = tpu.memref_squeeze %dma_wait3A_48 : memref<1x10112x64xf32, #tpu.memory_space<hbm>> -> memref<10112x64xf32, #tpu.memory_space<hbm>>
      %dma_wait3A_50 = arith.constant 0 : i32
      %dma_wait3A_51 = tpu.memref_slice %dma_wait3A_49[%mul3A_38, %dma_wait3A_50] : memref<10112x64xf32, #tpu.memory_space<hbm>> -> memref<632x64xf32, #tpu.memory_space<hbm>>
      %dma_wait3A_52 = arith.constant 0 : i32
      %dma_wait3A_53 = tpu.memref_slice %arg23[%mul3A_36, %dma_wait3A_52] : memref<10112x64xf32, #tpu.memory_space<vmem_shared>> -> memref<632x64xf32, #tpu.memory_space<vmem_shared>>
      tpu.wait_dma2 semaphore(%run_scoped3A_39 : memref<!tpu.dma_semaphore, #tpu.memory_space<semaphore_mem>>) src(%dma_wait3A_53 : memref<632x64xf32, #tpu.memory_space<vmem_shared>>) dst(%dma_wait3A_51 : memref<632x64xf32, #tpu.memory_space<hbm>>)
      tpu.yield
    }) : () -> ()
    return
  }
}

module attributes {stable_mosaic.version = 14 : i64} {
  func.func @body(%arg0: memref<10112x128xf32, #tpu.memory_space<vmem>>, %arg1: memref<128x128xf32, #tpu.memory_space<vmem>>, %arg2: memref<2x10112x16xf32, #tpu.memory_space<vmem>>, %arg3: memref<10112x128xf32, #tpu.memory_space<vmem>>) attributes {dimension_semantics = [], scalar_prefetch = 0 : i64, scratch_operands = 0 : i64, tpu.core_type = #tpu.core_type<tc>} {
    %get3A = arith.constant 0 : index
    %get3A_0 = arith.constant 0 : index
    %get3A_1 = arith.constant 0 : index
    %get3A_2 = vector.load %arg2[%get3A, %get3A_0, %get3A_1] : memref<2x10112x16xf32, #tpu.memory_space<vmem>>, vector<1x10112x1xf32>
    %get3A_3 = vector.shape_cast %get3A_2 : vector<1x10112x1xf32> to vector<10112x1xf32>
    %get3A_4 = arith.constant 1 : index
    %get3A_5 = arith.constant 0 : index
    %get3A_6 = arith.constant 0 : index
    %get3A_7 = vector.load %arg2[%get3A_4, %get3A_5, %get3A_6] : memref<2x10112x16xf32, #tpu.memory_space<vmem>>, vector<1x10112x1xf32>
    %get3A_8 = vector.shape_cast %get3A_7 : vector<1x10112x1xf32> to vector<10112x1xf32>
    %add3A = arith.addf %get3A_3, %get3A_8 : vector<10112x1xf32>
    %add3A_9 = arith.constant 1.000000e+00 : f32
    %add3A_10 = vector.broadcast %add3A_9 : f32 to vector<10112x1xf32>
    %add3A_11 = arith.addf %add3A, %add3A_10 : vector<10112x1xf32>
    %rsqrt3A = math.rsqrt %add3A_11 : vector<10112x1xf32>
    %get3A_12 = arith.constant 0 : index
    %get3A_13 = arith.constant 0 : index
    %get3A_14 = vector.load %arg0[%get3A_12, %get3A_13] : memref<10112x128xf32, #tpu.memory_space<vmem>>, vector<10112x128xf32>
    %get3A_15 = arith.constant 0 : index
    %get3A_16 = arith.constant 0 : index
    %get3A_17 = vector.load %arg1[%get3A_15, %get3A_16] : memref<128x128xf32, #tpu.memory_space<vmem>>, vector<128x128xf32>
    %dot_general3A = arith.constant dense<0.000000e+00> : vector<10112x128xf32>
    %dot_general3A_18 = tpu.matmul %get3A_14, %get3A_17, %dot_general3A {dimension_numbers = #tpu.dot_dimension_numbers<[1], [0], [0], [1], [0, 0, 1, 1], [], []>, transpose_lhs_hint = false} : vector<10112x128xf32>, vector<128x128xf32>, vector<10112x128xf32> -> vector<10112x128xf32>
    %mul3A = vector.broadcast %rsqrt3A : vector<10112x1xf32> to vector<10112x128xf32>
    %mul3A_19 = arith.mulf %dot_general3A_18, %mul3A : vector<10112x128xf32>
    %swap3A = arith.constant 0 : index
    %swap3A_20 = arith.constant 0 : index
    %swap3A_21 = vector.load %arg3[%swap3A, %swap3A_20] : memref<10112x128xf32, #tpu.memory_space<vmem>>, vector<10112x128xf32>
    tpu.vector_store %arg3[%swap3A, %swap3A_20], %mul3A_19 {strides = array<i32>} : memref<10112x128xf32, #tpu.memory_space<vmem>>, vector<10112x128xf32>,
    return
  }
}

module attributes {stable_mosaic.version = 14 : i64} {
  func.func @body(%arg0: memref<2x10112x64xf32, #tpu.memory_space<vmem>>, %arg1: memref<2x10112x64xf32, #tpu.memory_space<vmem>>, %arg2: memref<10112x128xf32, #tpu.memory_space<vmem>>, %arg3: memref<2x10112x16xf32, #tpu.memory_space<vmem>>, %arg4: memref<1x128xf32, #tpu.memory_space<vmem>>, %arg5: memref<128x64xf32, #tpu.memory_space<vmem>>, %arg6: memref<10112x64xf32, #tpu.memory_space<vmem>>) attributes {dimension_semantics = [], scalar_prefetch = 0 : i64, scratch_operands = 0 : i64, tpu.core_type = #tpu.core_type<tc>} {
    %get3A = arith.constant 0 : index
    %get3A_0 = arith.constant 0 : index
    %get3A_1 = arith.constant 0 : index
    %get3A_2 = vector.load %arg3[%get3A, %get3A_0, %get3A_1] : memref<2x10112x16xf32, #tpu.memory_space<vmem>>, vector<1x10112x1xf32>
    %get3A_3 = vector.shape_cast %get3A_2 : vector<1x10112x1xf32> to vector<10112x1xf32>
    %get3A_4 = arith.constant 1 : index
    %get3A_5 = arith.constant 0 : index
    %get3A_6 = arith.constant 0 : index
    %get3A_7 = vector.load %arg3[%get3A_4, %get3A_5, %get3A_6] : memref<2x10112x16xf32, #tpu.memory_space<vmem>>, vector<1x10112x1xf32>
    %get3A_8 = vector.shape_cast %get3A_7 : vector<1x10112x1xf32> to vector<10112x1xf32>
    %add3A = arith.addf %get3A_3, %get3A_8 : vector<10112x1xf32>
    %add3A_9 = arith.constant 1.000000e+00 : f32
    %add3A_10 = vector.broadcast %add3A_9 : f32 to vector<10112x1xf32>
    %add3A_11 = arith.addf %add3A, %add3A_10 : vector<10112x1xf32>
    %rsqrt3A = math.rsqrt %add3A_11 : vector<10112x1xf32>
    %get3A_12 = arith.constant 0 : index
    %get3A_13 = arith.constant 0 : index
    %get3A_14 = arith.constant 0 : index
    %get3A_15 = vector.load %arg0[%get3A_12, %get3A_13, %get3A_14] : memref<2x10112x64xf32, #tpu.memory_space<vmem>>, vector<1x10112x64xf32>
    %get3A_16 = vector.shape_cast %get3A_15 : vector<1x10112x64xf32> to vector<10112x64xf32>
    %get3A_17 = arith.constant 1 : index
    %get3A_18 = arith.constant 0 : index
    %get3A_19 = arith.constant 0 : index
    %get3A_20 = vector.load %arg0[%get3A_17, %get3A_18, %get3A_19] : memref<2x10112x64xf32, #tpu.memory_space<vmem>>, vector<1x10112x64xf32>
    %get3A_21 = vector.shape_cast %get3A_20 : vector<1x10112x64xf32> to vector<10112x64xf32>
    %add3A_22 = arith.addf %get3A_16, %get3A_21 : vector<10112x64xf32>
    %get3A_23 = arith.constant 0 : index
    %get3A_24 = arith.constant 0 : index
    %get3A_25 = vector.load %arg2[%get3A_23, %get3A_24] : memref<10112x128xf32, #tpu.memory_space<vmem>>, vector<10112x64xf32>
    %add3A_26 = arith.addf %add3A_22, %get3A_25 : vector<10112x64xf32>
    %get3A_27 = arith.constant 0 : index
    %get3A_28 = arith.constant 0 : index
    %get3A_29 = arith.constant 0 : index
    %get3A_30 = vector.load %arg1[%get3A_27, %get3A_28, %get3A_29] : memref<2x10112x64xf32, #tpu.memory_space<vmem>>, vector<1x10112x64xf32>
    %get3A_31 = vector.shape_cast %get3A_30 : vector<1x10112x64xf32> to vector<10112x64xf32>
    %get3A_32 = arith.constant 1 : index
    %get3A_33 = arith.constant 0 : index
    %get3A_34 = arith.constant 0 : index
    %get3A_35 = vector.load %arg1[%get3A_32, %get3A_33, %get3A_34] : memref<2x10112x64xf32, #tpu.memory_space<vmem>>, vector<1x10112x64xf32>
    %get3A_36 = vector.shape_cast %get3A_35 : vector<1x10112x64xf32> to vector<10112x64xf32>
    %add3A_37 = arith.addf %get3A_31, %get3A_36 : vector<10112x64xf32>
    %get3A_38 = arith.constant 0 : index
    %get3A_39 = arith.constant 64 : index
    %get3A_40 = vector.load %arg2[%get3A_38, %get3A_39] : memref<10112x128xf32, #tpu.memory_space<vmem>>, vector<10112x64xf32>
    %add3A_41 = arith.addf %add3A_37, %get3A_40 : vector<10112x64xf32>
    %concatenate3A = tpu.concatenate %add3A_26, %add3A_41 in 1 : vector<10112x64xf32>, vector<10112x64xf32> -> vector<10112x128xf32>
    %mul3A = vector.broadcast %rsqrt3A : vector<10112x1xf32> to vector<10112x128xf32>
    %mul3A_42 = arith.mulf %mul3A, %concatenate3A : vector<10112x128xf32>
    %get3A_43 = arith.constant 0 : index
    %get3A_44 = arith.constant 0 : index
    %get3A_45 = vector.load %arg4[%get3A_43, %get3A_44] : memref<1x128xf32, #tpu.memory_space<vmem>>, vector<1x128xf32>
    %add3A_46 = vector.broadcast %get3A_45 : vector<1x128xf32> to vector<10112x128xf32>
    %add3A_47 = arith.addf %mul3A_42, %add3A_46 : vector<10112x128xf32>
    %max3A = arith.constant 0.000000e+00 : f32
    %max3A_48 = vector.broadcast %max3A : f32 to vector<10112x128xf32>
    %max3A_49 = arith.maximumf %add3A_47, %max3A_48 : vector<10112x128xf32>
    %get3A_50 = arith.constant 0 : index
    %get3A_51 = arith.constant 0 : index
    %get3A_52 = vector.load %arg5[%get3A_50, %get3A_51] : memref<128x64xf32, #tpu.memory_space<vmem>>, vector<128x64xf32>
    %dot_general3A = arith.constant dense<0.000000e+00> : vector<10112x64xf32>
    %dot_general3A_53 = tpu.matmul %max3A_49, %get3A_52, %dot_general3A {dimension_numbers = #tpu.dot_dimension_numbers<[1], [0], [0], [1], [0, 0, 1, 1], [], []>, transpose_lhs_hint = false} : vector<10112x128xf32>, vector<128x64xf32>, vector<10112x64xf32> -> vector<10112x64xf32>
    %mul3A_54 = vector.broadcast %rsqrt3A : vector<10112x1xf32> to vector<10112x64xf32>
    %mul3A_55 = arith.mulf %dot_general3A_53, %mul3A_54 : vector<10112x64xf32>
    %swap3A = arith.constant 0 : index
    %swap3A_56 = arith.constant 0 : index
    %swap3A_57 = vector.load %arg6[%swap3A, %swap3A_56] : memref<10112x64xf32, #tpu.memory_space<vmem>>, vector<10112x64xf32>
    tpu.vector_store %arg6[%swap3A, %swap3A_56], %mul3A_55 {strides = array<i32>} : memref<10112x64xf32, #tpu.memory_space<vmem>>, vector<10112x64xf32>,
    return
  }
}

module attributes {stable_mosaic.version = 14 : i64} {
  func.func @body(%arg0: memref<2x10112x64xf32, #tpu.memory_space<vmem>>, %arg1: memref<10112x64xf32, #tpu.memory_space<vmem>>, %arg2: memref<2x10112x16xf32, #tpu.memory_space<vmem>>, %arg3: memref<1x64xf32, #tpu.memory_space<vmem>>, %arg4: memref<10000x64xf32, #tpu.memory_space<vmem>>) attributes {dimension_semantics = [], scalar_prefetch = 0 : i64, scratch_operands = 0 : i64, tpu.core_type = #tpu.core_type<tc>} {
    %get3A = arith.constant 0 : index
    %get3A_0 = arith.constant 0 : index
    %get3A_1 = arith.constant 0 : index
    %get3A_2 = vector.load %arg2[%get3A, %get3A_0, %get3A_1] : memref<2x10112x16xf32, #tpu.memory_space<vmem>>, vector<1x10000x1xf32>
    %get3A_3 = vector.shape_cast %get3A_2 : vector<1x10000x1xf32> to vector<10000x1xf32>
    %get3A_4 = arith.constant 1 : index
    %get3A_5 = arith.constant 0 : index
    %get3A_6 = arith.constant 0 : index
    %get3A_7 = vector.load %arg2[%get3A_4, %get3A_5, %get3A_6] : memref<2x10112x16xf32, #tpu.memory_space<vmem>>, vector<1x10000x1xf32>
    %get3A_8 = vector.shape_cast %get3A_7 : vector<1x10000x1xf32> to vector<10000x1xf32>
    %add3A = arith.addf %get3A_3, %get3A_8 : vector<10000x1xf32>
    %add3A_9 = arith.constant 1.000000e+00 : f32
    %add3A_10 = vector.broadcast %add3A_9 : f32 to vector<10000x1xf32>
    %add3A_11 = arith.addf %add3A, %add3A_10 : vector<10000x1xf32>
    %rsqrt3A = math.rsqrt %add3A_11 : vector<10000x1xf32>
    %get3A_12 = arith.constant 0 : index
    %get3A_13 = arith.constant 0 : index
    %get3A_14 = arith.constant 0 : index
    %get3A_15 = vector.load %arg0[%get3A_12, %get3A_13, %get3A_14] : memref<2x10112x64xf32, #tpu.memory_space<vmem>>, vector<1x10000x64xf32>
    %get3A_16 = vector.shape_cast %get3A_15 : vector<1x10000x64xf32> to vector<10000x64xf32>
    %get3A_17 = arith.constant 1 : index
    %get3A_18 = arith.constant 0 : index
    %get3A_19 = arith.constant 0 : index
    %get3A_20 = vector.load %arg0[%get3A_17, %get3A_18, %get3A_19] : memref<2x10112x64xf32, #tpu.memory_space<vmem>>, vector<1x10000x64xf32>
    %get3A_21 = vector.shape_cast %get3A_20 : vector<1x10000x64xf32> to vector<10000x64xf32>
    %add3A_22 = arith.addf %get3A_16, %get3A_21 : vector<10000x64xf32>
    %get3A_23 = arith.constant 0 : index
    %get3A_24 = arith.constant 0 : index
    %get3A_25 = vector.load %arg1[%get3A_23, %get3A_24] : memref<10112x64xf32, #tpu.memory_space<vmem>>, vector<10000x64xf32>
    %add3A_26 = arith.addf %add3A_22, %get3A_25 : vector<10000x64xf32>
    %mul3A = vector.broadcast %rsqrt3A : vector<10000x1xf32> to vector<10000x64xf32>
    %mul3A_27 = arith.mulf %mul3A, %add3A_26 : vector<10000x64xf32>
    %get3A_28 = arith.constant 0 : index
    %get3A_29 = arith.constant 0 : index
    %get3A_30 = vector.load %arg3[%get3A_28, %get3A_29] : memref<1x64xf32, #tpu.memory_space<vmem>>, vector<1x64xf32>
    %add3A_31 = vector.broadcast %get3A_30 : vector<1x64xf32> to vector<10000x64xf32>
    %add3A_32 = arith.addf %mul3A_27, %add3A_31 : vector<10000x64xf32>
    %swap3A = arith.constant 0 : index
    %swap3A_33 = arith.constant 0 : index
    %swap3A_34 = vector.load %arg4[%swap3A, %swap3A_33] : memref<10000x64xf32, #tpu.memory_space<vmem>>, vector<10000x64xf32>
    tpu.vector_store %arg4[%swap3A, %swap3A_33], %add3A_32 {strides = array<i32>} : memref<10000x64xf32, #tpu.memory_space<vmem>>, vector<10000x64xf32>,
    return
  }
}

</mosaic_0001>

<sc_bundles>
// kernel: kernel.12.cloned.1.call-start
scs
__scs_entry_jumppad:
0x0: {  	(pc) =	sbr.rel $0x88, $3  }
0x1: {  	(tag) =	ssettag $0x0;
	lr =	simm.s32 $0x1  }
0x2: {  	[smem:$0x3F9B] =	sst lr;
	_ =	strace $0xD0000000  }
0x3: {  	_ = 	snop  }
0x4: {  	_ = 	snop  }
0x5: {  	_ = 	snop  }
0x6: {  	_ = 	snop  }
0x7: {  	_ = 	snop  }
__scs_overlays_trampoline_lowered:
0x8: {  	[smem:$0x3FAA] =	sst s0  }
0x9: {  	[smem:$0x3FAB] =	sst s1  }
0xa: {  	[smem:$0x3FAC] =	sst s2  }
0xb: {  	[smem:$0x3FAD] =	sst s3  }
0xc: {  	[smem:$0x3FAE] =	sst s4  }
0xd: {  	[smem:$0x3FAF] =	sst s5  }
0xe: {  	[smem:$0x3FB0] =	sst s6  }
0xf: {  	[smem:$0x3FB1] =	sst s7  }
0x10: {  	[smem:$0x3FB2] =	sst s8  }
0x11: {  	[smem:$0x3FB3] =	sst s9;
	s0 =	simm.s32 @!p0 $0x0  }
0x12: {  	s1 =	sld [smem:$0x3F99];
	s0 =	simm.s32 @p0 $0x1  }
0x13: {  	[smem:$0x3FB4] =	sst s0;
	s0 =	simm.s32 @!p1 $0x0  }
0x14: {  	s2 =	sld [smem:$0x3F98];
	s0 =	simm.s32 @p1 $0x1  }
0x15: {  	[smem:$0x3FB5] =	sst s0;
	s0 =	simm.s32 @!p2 $0x0  }
0x16: {  	s3 =	sld [smem:$0x3FDB];
	s0 =	simm.s32 @p2 $0x1  }
0x17: {  	s4 =	simm.s32 $0x1BF5;
	[smem:$0x3FB7] =	sst s0  }
0x18: {  	s0 =	sld [smem:$0x3F9A];
	_ =	swait.ge [sflag:s4], $0x0  }
0x19: {  	s7 =	sld [smem:$0x3F9B]  }
0x1a: {  	s8 =	sadd.s32 $0xFFFFE003, lr  }
0x1b: {  	s9 =	sadd.s32 $0xFFFFFEF7, lr;
	s5 =	simm.s32 $0xFFFFFFFF;
	p2 =	slt.u32 s8, $0xFFFFF086  }
0x1c: {  	p1 =	slt.u32 s9, $0xF7A;
	s5 =	simm.s32 @!p2 $0x0  }
0x1d: {  	s5 =	simm.s32 @p1 $0x1;
	p0 =	seq.s32 s7, s2  }
0x1e: {  	s7 =	smul.u32 @!p0 $0xF7A, s2;
	p2 =	seq.s32 @!p0 s5, $0x0  }
0x1f: {  	s9 =	smul.u32 $0xF7A, s1;
	s8 =	simm.s32 @!p0 $0x1BF5;
	p2 =	por !p2, p0  }
0x20: {  	[sflag:s8] =	ssyncset.s32 @!p0 $0xFFFFF086;
	s6 =	sadd.s32 @!p0 s3, s7;
	s7 =	simm.s32 @!p0 $0x108  }
0x21: {  	s3 =	sadd.s32 s3, s9;
	s6 =	sadd.s32 @!p0 $0x88, s6;
	s7 =	simm.s32 @p2 $0x1082  }
0x22: {  	[simem:s7], [sflag:s8] =	dma.local @!p0 [hbm:s6], $0xF7A  }
0x23: {  	s9 =	sor.u32 $0xD0000000, s2;
	s6 =	simm.s32 $0x108;
	_ =	swait.ge @!p0 [sflag:s8], $0x0  }
0x24: {  	s3 =	sadd.s32 $0x88, s3;
	s6 =	simm.s32 @!p1 $0x1082;
	[sflag:s4] =	ssyncset.s32 $0xFFFFF086  }
0x25: {  	[simem:s6], [sflag:s4] =	dma.local [hbm:s3], $0xF7A  }
0x26: {  	[smem:$0x3F9B] =	sst s1;
	(tag) =	ssettag s2;
	_ =	strace s9  }
0x27: {  	s1 =	sld [smem:$0x3FAB]  }
0x28: {  	s2 =	sld [smem:$0x3FAC]  }
0x29: {  	s4 =	sld [smem:$0x3FAE]  }
0x2a: {  	p0 =	seq.s32 s5, $0x0;
	s5 =	sld [smem:$0x3FAF]  }
0x2b: {  	s6 =	sld [smem:$0x3FB0]  }
0x2c: {  	s7 =	sld [smem:$0x3FB1]  }
0x2d: {  	s3 =	simm.s32 $0x108;
	s8 =	sld [smem:$0x3FB2]  }
0x2e: {  	s3 =	simm.s32 @!p0 $0x1082;
	s9 =	sld [smem:$0x3FB3]  }
0x2f: {  	lr =	sadd.s32 s0, s3;
	s0 =	sld [smem:$0x3FAA]  }
0x30: {  	s3 =	sld [smem:$0x3FAD]  }
0x31: {  	[smem:$0x3FB6] =	sst s10  }
0x32: {  	s10 =	sld [smem:$0x3FB4];
	_ =	sdelay $0x3  }
0x33: {  	p0 =	seq.s32 s10, $0x1;
	s10 =	sld [smem:$0x3FB6];
	_ =	sdelay $0x3  }
0x34: {  	[smem:$0x3FB6] =	sst s10  }
0x35: {  	s10 =	sld [smem:$0x3FB5];
	_ =	sdelay $0x3  }
0x36: {  	p1 =	seq.s32 s10, $0x1;
	s10 =	sld [smem:$0x3FB6];
	_ =	sdelay $0x3  }
0x37: {  	[smem:$0x3FB6] =	sst s10  }
0x38: {  	s10 =	sld [smem:$0x3FB7]  }
0x39: {  	_ = 	snop;
	(pc) =	sbr.ind lr, $3  }
0x3a: {  	_ = 	snop  }
0x3b: {  	_ = 	snop  }
0x3c: {  	p2 =	seq.s32 s10, $0x1;
	s10 =	sld [smem:$0x3FB6]  }
0x3d: {  	_ =	shalt  }
0x3e: {  	_ =	shalt  }
0x3f: {  	_ =	shalt  }
0x40: {  	_ =	shalt  }
0x41: {  	_ =	shalt  }
0x42: {  	_ =	shalt  }
0x43: {  	_ =	shalt  }
0x44: {  	_ =	shalt  }
0x45: {  	_ =	shalt  }
0x46: {  	_ =	shalt  }
0x47: {  	_ =	shalt  }
0x48: {  	_ =	shalt  }
0x49: {  	_ =	shalt  }
0x4a: {  	_ =	shalt  }
0x4b: {  	_ =	shalt  }
0x4c: {  	_ =	shalt  }
0x4d: {  	_ =	shalt  }
0x4e: {  	_ =	shalt  }
0x4f: {  	_ =	shalt  }
0x50: {  	_ =	shalt  }
0x51: {  	_ =	shalt  }
0x52: {  	_ =	shalt  }
0x53: {  	_ =	shalt  }
0x54: {  	_ =	shalt  }
0x55: {  	_ =	shalt  }
0x56: {  	_ =	shalt  }
0x57: {  	_ =	shalt  }
0x58: {  	_ =	shalt  }
0x59: {  	_ =	shalt  }
0x5a: {  	_ =	shalt  }
0x5b: {  	_ =	shalt  }
0x5c: {  	_ =	shalt  }
0x5d: {  	_ =	shalt  }
0x5e: {  	_ =	shalt  }
0x5f: {  	_ =	shalt  }
0x60: {  	_ =	shalt  }
0x61: {  	_ =	shalt  }
0x62: {  	_ =	shalt  }
0x63: {  	_ =	shalt  }
0x64: {  	_ =	shalt  }
0x65: {  	_ =	shalt  }
0x66: {  	_ =	shalt  }
0x67: {  	_ =	shalt  }
0x68: {  	_ =	shalt  }
0x69: {  	_ =	shalt  }
0x6a: {  	_ =	shalt  }
0x6b: {  	_ =	shalt  }
0x6c: {  	_ =	shalt  }
0x6d: {  	_ =	shalt  }
0x6e: {  	_ =	shalt  }
0x6f: {  	_ =	shalt  }
0x70: {  	_ =	shalt  }
0x71: {  	_ =	shalt  }
0x72: {  	_ =	shalt  }
0x73: {  	_ =	shalt  }
0x74: {  	_ =	shalt  }
0x75: {  	_ =	shalt  }
0x76: {  	_ =	shalt  }
0x77: {  	_ =	shalt  }
0x78: {  	_ =	shalt  }
0x79: {  	_ =	shalt  }
0x7a: {  	_ =	shalt  }
0x7b: {  	_ =	shalt  }
0x7c: {  	_ =	shalt  }
0x7d: {  	_ =	shalt  }
0x7e: {  	_ =	shalt  }
0x7f: {  	_ =	shalt  }
0x80: {  	_ =	shalt  }
0x81: {  	_ =	shalt  }
0x82: {  	_ =	shalt  }
0x83: {  	_ =	shalt  }
0x84: {  	_ =	shalt  }
0x85: {  	_ =	shalt  }
0x86: {  	_ =	shalt  }
0x87: {  	_ =	shalt  }
.Lfunc_end0:
.L_simem_size_0:
called_computation.1_lowered:
.L_overlay_start_0:
0x88: {  	s2 =	sld [smem:$0x3FD9]  }
0x89: {  	s3 =	sld [smem:$0x3FFE];
	_ =	sdelay $0x1  }
0x8a: {  	s1 =	srdreg.scid  }
0x8b: {  	s0 =	sand.u32 $0x1, s1  }
0x8c: {  	s17 =	sshll.u32 s0, $0xA;
	s2 =	sadd.s32 s3, s2  }
0x8d: {  	s2 =	sadd.s32 s2, s17  }
0x8e: {  	[smem:$0x3FC2] =	sst s2  }
0x8f: {  	_ = 	snop  }
0x90: {  	s18 =	sld [smem:$0x3FD0];
	(tm) =	ssettm $0x1  }
0x91: {  	s19 =	sld [smem:$0x3FFB];
	_ =	sdelay $0x3  }
0x92: {  	_ =	strace s19  }
0x93: {  	s2 =	sld [smem:$0x3FFC];
	_ =	sdelay $0x3  }
0x94: {  	_ =	strace s2  }
0x95: {  	s2 =	sld [smem:$0x3FFD];
	_ =	sdelay $0x3  }
0x96: {  	_ =	strace s2  }
0x97: {  	_ =	strace $0x8FFFFFFF  }
0x98: {  	s20 =	sld [smem:$0x3FDB];
	_ =	sdelay $0x1  }
0x99: {  	s4 =	simm.s32 $_scs_section_size  }
0x9a: {  	s5 =	simm.s32 $_size__tile_overlayer_lowered;
	s6 =	simm.s32 $_tile_overlayer_lowered  }
0x9b: {  	s7 =	simm.s32 $0x1BFF;
	s21 =	sshll.u32 s6, $0x1;
	s4 =	sadd.s32 s4, s20  }
0x9c: {  	s22 =	simm.s32 $0x0;
	s5 =	sshll.u32 s5, $0x1;
	s6 =	sadd.s32 s21, s4  }
0x9d: {  	[timem:s22], [sflag:s7] =	dma.local [hbm:s6], s5  }
0x9e: {  	_ =	swait.ge [sflag:s7], s5  }
0x9f: {  	s5 =	ssub.s32 $0x0, s5;
	[sflag:s7] =	ssyncset.done $0x0  }
0xa0: {  	[sflag:s7] =	ssyncadd.s32 s5;
	_ =	sdelay $0x1  }
0xa1: {  	s23 =	simm.s32 $0x1B8B  }
0xa2: {  	_ =	swait.ge [sflag:s23], $0x1  }
0xa3: {  	[sflag:s23] =	ssyncset.done $0x0  }
0xa4: {  	[sflag:s23] =	ssyncadd.s32 $0xFFFFFFFF  }
0xa5: {  	s5 =	sld [smem:$0x0]  }
0xa6: {  	s6 =	sand.u32 $0xFFFFFFFE, s1  }
0xa7: {  	p0 =	sne.s32 s1, s6  }
0xa8: {  	s6 =	sshll.u32 @p0 s6, $0xE  }
0xa9: {  	s6 =	sadd.s32 @p0 $0x11B8D, s6;
	s7 =	sshll.u32 @p0 s5, $0x11  }
0xaa: {  	s6 =	sor.u32 @p0 s7, s6  }
0xab: {  	[sflag:s6] =	ssyncadd.remote.s32 @p0 $0x1;
	_ =	sdelay $0x1  }
0xac: {  	s6 =	simm.s32 @p0 $0x1B8D  }
0xad: {  	_ =	swait.eq @p0 [sflag:s6], $0x1  }
0xae: {  	[sflag:s6] =	ssyncadd.s32 @p0 $0xFFFFFFFF  }
0xaf: {  	s7 =	sshll.u32 @!p0 s1, $0xE  }
0xb0: {  	s7 =	sor.u32 @!p0 $0x4000, s7;
	s6 =	simm.s32 @!p0 $0x1B8D  }
0xb1: {  	s5 =	sshll.u32 @!p0 s5, $0x11;
	s7 =	sadd.s32 @!p0 $0x11B8D, s7;
	_ =	swait.eq @!p0 [sflag:s6], $0x1  }
0xb2: {  	s5 =	sor.u32 @!p0 s5, s7;
	[sflag:s6] =	ssyncadd.s32 @!p0 $0xFFFFFFFF  }
0xb3: {  	s25 =	simm.s32 $0x1B8E;
	s24 =	sld [smem:$0x3FFE];
	[sflag:s5] =	ssyncadd.remote.s32 @!p0 $0x1  }
0xb4: {  	s26 =	simm.s32 $execute0_lowered;
	[smem:$0x3FD2] =	sst s25  }
0xb5: {  	s6 =	sshll.u32 s26, $0x1;
	_ =	strace $0x8000004C;
	[dreg:$0x1] =	wrdreg $0xFFFFFFFF  }
0xb6: {  	s28 =	simm.s32 $_size_execute0_lowered;
	s4 =	sadd.s32 s4, s6;
	[dreg:$0x0] =	wrdreg $0x0  }
0xb7: {  	s6 =	sshll.u32 s28, $0x1;
	[dreg:$0x2] =	wrdreg s4  }
0xb8: {  	[dreg:$0x3] =	wrdreg s6  }
0xb9: {  	[dreg:$0x4] =	wrdreg $0xC0  }
0xba: {  	_ =	task [dreg:s22], $0x5FFFF  }
0xbb: {  	[dreg:$0x1] =	wrdreg $0xFFFFFFFF  }
0xbc: {  	[dreg:$0x0] =	wrdreg $0x60  }
0xbd: {  	[dreg:$0x2] =	wrdreg s24  }
0xbe: {  	[dreg:$0x3] =	wrdreg s18  }
0xbf: {  	[dreg:$0x4] =	wrdreg $0x88000  }
0xc0: {  	[dreg:$0x5] =	wrdreg $0x126000  }
0xc1: {  	[dreg:$0x6] =	wrdreg $0x9  }
0xc2: {  	_ =	task.clear_ibuf [dreg:s22], $0x7FFFF;
	_ =	strace $0x9000004C  }
0xc3: {  	s29 =	simm.s32 $0x9;
	_ =	strace $0x8000004E  }
0xc4: {  	_ =	swait.ge [sflag:s29], $0x1  }
0xc5: {  	[sflag:s29] =	ssyncadd.s32 $0xFFFFFFFF  }
0xc6: {  	_ =	strace $0x9000004E  }
0xc7: {  	_ =	sfence  }
0xc8: {  	s30 =	sld [smem:$0x0];
	_ =	sdelay $0x2  }
0xc9: {  	s31 =	sshll.u32 s1, $0xD;
	s1 =	sshrl.u32 s1, $0x2  }
0xca: {  	s4 =	sand.u32 $0x4000, s31;
	s1 =	sadd.s32 s1, s30  }
0xcb: {  	s0 =	sor.u32 s4, s0;
	s1 =	sshll.u32 s1, $0x11  }
0xcc: {  	s0 =	sor.u32 s1, s0  }
0xcd: {  	s0 =	sadd.s32 $0x8F2B, s0  }
0xce: {  	[sflag:s0] =	ssyncadd.remote.s32 $0x1  }
0xcf: {  	_ =	sfence.sel $0xFFFF  }
0xd0: {  	[dreg:$0x0] =	wrdreg $0xFFFFFFFF;
	(pc) =	sbr.abs _section_cstart, $3  }
0xd1: {  	[dreg:$0x1] =	wrdreg $0xFFFFFFFF  }
0xd2: {  	_ =	task.clear_ibuf [dreg:s22], $0x2FFFF;
	_ =	strace $0x9FFFFFFF  }
0xd3: {  	(tm) =	ssettm $0x7FFFFFFF  }
tec
execute0_lowered:
.L_overlay_start_1:
0x0: {  	(tag) =	ssettag $0x1  }
0x1: {  	s0 =	rddreg [dreg:$0x0]  }
0x2: {  	s2 =	rddreg [dreg:$0x1]  }
0x3: {  	s1 =	rddreg [dreg:$0x2];
	s14 =	stileid.u32  }
0x4: {  	s4 =	srdreg.scid;
	s3 =	rddreg [dreg:$0x3];
	s12 =	simm.s32 $0xA  }
0x5: {  	s16 =	simm.s32 $0x1;
	s17 =	simm.s32 $0x8;
	s5 =	smul.u32 $0x44, s14  }
0x6: {  	s28 =	simm.s32 $0x3;
	s29 =	simm.s32 $0x4;
	s7 =	smul.u32 $0x5C, s14  }
0x7: {  	s30 =	simm.s32 $0x5;
	s31 =	simm.s32 $0x6;
	s8 =	smul.u32 $0x2780, s14  }
0x8: {  	s6 =	sand.u32 $0x1, s4;
	s4 =	simm.s32 $0x0;
	s9 =	smul.u32 $0x9E00, s14  }
0x9: {  	s26 =	sshll.u32 s14, $0x6;
	p0 =	seq.s32 s6, $0x0;
	[smem:$0x7FF] =	sst s4  }
0xa: {  	s19 =	smul.u32 $0x13C00, s6;
	s20 =	ssub.s32 $0x2, s6;
	s6 =	simm.s32 $0x2E00  }
0xb: {  	s14 =	sor.u32 $0x1C0A, s26;
	s26 =	simm.s32 $0x2;
	s5 =	sadd.s32 $0x5C0, s5  }
0xc: {  	_ =	strace $0x8000004D;
	s8 =	sadd.s32 s8, s0;
	s21 =	sshrl.u32 s20, $0x1  }
0xd: {  	s6 =	simm.s32 @!p0 $0x2200;
	s24 =	sadd.s32 s9, s1;
	s11 =	sshrl.u32 s9, $0x3  }
0xe: {  	s13 =	sadd.s32 s9, s3;
	[dreg:$0x5] =	wrdreg s6;
	s25 =	sadd.s32 $0x6AA00, s8  }
0xf: {  	s5 =	smov.u32 @p0 s7;
	s2 =	sadd.s32 s2, s11;
	[dreg:$0x8] =	wrdreg s25  }
0x10: {  	s15 =	sshrl.u32 s24, $0x3;
	s5 =	sshll.u32 s5, $0x4;
	[dreg:$0x9] =	wrdreg s2  }
0x11: {  	s25 =	simm.s32 $0x6800;
	s2 =	simm.s32 $0x7;
	s10 =	sadd.s32 s5, s0  }
0x12: {  	s0 =	sadd.s32 s19, s0;
	s5 =	ssub.s32 s20, s21;
	s19 =	sshrl.u32 s13, $0x3  }
0x13: {  	s20 =	simm.s32 $0x80;
	s21 =	simm.s32 $0x800;
	s13 =	simm.s32 $0x0  }
0x14: {  	s22 =	sadd.s32 $0x11800, s10;
	s23 =	sadd.s32 $0x2400, s10;
	s0 =	sadd.s32 $0xB9A00, s0  }
0x15: {  	s9 =	smax.u32 s5, $0x1;
	s5 =	sadd.s32 $0x2440, s10;
	[dreg:$0x6] =	wrdreg s22  }
0x16: {  	s18 =	sadd.s32 $0x11840, s10;
	[dreg:$0x7] =	wrdreg s23;
	s22 =	simm.s32 $0x2800  }
0x17: {  	s23 =	simm.s32 $0x4800;
	s24 =	sadd.s32 s11, s0;
	s0 =	simm.s32 $0x9  }
.LBB2_1:
0x18: {  	s6 =	rddreg [dreg:$0x6]  }
0x19: {  	[tilespmem:s4], [sflag:$0xA] =	stream.linear.gather [hbm4b:s6+s4], $0x200, $0x38;
	[tilespmem:$0x1C400] =	vst v63  }
0x1a: {  	_ =	swait.ge [sflag:s12], $0x200  }
0x1b: {  	[sflag:s12] =	ssyncset.done $0x0  }
0x1c: {  	s7 =	simm.s32 $0x400;
	s11 =	rddreg [dreg:$0x7];
	[sflag:s12] =	ssyncadd.s32 $0xFFFFFE00  }
0x1d: {  	[tilespmem:s7], [sflag:$0xA] =	stream.linear.gather [hbm4b:s11+s4], $0x200, $0x38;
	[tilespmem:$0x1C400] =	vst v63  }
0x1e: {  	_ =	swait.ge [sflag:s12], $0x200  }
0x1f: {  	[sflag:s12] =	ssyncset.done $0x0  }
0x20: {  	s10 =	simm.s32 $0x10;
	s8 =	rddreg [dreg:$0x8];
	[sflag:s12] =	ssyncadd.s32 $0xFFFFFE00  }
0x21: {  	[spmem:s15@s17], [sflag:s14] =	dma.strided [hbm:s8@s10], $0x13C0, s16, $0x8   }
0x22: {  	_ =	swait.ge [sflag:s12], $0x13C0  }
0x23: {  	[sflag:s12] =	ssyncset.done $0x0  }
0x24: {  	s11 =	rddreg [dreg:$0x9];
	[sflag:s12] =	ssyncadd.s32 $0xFFFFEC40  }
0x25: {  	[spmem:s19], [sflag:s14] =	dma.local [hbm:s11], $0x13C0  }
0x26: {  	_ =	swait.ge [sflag:s12], $0x13C0  }
0x27: {  	[sflag:s12] =	ssyncset.done $0x0  }
0x28: {  	s6 =	simm.s32 $0x0;
	[sflag:s12] =	ssyncadd.s32 $0xFFFFEC40  }
0x29: {  	s10 =	smov.u32 s5;
	s11 =	smov.u32 s18;
	[bflag:$0x0] =	sbarrier.arrive $0xFFFF  }
.LBB2_2:
0x2a: {  	s7 =	sand.u32 $0x200, s6  }
0x2b: {  	s8 =	sxor.u32 $0x200, s7  }
0x2c: {  	[tilespmem:s8], [sflag:$0x1] =	stream.linear.gather [hbm4b:s11+s4], $0x200, $0x38;
	[tilespmem:$0x1C400] =	vst v63  }
0x2d: {  	s8 =	sxor.u32 $0x600, s7  }
0x2e: {  	[tilespmem:s8], [sflag:$0x1] =	stream.linear.gather [hbm4b:s10+s4], $0x200, $0x38;
	[tilespmem:$0x1C400] =	vst v63  }
0x2f: {  	_ = 	snop  }
0x30: {  	[tilespmem:s21], [sflag:$0x2] =	stream.indirect.gather [spmem:s1], $0x40, s7, s20, $0xb8;
	[tilespmem:$0x1C400] =	vst v63  }
0x31: {  	s8 =	sor.u32 $0x80, s7  }
0x32: {  	[tilespmem:s22], [sflag:$0x3] =	stream.indirect.gather [spmem:s1], $0x40, s8, s20, $0xb8;
	[tilespmem:$0x1C400] =	vst v63  }
0x33: {  	s8 =	sor.u32 $0x100, s7  }
0x34: {  	[tilespmem:s23], [sflag:$0x4] =	stream.indirect.gather [spmem:s1], $0x40, s8, s20, $0xb8;
	[tilespmem:$0x1C400] =	vst v63  }
0x35: {  	s8 =	sor.u32 $0x180, s7  }
0x36: {  	[tilespmem:s25], [sflag:$0x5] =	stream.indirect.gather [spmem:s1], $0x40, s8, s20, $0xb8;
	[tilespmem:$0x1C400] =	vst v63  }
0x37: {  	_ =	swait.ge [sflag:s26], $0x2000  }
0x38: {  	[sflag:s26] =	ssyncset.done $0x0  }
0x39: {  	s8 =	sor.u32 $0x400, s7;
	[sflag:s26] =	ssyncadd.s32 $0xFFFFE000  }
0x3a: {  	[spmem:s3] =	stream.indirect.scatter.add.f32 [tilespmem:s21], [sflag:$0x6], $0x40, s8, s20, $0xb8;
	[tilespmem:$0x1C400] =	vst v63  }
0x3b: {  	_ =	swait.ge [sflag:s28], $0x2000  }
0x3c: {  	[sflag:s28] =	ssyncset.done $0x0  }
0x3d: {  	s8 =	sor.u32 $0x480, s7;
	[sflag:s28] =	ssyncadd.s32 $0xFFFFE000  }
0x3e: {  	[spmem:s3] =	stream.indirect.scatter.add.f32 [tilespmem:s22], [sflag:$0x7], $0x40, s8, s20, $0xb8;
	[tilespmem:$0x1C400] =	vst v63  }
0x3f: {  	_ =	swait.ge [sflag:s29], $0x2000  }
0x40: {  	[sflag:s29] =	ssyncset.done $0x0  }
0x41: {  	s8 =	sor.u32 $0x500, s7;
	[sflag:s29] =	ssyncadd.s32 $0xFFFFE000  }
0x42: {  	[spmem:s3] =	stream.indirect.scatter.add.f32 [tilespmem:s23], [sflag:$0x8], $0x40, s8, s20, $0xb8;
	[tilespmem:$0x1C400] =	vst v63  }
0x43: {  	_ =	swait.ge [sflag:s30], $0x2000  }
0x44: {  	[sflag:s30] =	ssyncset.done $0x0  }
0x45: {  	s7 =	sor.u32 $0x580, s7;
	[sflag:s30] =	ssyncadd.s32 $0xFFFFE000  }
0x46: {  	[spmem:s3] =	stream.indirect.scatter.add.f32 [tilespmem:s25], [sflag:$0x9], $0x40, s7, s20, $0xb8;
	[tilespmem:$0x1C400] =	vst v63  }
0x47: {  	_ =	swait.ge [sflag:s31], $0x2000  }
0x48: {  	[sflag:s31] =	ssyncset.done $0x0  }
0x49: {  	[sflag:s31] =	ssyncadd.s32 $0xFFFFE000  }
0x4a: {  	_ =	swait.ge [sflag:s2], $0x2000  }
0x4b: {  	[sflag:s2] =	ssyncset.done $0x0  }
0x4c: {  	[sflag:s2] =	ssyncadd.s32 $0xFFFFE000  }
0x4d: {  	_ =	swait.ge [sflag:s17], $0x2000  }
0x4e: {  	[sflag:s17] =	ssyncset.done $0x0  }
0x4f: {  	[sflag:s17] =	ssyncadd.s32 $0xFFFFE000  }
0x50: {  	_ =	swait.ge [sflag:s0], $0x2000  }
0x51: {  	[sflag:s0] =	ssyncset.done $0x0  }
0x52: {  	[sflag:s0] =	ssyncadd.s32 $0xFFFFE000  }
0x53: {  	_ =	swait.ge [sflag:s16], $0x200  }
0x54: {  	[sflag:s16] =	ssyncset.done $0x0  }
0x55: {  	[sflag:s16] =	ssyncadd.s32 $0xFFFFFE00  }
0x56: {  	_ =	swait.ge [sflag:s16], $0x200  }
0x57: {  	s6 =	sadd.s32 $0x200, s6;
	s8 =	rddreg [dreg:$0x5]  }
0x58: {  	p0 =	sne.s32 s8, s6  }
.Ltmp0:
0x59: {  	_ = 	snop;
	(pc) =	sbr.rel @p0 .LBB2_2-.Ltmp0, $3  }
0x5a: {  	_ =	sdelay $0x1  }
0x5b: {  	[sflag:s16] =	ssyncset.done $0x0  }
0x5c: {  	s11 =	sadd.s32 $0x40, s11;
	s10 =	sadd.s32 $0x40, s10;
	[sflag:s16] =	ssyncadd.s32 $0xFFFFFE00  }
0x5d: {  	s13 =	sadd.s32 $0x1, s13  }
0x5e: {  	p0 =	sne.s32 s13, s9  }
.Ltmp1:
0x5f: {  	[bflag:$0x0] =	sbarrier.arrive $0xFFFF;
	(pc) =	sbr.rel @p0 .LBB2_1-.Ltmp1, $4  }
0x60: {  	[hbm:s24], [sflag:s14] =	dma.local [spmem:s19], $0x13C0  }
0x61: {  	_ =	swait.ge [sflag:s12], $0x13C0  }
0x62: {  	[sflag:s12] =	ssyncset.done $0x0  }
0x63: {  	[sflag:s12] =	ssyncadd.s32 $0xFFFFEC40  }
0x64: {  	_ =	sfence.sel $0x180000  }
0x65: {  	[bflag:$0x0] =	sbarrier.arrive $0xFFFF  }
0x66: {  	_ =	strace $0x9000004D  }
0x67: {  	s0 =	stileid.u32;
	[bflag:$0x2] =	sbarrier.arrive $0xFFFF  }
0x68: {  	p0 =	sne.s32 s0, $0x0;
	s0 =	rddreg [dreg:$0x4]  }
0x69: {  	s0 =	sadd.s32 @!p0 $0x100000, s0  }
0x6a: {  	[sflag:s0] =	ssyncadd.tile.s32 @!p0 $0x1;
	_ =	shalt  }
.Lfunc_end2:
_tile_overlayer_lowered:
.L_overlay_start_2:
0x6b: {  	(tag) =	ssettag $0x2  }
0x6c: {  	s0 =	rddreg [dreg:$0x0];
	s2 =	stileid.u32  }
0x6d: {  	s1 =	rddreg [dreg:$0x1];
	p0 =	sne.s32 s2, $0x0  }
0x6e: {  	s3 =	rddreg [dreg:$0x2];
	[bflag:$0x3] =	sbarrier.arrive $0xFFFF;
	s2 =	simm.s32 @!p0 $0x1C0A  }
0x6f: {  	[timem:s3], [sflag:s2] =	dma.local @!p0 [hbm:s0], s1  }
0x70: {  	s0 =	simm.s32 @!p0 $0xA  }
0x71: {  	_ =	swait.ge @!p0 [sflag:s0], s1  }
0x72: {  	s1 =	ssub.s32 @!p0 $0x0, s1;
	[sflag:s0] =	ssyncset.done @!p0 $0x0  }
0x73: {  	[sflag:s0] =	ssyncadd.s32 @!p0 s1  }
0x74: {  	[bflag:$0x3] =	sbarrier.arrive $0xFFFF  }
0x75: {  	_ =	shalt  }

// kernel: kernel.15.cloned.1.call-start
scs
__scs_entry_jumppad:
0x0: {  	(pc) =	sbr.rel $0x88, $3  }
0x1: {  	(tag) =	ssettag $0x0;
	lr =	simm.s32 $0x1  }
0x2: {  	[smem:$0x3F9B] =	sst lr;
	_ =	strace $0xD0000000  }
0x3: {  	_ = 	snop  }
0x4: {  	_ = 	snop  }
0x5: {  	_ = 	snop  }
0x6: {  	_ = 	snop  }
0x7: {  	_ = 	snop  }
__scs_overlays_trampoline_lowered:
0x8: {  	[smem:$0x3FAA] =	sst s0  }
0x9: {  	[smem:$0x3FAB] =	sst s1  }
0xa: {  	[smem:$0x3FAC] =	sst s2  }
0xb: {  	[smem:$0x3FAD] =	sst s3  }
0xc: {  	[smem:$0x3FAE] =	sst s4  }
0xd: {  	[smem:$0x3FAF] =	sst s5  }
0xe: {  	[smem:$0x3FB0] =	sst s6  }
0xf: {  	[smem:$0x3FB1] =	sst s7  }
0x10: {  	[smem:$0x3FB2] =	sst s8  }
0x11: {  	[smem:$0x3FB3] =	sst s9;
	s0 =	simm.s32 @!p0 $0x0  }
0x12: {  	s1 =	sld [smem:$0x3F99];
	s0 =	simm.s32 @p0 $0x1  }
0x13: {  	[smem:$0x3FB4] =	sst s0;
	s0 =	simm.s32 @!p1 $0x0  }
0x14: {  	s2 =	sld [smem:$0x3F98];
	s0 =	simm.s32 @p1 $0x1  }
0x15: {  	[smem:$0x3FB5] =	sst s0;
	s0 =	simm.s32 @!p2 $0x0  }
0x16: {  	s3 =	sld [smem:$0x3FDB];
	s0 =	simm.s32 @p2 $0x1  }
0x17: {  	s4 =	simm.s32 $0x1BF5;
	[smem:$0x3FB7] =	sst s0  }
0x18: {  	s0 =	sld [smem:$0x3F9A];
	_ =	swait.ge [sflag:s4], $0x0  }
0x19: {  	s7 =	sld [smem:$0x3F9B]  }
0x1a: {  	s8 =	sadd.s32 $0xFFFFE003, lr  }
0x1b: {  	s9 =	sadd.s32 $0xFFFFFEF7, lr;
	s5 =	simm.s32 $0xFFFFFFFF;
	p2 =	slt.u32 s8, $0xFFFFF086  }
0x1c: {  	p1 =	slt.u32 s9, $0xF7A;
	s5 =	simm.s32 @!p2 $0x0  }
0x1d: {  	s5 =	simm.s32 @p1 $0x1;
	p0 =	seq.s32 s7, s2  }
0x1e: {  	s7 =	smul.u32 @!p0 $0xF7A, s2;
	p2 =	seq.s32 @!p0 s5, $0x0  }
0x1f: {  	s9 =	smul.u32 $0xF7A, s1;
	s8 =	simm.s32 @!p0 $0x1BF5;
	p2 =	por !p2, p0  }
0x20: {  	[sflag:s8] =	ssyncset.s32 @!p0 $0xFFFFF086;
	s6 =	sadd.s32 @!p0 s3, s7;
	s7 =	simm.s32 @!p0 $0x108  }
0x21: {  	s3 =	sadd.s32 s3, s9;
	s6 =	sadd.s32 @!p0 $0x88, s6;
	s7 =	simm.s32 @p2 $0x1082  }
0x22: {  	[simem:s7], [sflag:s8] =	dma.local @!p0 [hbm:s6], $0xF7A  }
0x23: {  	s9 =	sor.u32 $0xD0000000, s2;
	s6 =	simm.s32 $0x108;
	_ =	swait.ge @!p0 [sflag:s8], $0x0  }
0x24: {  	s3 =	sadd.s32 $0x88, s3;
	s6 =	simm.s32 @!p1 $0x1082;
	[sflag:s4] =	ssyncset.s32 $0xFFFFF086  }
0x25: {  	[simem:s6], [sflag:s4] =	dma.local [hbm:s3], $0xF7A  }
0x26: {  	[smem:$0x3F9B] =	sst s1;
	(tag) =	ssettag s2;
	_ =	strace s9  }
0x27: {  	s1 =	sld [smem:$0x3FAB]  }
0x28: {  	s2 =	sld [smem:$0x3FAC]  }
0x29: {  	s4 =	sld [smem:$0x3FAE]  }
0x2a: {  	p0 =	seq.s32 s5, $0x0;
	s5 =	sld [smem:$0x3FAF]  }
0x2b: {  	s6 =	sld [smem:$0x3FB0]  }
0x2c: {  	s7 =	sld [smem:$0x3FB1]  }
0x2d: {  	s3 =	simm.s32 $0x108;
	s8 =	sld [smem:$0x3FB2]  }
0x2e: {  	s3 =	simm.s32 @!p0 $0x1082;
	s9 =	sld [smem:$0x3FB3]  }
0x2f: {  	lr =	sadd.s32 s0, s3;
	s0 =	sld [smem:$0x3FAA]  }
0x30: {  	s3 =	sld [smem:$0x3FAD]  }
0x31: {  	[smem:$0x3FB6] =	sst s10  }
0x32: {  	s10 =	sld [smem:$0x3FB4];
	_ =	sdelay $0x3  }
0x33: {  	p0 =	seq.s32 s10, $0x1;
	s10 =	sld [smem:$0x3FB6];
	_ =	sdelay $0x3  }
0x34: {  	[smem:$0x3FB6] =	sst s10  }
0x35: {  	s10 =	sld [smem:$0x3FB5];
	_ =	sdelay $0x3  }
0x36: {  	p1 =	seq.s32 s10, $0x1;
	s10 =	sld [smem:$0x3FB6];
	_ =	sdelay $0x3  }
0x37: {  	[smem:$0x3FB6] =	sst s10  }
0x38: {  	s10 =	sld [smem:$0x3FB7]  }
0x39: {  	_ = 	snop;
	(pc) =	sbr.ind lr, $3  }
0x3a: {  	_ = 	snop  }
0x3b: {  	_ = 	snop  }
0x3c: {  	p2 =	seq.s32 s10, $0x1;
	s10 =	sld [smem:$0x3FB6]  }
0x3d: {  	_ =	shalt  }
0x3e: {  	_ =	shalt  }
0x3f: {  	_ =	shalt  }
0x40: {  	_ =	shalt  }
0x41: {  	_ =	shalt  }
0x42: {  	_ =	shalt  }
0x43: {  	_ =	shalt  }
0x44: {  	_ =	shalt  }
0x45: {  	_ =	shalt  }
0x46: {  	_ =	shalt  }
0x47: {  	_ =	shalt  }
0x48: {  	_ =	shalt  }
0x49: {  	_ =	shalt  }
0x4a: {  	_ =	shalt  }
0x4b: {  	_ =	shalt  }
0x4c: {  	_ =	shalt  }
0x4d: {  	_ =	shalt  }
0x4e: {  	_ =	shalt  }
0x4f: {  	_ =	shalt  }
0x50: {  	_ =	shalt  }
0x51: {  	_ =	shalt  }
0x52: {  	_ =	shalt  }
0x53: {  	_ =	shalt  }
0x54: {  	_ =	shalt  }
0x55: {  	_ =	shalt  }
0x56: {  	_ =	shalt  }
0x57: {  	_ =	shalt  }
0x58: {  	_ =	shalt  }
0x59: {  	_ =	shalt  }
0x5a: {  	_ =	shalt  }
0x5b: {  	_ =	shalt  }
0x5c: {  	_ =	shalt  }
0x5d: {  	_ =	shalt  }
0x5e: {  	_ =	shalt  }
0x5f: {  	_ =	shalt  }
0x60: {  	_ =	shalt  }
0x61: {  	_ =	shalt  }
0x62: {  	_ =	shalt  }
0x63: {  	_ =	shalt  }
0x64: {  	_ =	shalt  }
0x65: {  	_ =	shalt  }
0x66: {  	_ =	shalt  }
0x67: {  	_ =	shalt  }
0x68: {  	_ =	shalt  }
0x69: {  	_ =	shalt  }
0x6a: {  	_ =	shalt  }
0x6b: {  	_ =	shalt  }
0x6c: {  	_ =	shalt  }
0x6d: {  	_ =	shalt  }
0x6e: {  	_ =	shalt  }
0x6f: {  	_ =	shalt  }
0x70: {  	_ =	shalt  }
0x71: {  	_ =	shalt  }
0x72: {  	_ =	shalt  }
0x73: {  	_ =	shalt  }
0x74: {  	_ =	shalt  }
0x75: {  	_ =	shalt  }
0x76: {  	_ =	shalt  }
0x77: {  	_ =	shalt  }
0x78: {  	_ =	shalt  }
0x79: {  	_ =	shalt  }
0x7a: {  	_ =	shalt  }
0x7b: {  	_ =	shalt  }
0x7c: {  	_ =	shalt  }
0x7d: {  	_ =	shalt  }
0x7e: {  	_ =	shalt  }
0x7f: {  	_ =	shalt  }
0x80: {  	_ =	shalt  }
0x81: {  	_ =	shalt  }
0x82: {  	_ =	shalt  }
0x83: {  	_ =	shalt  }
0x84: {  	_ =	shalt  }
0x85: {  	_ =	shalt  }
0x86: {  	_ =	shalt  }
0x87: {  	_ =	shalt  }
.Lfunc_end0:
.L_simem_size_0:
called_computation.2_lowered:
.L_overlay_start_0:
0x88: {  	s2 =	sld [smem:$0x3FD9]  }
0x89: {  	s3 =	sld [smem:$0x3FFE];
	_ =	sdelay $0x1  }
0x8a: {  	s1 =	srdreg.scid  }
0x8b: {  	s0 =	sand.u32 $0x1, s1  }
0x8c: {  	s17 =	sshll.u32 s0, $0xA;
	s2 =	sadd.s32 s3, s2  }
0x8d: {  	s2 =	sadd.s32 s2, s17  }
0x8e: {  	[smem:$0x3FC2] =	sst s2  }
0x8f: {  	_ = 	snop  }
0x90: {  	s2 =	sld [smem:$0x3FD0];
	(tm) =	ssettm $0x1  }
0x91: {  	s18 =	sld [smem:$0x3FFB];
	_ =	sdelay $0x3  }
0x92: {  	_ =	strace s18  }
0x93: {  	s3 =	sld [smem:$0x3FFC];
	_ =	sdelay $0x3  }
0x94: {  	_ =	strace s3  }
0x95: {  	s3 =	sld [smem:$0x3FFD];
	_ =	sdelay $0x3  }
0x96: {  	_ =	strace s3  }
0x97: {  	_ =	strace $0x8FFFFFFF  }
0x98: {  	s19 =	sld [smem:$0x3FDB];
	_ =	sdelay $0x1  }
0x99: {  	s4 =	simm.s32 $_scs_section_size  }
0x9a: {  	s5 =	simm.s32 $_size__tile_overlayer_lowered;
	s6 =	simm.s32 $_tile_overlayer_lowered  }
0x9b: {  	s22 =	simm.s32 $0x1BFF;
	s21 =	sshll.u32 s6, $0x1;
	s3 =	sadd.s32 s4, s19  }
0x9c: {  	s7 =	simm.s32 $0x0;
	s20 =	sshll.u32 s5, $0x1;
	s5 =	sadd.s32 s21, s3  }
0x9d: {  	[timem:s7], [sflag:s22] =	dma.local [hbm:s5], s20  }
0x9e: {  	_ =	swait.ge [sflag:s22], s20  }
0x9f: {  	s4 =	ssub.s32 $0x0, s20;
	[sflag:s22] =	ssyncset.done $0x0  }
0xa0: {  	[sflag:s22] =	ssyncadd.s32 s4;
	_ =	sdelay $0x1  }
0xa1: {  	s23 =	simm.s32 $0x1B8B  }
0xa2: {  	_ =	swait.ge [sflag:s23], $0x1  }
0xa3: {  	[sflag:s23] =	ssyncset.done $0x0  }
0xa4: {  	s25 =	simm.s32 $0x1B8E;
	s24 =	sld [smem:$0x3FFE];
	[sflag:s23] =	ssyncadd.s32 $0xFFFFFFFF  }
0xa5: {  	s26 =	simm.s32 $execute0_lowered;
	[smem:$0x3FD2] =	sst s25  }
0xa6: {  	s5 =	sshll.u32 s26, $0x1;
	_ =	strace $0x80000049;
	[dreg:$0x1] =	wrdreg $0xFFFFFFFF  }
0xa7: {  	s28 =	simm.s32 $_size_execute0_lowered;
	s3 =	sadd.s32 s3, s5;
	[dreg:$0x0] =	wrdreg $0x0  }
0xa8: {  	s5 =	sshll.u32 s28, $0x1;
	[dreg:$0x2] =	wrdreg s3  }
0xa9: {  	[dreg:$0x3] =	wrdreg s5  }
0xaa: {  	[dreg:$0x4] =	wrdreg $0xC0  }
0xab: {  	_ =	task [dreg:s7], $0x5FFFF  }
0xac: {  	[dreg:$0x1] =	wrdreg $0xFFFFFFFF  }
0xad: {  	[dreg:$0x0] =	wrdreg $0x60  }
0xae: {  	[dreg:$0x2] =	wrdreg s24  }
0xaf: {  	[dreg:$0x3] =	wrdreg s2  }
0xb0: {  	[dreg:$0x4] =	wrdreg $0x88000  }
0xb1: {  	[dreg:$0x5] =	wrdreg $0x126000  }
0xb2: {  	[dreg:$0x6] =	wrdreg $0xA  }
0xb3: {  	_ =	task.clear_ibuf [dreg:s7], $0x7FFFF;
	_ =	strace $0x90000049  }
0xb4: {  	s29 =	simm.s32 $0xA;
	_ =	strace $0x8000004B  }
0xb5: {  	_ =	swait.ge [sflag:s29], $0x1  }
0xb6: {  	[sflag:s29] =	ssyncadd.s32 $0xFFFFFFFF  }
0xb7: {  	_ =	strace $0x9000004B  }
0xb8: {  	_ =	sfence  }
0xb9: {  	s30 =	sld [smem:$0x0];
	_ =	sdelay $0x2  }
0xba: {  	s31 =	sshll.u32 s1, $0xD;
	s1 =	sshrl.u32 s1, $0x2  }
0xbb: {  	s3 =	sand.u32 $0x4000, s31;
	s1 =	sadd.s32 s1, s30  }
0xbc: {  	s0 =	sor.u32 s3, s0;
	s1 =	sshll.u32 s1, $0x11  }
0xbd: {  	s0 =	sor.u32 s1, s0  }
0xbe: {  	s0 =	sadd.s32 $0x8F2B, s0  }
0xbf: {  	[sflag:s0] =	ssyncadd.remote.s32 $0x1  }
0xc0: {  	_ =	sfence.sel $0xFFFF  }
0xc1: {  	[dreg:$0x0] =	wrdreg $0xFFFFFFFF;
	(pc) =	sbr.abs _section_cstart, $3  }
0xc2: {  	[dreg:$0x1] =	wrdreg $0xFFFFFFFF  }
0xc3: {  	_ =	task.clear_ibuf [dreg:s7], $0x2FFFF;
	_ =	strace $0x9FFFFFFF  }
0xc4: {  	(tm) =	ssettm $0x7FFFFFFF  }
0xc5: {  	_ =	shalt  }
tec
execute0_lowered:
.L_overlay_start_1:
0x0: {  	(tag) =	ssettag $0x1  }
0x1: {  	s0 =	rddreg [dreg:$0x0]  }
0x2: {  	s2 =	rddreg [dreg:$0x1]  }
0x3: {  	s1 =	rddreg [dreg:$0x2];
	s14 =	stileid.u32  }
0x4: {  	s4 =	srdreg.scid;
	s3 =	rddreg [dreg:$0x3];
	s12 =	simm.s32 $0xA  }
0x5: {  	s16 =	simm.s32 $0x1;
	s17 =	simm.s32 $0x8;
	s5 =	smul.u32 $0x44, s14  }
0x6: {  	s28 =	simm.s32 $0x3;
	s29 =	simm.s32 $0x4;
	s7 =	smul.u32 $0x5C, s14  }
0x7: {  	s30 =	simm.s32 $0x5;
	s31 =	simm.s32 $0x6;
	s8 =	smul.u32 $0x2780, s14  }
0x8: {  	s6 =	sand.u32 $0x1, s4;
	s4 =	simm.s32 $0x0;
	s9 =	smul.u32 $0x9E00, s14  }
0x9: {  	s26 =	sshll.u32 s14, $0x6;
	p0 =	seq.s32 s6, $0x0;
	[smem:$0x7FF] =	sst s4  }
0xa: {  	s19 =	smul.u32 $0x13C00, s6;
	s20 =	ssub.s32 $0x2, s6;
	s6 =	simm.s32 $0x2E00  }
0xb: {  	s14 =	sor.u32 $0x1C0A, s26;
	s26 =	simm.s32 $0x2;
	s5 =	sadd.s32 $0x5C0, s5  }
0xc: {  	_ =	strace $0x8000004A;
	s8 =	sadd.s32 s8, s0;
	s21 =	sshrl.u32 s20, $0x1  }
0xd: {  	s6 =	simm.s32 @!p0 $0x2200;
	s24 =	sadd.s32 s9, s1;
	s11 =	sshrl.u32 s9, $0x3  }
0xe: {  	s13 =	sadd.s32 s9, s3;
	[dreg:$0x5] =	wrdreg s6;
	s25 =	sadd.s32 $0x6AA08, s8  }
0xf: {  	s5 =	smov.u32 @p0 s7;
	s2 =	sadd.s32 s2, s11;
	[dreg:$0x8] =	wrdreg s25  }
0x10: {  	s15 =	sshrl.u32 s24, $0x3;
	s5 =	sshll.u32 s5, $0x4;
	[dreg:$0x9] =	wrdreg s2  }
0x11: {  	s25 =	simm.s32 $0x6800;
	s2 =	simm.s32 $0x7;
	s10 =	sadd.s32 s5, s0  }
0x12: {  	s0 =	sadd.s32 s19, s0;
	s5 =	ssub.s32 s20, s21;
	s19 =	sshrl.u32 s13, $0x3  }
0x13: {  	s20 =	simm.s32 $0x80;
	s21 =	simm.s32 $0x800;
	s13 =	simm.s32 $0x0  }
0x14: {  	s22 =	sadd.s32 $0x11800, s10;
	s23 =	sadd.s32 $0x2400, s10;
	s0 =	sadd.s32 $0x92200, s0  }
0x15: {  	s9 =	smax.u32 s5, $0x1;
	s5 =	sadd.s32 $0x2440, s10;
	[dreg:$0x6] =	wrdreg s22  }
0x16: {  	s18 =	sadd.s32 $0x11840, s10;
	[dreg:$0x7] =	wrdreg s23;
	s22 =	simm.s32 $0x2800  }
0x17: {  	s23 =	simm.s32 $0x4800;
	s24 =	sadd.s32 s11, s0;
	s0 =	simm.s32 $0x9  }
.LBB2_1:
0x18: {  	s6 =	rddreg [dreg:$0x6]  }
0x19: {  	[tilespmem:s4], [sflag:$0xA] =	stream.linear.gather [hbm4b:s6+s4], $0x200, $0x38;
	[tilespmem:$0x1C400] =	vst v63  }
0x1a: {  	_ =	swait.ge [sflag:s12], $0x200  }
0x1b: {  	[sflag:s12] =	ssyncset.done $0x0  }
0x1c: {  	s7 =	simm.s32 $0x400;
	s11 =	rddreg [dreg:$0x7];
	[sflag:s12] =	ssyncadd.s32 $0xFFFFFE00  }
0x1d: {  	[tilespmem:s7], [sflag:$0xA] =	stream.linear.gather [hbm4b:s11+s4], $0x200, $0x38;
	[tilespmem:$0x1C400] =	vst v63  }
0x1e: {  	_ =	swait.ge [sflag:s12], $0x200  }
0x1f: {  	[sflag:s12] =	ssyncset.done $0x0  }
0x20: {  	s10 =	simm.s32 $0x10;
	s8 =	rddreg [dreg:$0x8];
	[sflag:s12] =	ssyncadd.s32 $0xFFFFFE00  }
0x21: {  	[spmem:s15@s17], [sflag:s14] =	dma.strided [hbm:s8@s10], $0x13C0, s16, $0x8   }
0x22: {  	_ =	swait.ge [sflag:s12], $0x13C0  }
0x23: {  	[sflag:s12] =	ssyncset.done $0x0  }
0x24: {  	s11 =	rddreg [dreg:$0x9];
	[sflag:s12] =	ssyncadd.s32 $0xFFFFEC40  }
0x25: {  	[spmem:s19], [sflag:s14] =	dma.local [hbm:s11], $0x13C0  }
0x26: {  	_ =	swait.ge [sflag:s12], $0x13C0  }
0x27: {  	[sflag:s12] =	ssyncset.done $0x0  }
0x28: {  	s6 =	simm.s32 $0x0;
	[sflag:s12] =	ssyncadd.s32 $0xFFFFEC40  }
0x29: {  	s10 =	smov.u32 s5;
	s11 =	smov.u32 s18;
	[bflag:$0x0] =	sbarrier.arrive $0xFFFF  }
.LBB2_2:
0x2a: {  	s7 =	sand.u32 $0x200, s6  }
0x2b: {  	s8 =	sxor.u32 $0x200, s7  }
0x2c: {  	[tilespmem:s8], [sflag:$0x1] =	stream.linear.gather [hbm4b:s11+s4], $0x200, $0x38;
	[tilespmem:$0x1C400] =	vst v63  }
0x2d: {  	s8 =	sxor.u32 $0x600, s7  }
0x2e: {  	[tilespmem:s8], [sflag:$0x1] =	stream.linear.gather [hbm4b:s10+s4], $0x200, $0x38;
	[tilespmem:$0x1C400] =	vst v63  }
0x2f: {  	_ = 	snop  }
0x30: {  	[tilespmem:s21], [sflag:$0x2] =	stream.indirect.gather [spmem:s1], $0x40, s7, s20, $0xb8;
	[tilespmem:$0x1C400] =	vst v63  }
0x31: {  	s8 =	sor.u32 $0x80, s7  }
0x32: {  	[tilespmem:s22], [sflag:$0x3] =	stream.indirect.gather [spmem:s1], $0x40, s8, s20, $0xb8;
	[tilespmem:$0x1C400] =	vst v63  }
0x33: {  	s8 =	sor.u32 $0x100, s7  }
0x34: {  	[tilespmem:s23], [sflag:$0x4] =	stream.indirect.gather [spmem:s1], $0x40, s8, s20, $0xb8;
	[tilespmem:$0x1C400] =	vst v63  }
0x35: {  	s8 =	sor.u32 $0x180, s7  }
0x36: {  	[tilespmem:s25], [sflag:$0x5] =	stream.indirect.gather [spmem:s1], $0x40, s8, s20, $0xb8;
	[tilespmem:$0x1C400] =	vst v63  }
0x37: {  	_ =	swait.ge [sflag:s26], $0x2000  }
0x38: {  	[sflag:s26] =	ssyncset.done $0x0  }
0x39: {  	s8 =	sor.u32 $0x400, s7;
	[sflag:s26] =	ssyncadd.s32 $0xFFFFE000  }
0x3a: {  	[spmem:s3] =	stream.indirect.scatter.add.f32 [tilespmem:s21], [sflag:$0x6], $0x40, s8, s20, $0xb8;
	[tilespmem:$0x1C400] =	vst v63  }
0x3b: {  	_ =	swait.ge [sflag:s28], $0x2000  }
0x3c: {  	[sflag:s28] =	ssyncset.done $0x0  }
0x3d: {  	s8 =	sor.u32 $0x480, s7;
	[sflag:s28] =	ssyncadd.s32 $0xFFFFE000  }
0x3e: {  	[spmem:s3] =	stream.indirect.scatter.add.f32 [tilespmem:s22], [sflag:$0x7], $0x40, s8, s20, $0xb8;
	[tilespmem:$0x1C400] =	vst v63  }
0x3f: {  	_ =	swait.ge [sflag:s29], $0x2000  }
0x40: {  	[sflag:s29] =	ssyncset.done $0x0  }
0x41: {  	s8 =	sor.u32 $0x500, s7;
	[sflag:s29] =	ssyncadd.s32 $0xFFFFE000  }
0x42: {  	[spmem:s3] =	stream.indirect.scatter.add.f32 [tilespmem:s23], [sflag:$0x8], $0x40, s8, s20, $0xb8;
	[tilespmem:$0x1C400] =	vst v63  }
0x43: {  	_ =	swait.ge [sflag:s30], $0x2000  }
0x44: {  	[sflag:s30] =	ssyncset.done $0x0  }
0x45: {  	s7 =	sor.u32 $0x580, s7;
	[sflag:s30] =	ssyncadd.s32 $0xFFFFE000  }
0x46: {  	[spmem:s3] =	stream.indirect.scatter.add.f32 [tilespmem:s25], [sflag:$0x9], $0x40, s7, s20, $0xb8;
	[tilespmem:$0x1C400] =	vst v63  }
0x47: {  	_ =	swait.ge [sflag:s31], $0x2000  }
0x48: {  	[sflag:s31] =	ssyncset.done $0x0  }
0x49: {  	[sflag:s31] =	ssyncadd.s32 $0xFFFFE000  }
0x4a: {  	_ =	swait.ge [sflag:s2], $0x2000  }
0x4b: {  	[sflag:s2] =	ssyncset.done $0x0  }
0x4c: {  	[sflag:s2] =	ssyncadd.s32 $0xFFFFE000  }
0x4d: {  	_ =	swait.ge [sflag:s17], $0x2000  }
0x4e: {  	[sflag:s17] =	ssyncset.done $0x0  }
0x4f: {  	[sflag:s17] =	ssyncadd.s32 $0xFFFFE000  }
0x50: {  	_ =	swait.ge [sflag:s0], $0x2000  }
0x51: {  	[sflag:s0] =	ssyncset.done $0x0  }
0x52: {  	[sflag:s0] =	ssyncadd.s32 $0xFFFFE000  }
0x53: {  	_ =	swait.ge [sflag:s16], $0x200  }
0x54: {  	[sflag:s16] =	ssyncset.done $0x0  }
0x55: {  	[sflag:s16] =	ssyncadd.s32 $0xFFFFFE00  }
0x56: {  	_ =	swait.ge [sflag:s16], $0x200  }
0x57: {  	s6 =	sadd.s32 $0x200, s6;
	s8 =	rddreg [dreg:$0x5]  }
0x58: {  	p0 =	sne.s32 s8, s6  }
.Ltmp0:
0x59: {  	_ = 	snop;
	(pc) =	sbr.rel @p0 .LBB2_2-.Ltmp0, $3  }
0x5a: {  	_ =	sdelay $0x1  }
0x5b: {  	[sflag:s16] =	ssyncset.done $0x0  }
0x5c: {  	s11 =	sadd.s32 $0x40, s11;
	s10 =	sadd.s32 $0x40, s10;
	[sflag:s16] =	ssyncadd.s32 $0xFFFFFE00  }
0x5d: {  	s13 =	sadd.s32 $0x1, s13  }
0x5e: {  	p0 =	sne.s32 s13, s9  }
.Ltmp1:
0x5f: {  	[bflag:$0x0] =	sbarrier.arrive $0xFFFF;
	(pc) =	sbr.rel @p0 .LBB2_1-.Ltmp1, $4  }
0x60: {  	[hbm:s24], [sflag:s14] =	dma.local [spmem:s19], $0x13C0  }
0x61: {  	_ =	swait.ge [sflag:s12], $0x13C0  }
0x62: {  	[sflag:s12] =	ssyncset.done $0x0  }
0x63: {  	[sflag:s12] =	ssyncadd.s32 $0xFFFFEC40  }
0x64: {  	_ =	sfence.sel $0x180000  }
0x65: {  	[bflag:$0x0] =	sbarrier.arrive $0xFFFF  }
0x66: {  	_ =	strace $0x9000004A  }
0x67: {  	s0 =	stileid.u32;
	[bflag:$0x2] =	sbarrier.arrive $0xFFFF  }
0x68: {  	p0 =	sne.s32 s0, $0x0;
	s0 =	rddreg [dreg:$0x4]  }
0x69: {  	s0 =	sadd.s32 @!p0 $0x100000, s0  }
0x6a: {  	[sflag:s0] =	ssyncadd.tile.s32 @!p0 $0x1;
	_ =	shalt  }
.Lfunc_end2:
_tile_overlayer_lowered:
.L_overlay_start_2:
0x6b: {  	(tag) =	ssettag $0x2  }
0x6c: {  	s0 =	rddreg [dreg:$0x0];
	s2 =	stileid.u32  }
0x6d: {  	s1 =	rddreg [dreg:$0x1];
	p0 =	sne.s32 s2, $0x0  }
0x6e: {  	s3 =	rddreg [dreg:$0x2];
	[bflag:$0x3] =	sbarrier.arrive $0xFFFF;
	s2 =	simm.s32 @!p0 $0x1C0A  }
0x6f: {  	[timem:s3], [sflag:s2] =	dma.local @!p0 [hbm:s0], s1  }
0x70: {  	s0 =	simm.s32 @!p0 $0xA  }
0x71: {  	_ =	swait.ge @!p0 [sflag:s0], s1  }
0x72: {  	s1 =	ssub.s32 @!p0 $0x0, s1;
	[sflag:s0] =	ssyncset.done @!p0 $0x0  }
0x73: {  	[sflag:s0] =	ssyncadd.s32 @!p0 s1  }
0x74: {  	[bflag:$0x3] =	sbarrier.arrive $0xFFFF  }
0x75: {  	_ =	shalt  }

// kernel: kernel.18.cloned.1.call-start
scs
__scs_entry_jumppad:
0x0: {  	(pc) =	sbr.rel $0x88, $3  }
0x1: {  	(tag) =	ssettag $0x0;
	lr =	simm.s32 $0x1  }
0x2: {  	[smem:$0x3F9B] =	sst lr;
	_ =	strace $0xD0000000  }
0x3: {  	_ = 	snop  }
0x4: {  	_ = 	snop  }
0x5: {  	_ = 	snop  }
0x6: {  	_ = 	snop  }
0x7: {  	_ = 	snop  }
__scs_overlays_trampoline_lowered:
0x8: {  	[smem:$0x3FAA] =	sst s0  }
0x9: {  	[smem:$0x3FAB] =	sst s1  }
0xa: {  	[smem:$0x3FAC] =	sst s2  }
0xb: {  	[smem:$0x3FAD] =	sst s3  }
0xc: {  	[smem:$0x3FAE] =	sst s4  }
0xd: {  	[smem:$0x3FAF] =	sst s5  }
0xe: {  	[smem:$0x3FB0] =	sst s6  }
0xf: {  	[smem:$0x3FB1] =	sst s7  }
0x10: {  	[smem:$0x3FB2] =	sst s8  }
0x11: {  	[smem:$0x3FB3] =	sst s9;
	s0 =	simm.s32 @!p0 $0x0  }
0x12: {  	s1 =	sld [smem:$0x3F99];
	s0 =	simm.s32 @p0 $0x1  }
0x13: {  	[smem:$0x3FB4] =	sst s0;
	s0 =	simm.s32 @!p1 $0x0  }
0x14: {  	s2 =	sld [smem:$0x3F98];
	s0 =	simm.s32 @p1 $0x1  }
0x15: {  	[smem:$0x3FB5] =	sst s0;
	s0 =	simm.s32 @!p2 $0x0  }
0x16: {  	s3 =	sld [smem:$0x3FDB];
	s0 =	simm.s32 @p2 $0x1  }
0x17: {  	s4 =	simm.s32 $0x1BF5;
	[smem:$0x3FB7] =	sst s0  }
0x18: {  	s0 =	sld [smem:$0x3F9A];
	_ =	swait.ge [sflag:s4], $0x0  }
0x19: {  	s7 =	sld [smem:$0x3F9B]  }
0x1a: {  	s8 =	sadd.s32 $0xFFFFE003, lr  }
0x1b: {  	s9 =	sadd.s32 $0xFFFFFEF7, lr;
	s5 =	simm.s32 $0xFFFFFFFF;
	p2 =	slt.u32 s8, $0xFFFFF086  }
0x1c: {  	p1 =	slt.u32 s9, $0xF7A;
	s5 =	simm.s32 @!p2 $0x0  }
0x1d: {  	s5 =	simm.s32 @p1 $0x1;
	p0 =	seq.s32 s7, s2  }
0x1e: {  	s7 =	smul.u32 @!p0 $0xF7A, s2;
	p2 =	seq.s32 @!p0 s5, $0x0  }
0x1f: {  	s9 =	smul.u32 $0xF7A, s1;
	s8 =	simm.s32 @!p0 $0x1BF5;
	p2 =	por !p2, p0  }
0x20: {  	[sflag:s8] =	ssyncset.s32 @!p0 $0xFFFFF086;
	s6 =	sadd.s32 @!p0 s3, s7;
	s7 =	simm.s32 @!p0 $0x108  }
0x21: {  	s3 =	sadd.s32 s3, s9;
	s6 =	sadd.s32 @!p0 $0x88, s6;
	s7 =	simm.s32 @p2 $0x1082  }
0x22: {  	[simem:s7], [sflag:s8] =	dma.local @!p0 [hbm:s6], $0xF7A  }
0x23: {  	s9 =	sor.u32 $0xD0000000, s2;
	s6 =	simm.s32 $0x108;
	_ =	swait.ge @!p0 [sflag:s8], $0x0  }
0x24: {  	s3 =	sadd.s32 $0x88, s3;
	s6 =	simm.s32 @!p1 $0x1082;
	[sflag:s4] =	ssyncset.s32 $0xFFFFF086  }
0x25: {  	[simem:s6], [sflag:s4] =	dma.local [hbm:s3], $0xF7A  }
0x26: {  	[smem:$0x3F9B] =	sst s1;
	(tag) =	ssettag s2;
	_ =	strace s9  }
0x27: {  	s1 =	sld [smem:$0x3FAB]  }
0x28: {  	s2 =	sld [smem:$0x3FAC]  }
0x29: {  	s4 =	sld [smem:$0x3FAE]  }
0x2a: {  	p0 =	seq.s32 s5, $0x0;
	s5 =	sld [smem:$0x3FAF]  }
0x2b: {  	s6 =	sld [smem:$0x3FB0]  }
0x2c: {  	s7 =	sld [smem:$0x3FB1]  }
0x2d: {  	s3 =	simm.s32 $0x108;
	s8 =	sld [smem:$0x3FB2]  }
0x2e: {  	s3 =	simm.s32 @!p0 $0x1082;
	s9 =	sld [smem:$0x3FB3]  }
0x2f: {  	lr =	sadd.s32 s0, s3;
	s0 =	sld [smem:$0x3FAA]  }
0x30: {  	s3 =	sld [smem:$0x3FAD]  }
0x31: {  	[smem:$0x3FB6] =	sst s10  }
0x32: {  	s10 =	sld [smem:$0x3FB4];
	_ =	sdelay $0x3  }
0x33: {  	p0 =	seq.s32 s10, $0x1;
	s10 =	sld [smem:$0x3FB6];
	_ =	sdelay $0x3  }
0x34: {  	[smem:$0x3FB6] =	sst s10  }
0x35: {  	s10 =	sld [smem:$0x3FB5];
	_ =	sdelay $0x3  }
0x36: {  	p1 =	seq.s32 s10, $0x1;
	s10 =	sld [smem:$0x3FB6];
	_ =	sdelay $0x3  }
0x37: {  	[smem:$0x3FB6] =	sst s10  }
0x38: {  	s10 =	sld [smem:$0x3FB7]  }
0x39: {  	_ = 	snop;
	(pc) =	sbr.ind lr, $3  }
0x3a: {  	_ = 	snop  }
0x3b: {  	_ = 	snop  }
0x3c: {  	p2 =	seq.s32 s10, $0x1;
	s10 =	sld [smem:$0x3FB6]  }
0x3d: {  	_ =	shalt  }
0x3e: {  	_ =	shalt  }
0x3f: {  	_ =	shalt  }
0x40: {  	_ =	shalt  }
0x41: {  	_ =	shalt  }
0x42: {  	_ =	shalt  }
0x43: {  	_ =	shalt  }
0x44: {  	_ =	shalt  }
0x45: {  	_ =	shalt  }
0x46: {  	_ =	shalt  }
0x47: {  	_ =	shalt  }
0x48: {  	_ =	shalt  }
0x49: {  	_ =	shalt  }
0x4a: {  	_ =	shalt  }
0x4b: {  	_ =	shalt  }
0x4c: {  	_ =	shalt  }
0x4d: {  	_ =	shalt  }
0x4e: {  	_ =	shalt  }
0x4f: {  	_ =	shalt  }
0x50: {  	_ =	shalt  }
0x51: {  	_ =	shalt  }
0x52: {  	_ =	shalt  }
0x53: {  	_ =	shalt  }
0x54: {  	_ =	shalt  }
0x55: {  	_ =	shalt  }
0x56: {  	_ =	shalt  }
0x57: {  	_ =	shalt  }
0x58: {  	_ =	shalt  }
0x59: {  	_ =	shalt  }
0x5a: {  	_ =	shalt  }
0x5b: {  	_ =	shalt  }
0x5c: {  	_ =	shalt  }
0x5d: {  	_ =	shalt  }
0x5e: {  	_ =	shalt  }
0x5f: {  	_ =	shalt  }
0x60: {  	_ =	shalt  }
0x61: {  	_ =	shalt  }
0x62: {  	_ =	shalt  }
0x63: {  	_ =	shalt  }
0x64: {  	_ =	shalt  }
0x65: {  	_ =	shalt  }
0x66: {  	_ =	shalt  }
0x67: {  	_ =	shalt  }
0x68: {  	_ =	shalt  }
0x69: {  	_ =	shalt  }
0x6a: {  	_ =	shalt  }
0x6b: {  	_ =	shalt  }
0x6c: {  	_ =	shalt  }
0x6d: {  	_ =	shalt  }
0x6e: {  	_ =	shalt  }
0x6f: {  	_ =	shalt  }
0x70: {  	_ =	shalt  }
0x71: {  	_ =	shalt  }
0x72: {  	_ =	shalt  }
0x73: {  	_ =	shalt  }
0x74: {  	_ =	shalt  }
0x75: {  	_ =	shalt  }
0x76: {  	_ =	shalt  }
0x77: {  	_ =	shalt  }
0x78: {  	_ =	shalt  }
0x79: {  	_ =	shalt  }
0x7a: {  	_ =	shalt  }
0x7b: {  	_ =	shalt  }
0x7c: {  	_ =	shalt  }
0x7d: {  	_ =	shalt  }
0x7e: {  	_ =	shalt  }
0x7f: {  	_ =	shalt  }
0x80: {  	_ =	shalt  }
0x81: {  	_ =	shalt  }
0x82: {  	_ =	shalt  }
0x83: {  	_ =	shalt  }
0x84: {  	_ =	shalt  }
0x85: {  	_ =	shalt  }
0x86: {  	_ =	shalt  }
0x87: {  	_ =	shalt  }
.Lfunc_end0:
.L_simem_size_0:
called_computation.3_lowered:
.L_overlay_start_0:
0x88: {  	s2 =	sld [smem:$0x3FD9]  }
0x89: {  	s3 =	sld [smem:$0x3FFE];
	_ =	sdelay $0x1  }
0x8a: {  	s1 =	srdreg.scid  }
0x8b: {  	s0 =	sand.u32 $0x1, s1  }
0x8c: {  	s17 =	sshll.u32 s0, $0xA;
	s2 =	sadd.s32 s3, s2  }
0x8d: {  	s2 =	sadd.s32 s2, s17  }
0x8e: {  	[smem:$0x3FC2] =	sst s2  }
0x8f: {  	_ = 	snop  }
0x90: {  	s2 =	sld [smem:$0x3FD0];
	(tm) =	ssettm $0x1  }
0x91: {  	s18 =	sld [smem:$0x3FFB];
	_ =	sdelay $0x3  }
0x92: {  	_ =	strace s18  }
0x93: {  	s3 =	sld [smem:$0x3FFC];
	_ =	sdelay $0x3  }
0x94: {  	_ =	strace s3  }
0x95: {  	s3 =	sld [smem:$0x3FFD];
	_ =	sdelay $0x3  }
0x96: {  	_ =	strace s3  }
0x97: {  	_ =	strace $0x8FFFFFFF  }
0x98: {  	s19 =	sld [smem:$0x3FDB];
	_ =	sdelay $0x1  }
0x99: {  	s4 =	simm.s32 $_scs_section_size  }
0x9a: {  	s5 =	simm.s32 $_size__tile_overlayer_lowered;
	s6 =	simm.s32 $_tile_overlayer_lowered  }
0x9b: {  	s22 =	simm.s32 $0x1BFF;
	s21 =	sshll.u32 s6, $0x1;
	s3 =	sadd.s32 s4, s19  }
0x9c: {  	s7 =	simm.s32 $0x0;
	s20 =	sshll.u32 s5, $0x1;
	s5 =	sadd.s32 s21, s3  }
0x9d: {  	[timem:s7], [sflag:s22] =	dma.local [hbm:s5], s20  }
0x9e: {  	_ =	swait.ge [sflag:s22], s20  }
0x9f: {  	s4 =	ssub.s32 $0x0, s20;
	[sflag:s22] =	ssyncset.done $0x0  }
0xa0: {  	[sflag:s22] =	ssyncadd.s32 s4;
	_ =	sdelay $0x1  }
0xa1: {  	s23 =	simm.s32 $0x1B8B  }
0xa2: {  	_ =	swait.ge [sflag:s23], $0x1  }
0xa3: {  	[sflag:s23] =	ssyncset.done $0x0  }
0xa4: {  	s25 =	simm.s32 $0x1B8E;
	s24 =	sld [smem:$0x3FFE];
	[sflag:s23] =	ssyncadd.s32 $0xFFFFFFFF  }
0xa5: {  	s26 =	simm.s32 $execute0_lowered;
	[smem:$0x3FD2] =	sst s25  }
0xa6: {  	s5 =	sshll.u32 s26, $0x1;
	_ =	strace $0x8000004F;
	[dreg:$0x1] =	wrdreg $0xFFFFFFFF  }
0xa7: {  	s28 =	simm.s32 $_size_execute0_lowered;
	s3 =	sadd.s32 s3, s5;
	[dreg:$0x0] =	wrdreg $0x0  }
0xa8: {  	s5 =	sshll.u32 s28, $0x1;
	[dreg:$0x2] =	wrdreg s3  }
0xa9: {  	[dreg:$0x3] =	wrdreg s5  }
0xaa: {  	[dreg:$0x4] =	wrdreg $0xC0  }
0xab: {  	_ =	task [dreg:s7], $0x5FFFF  }
0xac: {  	[dreg:$0x1] =	wrdreg $0xFFFFFFFF  }
0xad: {  	[dreg:$0x0] =	wrdreg $0x60  }
0xae: {  	[dreg:$0x2] =	wrdreg s24  }
0xaf: {  	[dreg:$0x3] =	wrdreg s2  }
0xb0: {  	[dreg:$0x4] =	wrdreg $0x88000  }
0xb1: {  	[dreg:$0x5] =	wrdreg $0x126000  }
0xb2: {  	[dreg:$0x6] =	wrdreg $0x9  }
0xb3: {  	_ =	task.clear_ibuf [dreg:s7], $0x7FFFF;
	_ =	strace $0x9000004F  }
0xb4: {  	s29 =	simm.s32 $0x9;
	_ =	strace $0x80000051  }
0xb5: {  	_ =	swait.ge [sflag:s29], $0x1  }
0xb6: {  	[sflag:s29] =	ssyncadd.s32 $0xFFFFFFFF  }
0xb7: {  	_ =	strace $0x90000051  }
0xb8: {  	_ =	sfence  }
0xb9: {  	s30 =	sld [smem:$0x0];
	_ =	sdelay $0x2  }
0xba: {  	s31 =	sshll.u32 s1, $0xD;
	s1 =	sshrl.u32 s1, $0x2  }
0xbb: {  	s3 =	sand.u32 $0x4000, s31;
	s1 =	sadd.s32 s1, s30  }
0xbc: {  	s0 =	sor.u32 s3, s0;
	s1 =	sshll.u32 s1, $0x11  }
0xbd: {  	s0 =	sor.u32 s1, s0  }
0xbe: {  	s0 =	sadd.s32 $0x8F2B, s0  }
0xbf: {  	[sflag:s0] =	ssyncadd.remote.s32 $0x1  }
0xc0: {  	_ =	sfence.sel $0xFFFF  }
0xc1: {  	[dreg:$0x0] =	wrdreg $0xFFFFFFFF;
	(pc) =	sbr.abs _section_cstart, $3  }
0xc2: {  	[dreg:$0x1] =	wrdreg $0xFFFFFFFF  }
0xc3: {  	_ =	task.clear_ibuf [dreg:s7], $0x2FFFF;
	_ =	strace $0x9FFFFFFF  }
0xc4: {  	(tm) =	ssettm $0x7FFFFFFF  }
0xc5: {  	_ =	shalt  }
tec
execute0_lowered:
.L_overlay_start_1:
0x0: {  	(tag) =	ssettag $0x1  }
0x1: {  	s0 =	rddreg [dreg:$0x0]  }
0x2: {  	s1 =	rddreg [dreg:$0x1]  }
0x3: {  	s2 =	rddreg [dreg:$0x2]  }
0x4: {  	s3 =	rddreg [dreg:$0x3];
	s14 =	stileid.u32;
	s4 =	simm.s32 $0x0  }
0x5: {  	s6 =	srdreg.scid;
	s12 =	simm.s32 $0x2E00;
	s17 =	simm.s32 $0x80  }
0x6: {  	s18 =	simm.s32 $0x800;
	s19 =	simm.s32 $0x2800;
	s20 =	simm.s32 $0x4800  }
0x7: {  	s28 =	simm.s32 $0x6;
	s29 =	simm.s32 $0x7;
	s5 =	smul.u32 $0x9E00, s14  }
0x8: {  	s30 =	simm.s32 $0x8;
	s31 =	simm.s32 $0x9;
	s7 =	smul.u32 $0x44, s14  }
0x9: {  	[smem:$0x7FF] =	sst s4;
	s6 =	sand.u32 $0x1, s6;
	s8 =	smul.u32 $0x5C, s14  }
0xa: {  	s26 =	sshll.u32 s14, $0x6;
	p0 =	seq.s32 s6, $0x0;
	_ =	strace $0x80000050  }
0xb: {  	s21 =	smul.u32 $0x13C00, s6;
	s6 =	ssub.s32 $0x2, s6;
	s14 =	sor.u32 $0x1C0A, s26  }
0xc: {  	s26 =	simm.s32 $0x5;
	s10 =	sshrl.u32 s5, $0x3;
	s7 =	sadd.s32 $0x5C0, s7  }
0xd: {  	s22 =	sshrl.u32 s6, $0x1;
	s12 =	simm.s32 @!p0 $0x2200;
	s15 =	sadd.s32 s5, s2  }
0xe: {  	s16 =	sadd.s32 s5, s3;
	s9 =	sadd.s32 s10, s0;
	s7 =	smov.u32 @p0 s8  }
0xf: {  	s6 =	ssub.s32 s6, s22;
	[dreg:$0x5] =	wrdreg s12;
	s1 =	sadd.s32 s1, s10  }
0x10: {  	s12 =	simm.s32 $0xA;
	s15 =	sshrl.u32 s15, $0x3;
	s16 =	sshrl.u32 s16, $0x3  }
0x11: {  	s22 =	simm.s32 $0x2;
	s7 =	sshll.u32 s7, $0x4;
	s25 =	sadd.s32 $0x6AA00, s9  }
0x12: {  	[dreg:$0x9] =	wrdreg s1;
	s9 =	smax.u32 s6, $0x1;
	s1 =	simm.s32 $0x0  }
0x13: {  	s11 =	sadd.s32 s7, s0;
	s0 =	sadd.s32 s21, s0;
	[dreg:$0x8] =	wrdreg s25  }
0x14: {  	s21 =	simm.s32 $0x6800;
	s25 =	simm.s32 $0x4;
	s23 =	sadd.s32 $0x11800, s11  }
0x15: {  	s24 =	sadd.s32 $0x2400, s11;
	s0 =	sadd.s32 $0x7E600, s0;
	[dreg:$0x6] =	wrdreg s23  }
0x16: {  	s5 =	sadd.s32 $0x2440, s11;
	s13 =	sadd.s32 $0x11840, s11;
	[dreg:$0x7] =	wrdreg s24  }
0x17: {  	s23 =	simm.s32 $0x3;
	s24 =	sadd.s32 s10, s0;
	s0 =	simm.s32 $0x1  }
.LBB2_1:
0x18: {  	s6 =	rddreg [dreg:$0x6]  }
0x19: {  	[tilespmem:s4], [sflag:$0xA] =	stream.linear.gather [hbm4b:s6+s4], $0x200, $0x38;
	[tilespmem:$0x1C400] =	vst v63  }
0x1a: {  	_ =	swait.ge [sflag:s12], $0x200  }
0x1b: {  	[sflag:s12] =	ssyncset.done $0x0  }
0x1c: {  	s7 =	simm.s32 $0x400;
	s8 =	rddreg [dreg:$0x7];
	[sflag:s12] =	ssyncadd.s32 $0xFFFFFE00  }
0x1d: {  	[tilespmem:s7], [sflag:$0xA] =	stream.linear.gather [hbm4b:s8+s4], $0x200, $0x38;
	[tilespmem:$0x1C400] =	vst v63  }
0x1e: {  	_ =	swait.ge [sflag:s12], $0x200  }
0x1f: {  	[sflag:s12] =	ssyncset.done $0x0  }
0x20: {  	s10 =	rddreg [dreg:$0x8];
	[sflag:s12] =	ssyncadd.s32 $0xFFFFFE00  }
0x21: {  	[spmem:s15], [sflag:s14] =	dma.local [hbm:s10], $0x13C0  }
0x22: {  	_ =	swait.ge [sflag:s12], $0x13C0  }
0x23: {  	[sflag:s12] =	ssyncset.done $0x0  }
0x24: {  	s11 =	rddreg [dreg:$0x9];
	[sflag:s12] =	ssyncadd.s32 $0xFFFFEC40  }
0x25: {  	[spmem:s16], [sflag:s14] =	dma.local [hbm:s11], $0x13C0  }
0x26: {  	_ =	swait.ge [sflag:s12], $0x13C0  }
0x27: {  	[sflag:s12] =	ssyncset.done $0x0  }
0x28: {  	s6 =	simm.s32 $0x0;
	[sflag:s12] =	ssyncadd.s32 $0xFFFFEC40  }
0x29: {  	s10 =	smov.u32 s5;
	s11 =	smov.u32 s13;
	[bflag:$0x0] =	sbarrier.arrive $0xFFFF  }
.LBB2_2:
0x2a: {  	s7 =	sand.u32 $0x200, s6  }
0x2b: {  	s8 =	sxor.u32 $0x200, s7  }
0x2c: {  	[tilespmem:s8], [sflag:$0x1] =	stream.linear.gather [hbm4b:s11+s4], $0x200, $0x38;
	[tilespmem:$0x1C400] =	vst v63  }
0x2d: {  	s8 =	sxor.u32 $0x600, s7  }
0x2e: {  	[tilespmem:s8], [sflag:$0x1] =	stream.linear.gather [hbm4b:s10+s4], $0x200, $0x38;
	[tilespmem:$0x1C400] =	vst v63  }
0x2f: {  	_ = 	snop  }
0x30: {  	[tilespmem:s18], [sflag:$0x2] =	stream.indirect.gather [spmem:s2], $0x40, s7, s17, $0xb8;
	[tilespmem:$0x1C400] =	vst v63  }
0x31: {  	s8 =	sor.u32 $0x80, s7  }
0x32: {  	[tilespmem:s19], [sflag:$0x3] =	stream.indirect.gather [spmem:s2], $0x40, s8, s17, $0xb8;
	[tilespmem:$0x1C400] =	vst v63  }
0x33: {  	s8 =	sor.u32 $0x100, s7  }
0x34: {  	[tilespmem:s20], [sflag:$0x4] =	stream.indirect.gather [spmem:s2], $0x40, s8, s17, $0xb8;
	[tilespmem:$0x1C400] =	vst v63  }
0x35: {  	s8 =	sor.u32 $0x180, s7  }
0x36: {  	[tilespmem:s21], [sflag:$0x5] =	stream.indirect.gather [spmem:s2], $0x40, s8, s17, $0xb8;
	[tilespmem:$0x1C400] =	vst v63  }
0x37: {  	_ =	swait.ge [sflag:s22], $0x2000  }
0x38: {  	[sflag:s22] =	ssyncset.done $0x0  }
0x39: {  	s8 =	sor.u32 $0x400, s7;
	[sflag:s22] =	ssyncadd.s32 $0xFFFFE000  }
0x3a: {  	[spmem:s3] =	stream.indirect.scatter.add.f32 [tilespmem:s18], [sflag:$0x6], $0x40, s8, s17, $0xb8;
	[tilespmem:$0x1C400] =	vst v63  }
0x3b: {  	_ =	swait.ge [sflag:s23], $0x2000  }
0x3c: {  	[sflag:s23] =	ssyncset.done $0x0  }
0x3d: {  	s8 =	sor.u32 $0x480, s7;
	[sflag:s23] =	ssyncadd.s32 $0xFFFFE000  }
0x3e: {  	[spmem:s3] =	stream.indirect.scatter.add.f32 [tilespmem:s19], [sflag:$0x7], $0x40, s8, s17, $0xb8;
	[tilespmem:$0x1C400] =	vst v63  }
0x3f: {  	_ =	swait.ge [sflag:s25], $0x2000  }
0x40: {  	[sflag:s25] =	ssyncset.done $0x0  }
0x41: {  	s8 =	sor.u32 $0x500, s7;
	[sflag:s25] =	ssyncadd.s32 $0xFFFFE000  }
0x42: {  	[spmem:s3] =	stream.indirect.scatter.add.f32 [tilespmem:s20], [sflag:$0x8], $0x40, s8, s17, $0xb8;
	[tilespmem:$0x1C400] =	vst v63  }
0x43: {  	_ =	swait.ge [sflag:s26], $0x2000  }
0x44: {  	[sflag:s26] =	ssyncset.done $0x0  }
0x45: {  	s7 =	sor.u32 $0x580, s7;
	[sflag:s26] =	ssyncadd.s32 $0xFFFFE000  }
0x46: {  	[spmem:s3] =	stream.indirect.scatter.add.f32 [tilespmem:s21], [sflag:$0x9], $0x40, s7, s17, $0xb8;
	[tilespmem:$0x1C400] =	vst v63  }
0x47: {  	_ =	swait.ge [sflag:s28], $0x2000  }
0x48: {  	[sflag:s28] =	ssyncset.done $0x0  }
0x49: {  	[sflag:s28] =	ssyncadd.s32 $0xFFFFE000  }
0x4a: {  	_ =	swait.ge [sflag:s29], $0x2000  }
0x4b: {  	[sflag:s29] =	ssyncset.done $0x0  }
0x4c: {  	[sflag:s29] =	ssyncadd.s32 $0xFFFFE000  }
0x4d: {  	_ =	swait.ge [sflag:s30], $0x2000  }
0x4e: {  	[sflag:s30] =	ssyncset.done $0x0  }
0x4f: {  	[sflag:s30] =	ssyncadd.s32 $0xFFFFE000  }
0x50: {  	_ =	swait.ge [sflag:s31], $0x2000  }
0x51: {  	[sflag:s31] =	ssyncset.done $0x0  }
0x52: {  	[sflag:s31] =	ssyncadd.s32 $0xFFFFE000  }
0x53: {  	_ =	swait.ge [sflag:s0], $0x200  }
0x54: {  	[sflag:s0] =	ssyncset.done $0x0  }
0x55: {  	[sflag:s0] =	ssyncadd.s32 $0xFFFFFE00  }
0x56: {  	_ =	swait.ge [sflag:s0], $0x200  }
0x57: {  	s6 =	sadd.s32 $0x200, s6;
	s8 =	rddreg [dreg:$0x5]  }
0x58: {  	p0 =	sne.s32 s8, s6  }
.Ltmp0:
0x59: {  	_ = 	snop;
	(pc) =	sbr.rel @p0 .LBB2_2-.Ltmp0, $3  }
0x5a: {  	_ =	sdelay $0x1  }
0x5b: {  	[sflag:s0] =	ssyncset.done $0x0  }
0x5c: {  	s11 =	sadd.s32 $0x40, s11;
	s10 =	sadd.s32 $0x40, s10;
	[sflag:s0] =	ssyncadd.s32 $0xFFFFFE00  }
0x5d: {  	s1 =	sadd.s32 $0x1, s1  }
0x5e: {  	p0 =	sne.s32 s1, s9  }
.Ltmp1:
0x5f: {  	[bflag:$0x0] =	sbarrier.arrive $0xFFFF;
	(pc) =	sbr.rel @p0 .LBB2_1-.Ltmp1, $4  }
0x60: {  	[hbm:s24], [sflag:s14] =	dma.local [spmem:s16], $0x13C0  }
0x61: {  	_ =	swait.ge [sflag:s12], $0x13C0  }
0x62: {  	[sflag:s12] =	ssyncset.done $0x0  }
0x63: {  	[sflag:s12] =	ssyncadd.s32 $0xFFFFEC40  }
0x64: {  	_ =	sfence.sel $0x180000  }
0x65: {  	[bflag:$0x0] =	sbarrier.arrive $0xFFFF  }
0x66: {  	_ =	strace $0x90000050  }
0x67: {  	s0 =	stileid.u32;
	[bflag:$0x2] =	sbarrier.arrive $0xFFFF  }
0x68: {  	p0 =	sne.s32 s0, $0x0;
	s0 =	rddreg [dreg:$0x4]  }
0x69: {  	s0 =	sadd.s32 @!p0 $0x100000, s0  }
0x6a: {  	[sflag:s0] =	ssyncadd.tile.s32 @!p0 $0x1;
	_ =	shalt  }
.Lfunc_end2:
_tile_overlayer_lowered:
.L_overlay_start_2:
0x6b: {  	(tag) =	ssettag $0x2  }
0x6c: {  	s0 =	rddreg [dreg:$0x0];
	s2 =	stileid.u32  }
0x6d: {  	s1 =	rddreg [dreg:$0x1];
	p0 =	sne.s32 s2, $0x0  }
0x6e: {  	s3 =	rddreg [dreg:$0x2];
	[bflag:$0x3] =	sbarrier.arrive $0xFFFF;
	s2 =	simm.s32 @!p0 $0x1C0A  }
0x6f: {  	[timem:s3], [sflag:s2] =	dma.local @!p0 [hbm:s0], s1  }
0x70: {  	s0 =	simm.s32 @!p0 $0xA  }
0x71: {  	_ =	swait.ge @!p0 [sflag:s0], s1  }
0x72: {  	s1 =	ssub.s32 @!p0 $0x0, s1;
	[sflag:s0] =	ssyncset.done @!p0 $0x0  }
0x73: {  	[sflag:s0] =	ssyncadd.s32 @!p0 s1  }
0x74: {  	[bflag:$0x3] =	sbarrier.arrive $0xFFFF  }
0x75: {  	_ =	shalt  }

// kernel: kernel.9.cloned.1.call-start
scs
__scs_entry_jumppad:
0x0: {  	(pc) =	sbr.rel $0x88, $3  }
0x1: {  	(tag) =	ssettag $0x0;
	lr =	simm.s32 $0x1  }
0x2: {  	[smem:$0x3F9B] =	sst lr;
	_ =	strace $0xD0000000  }
0x3: {  	_ = 	snop  }
0x4: {  	_ = 	snop  }
0x5: {  	_ = 	snop  }
0x6: {  	_ = 	snop  }
0x7: {  	_ = 	snop  }
__scs_overlays_trampoline_lowered:
0x8: {  	[smem:$0x3FAA] =	sst s0  }
0x9: {  	[smem:$0x3FAB] =	sst s1  }
0xa: {  	[smem:$0x3FAC] =	sst s2  }
0xb: {  	[smem:$0x3FAD] =	sst s3  }
0xc: {  	[smem:$0x3FAE] =	sst s4  }
0xd: {  	[smem:$0x3FAF] =	sst s5  }
0xe: {  	[smem:$0x3FB0] =	sst s6  }
0xf: {  	[smem:$0x3FB1] =	sst s7  }
0x10: {  	[smem:$0x3FB2] =	sst s8  }
0x11: {  	[smem:$0x3FB3] =	sst s9;
	s0 =	simm.s32 @!p0 $0x0  }
0x12: {  	s1 =	sld [smem:$0x3F99];
	s0 =	simm.s32 @p0 $0x1  }
0x13: {  	[smem:$0x3FB4] =	sst s0;
	s0 =	simm.s32 @!p1 $0x0  }
0x14: {  	s2 =	sld [smem:$0x3F98];
	s0 =	simm.s32 @p1 $0x1  }
0x15: {  	[smem:$0x3FB5] =	sst s0;
	s0 =	simm.s32 @!p2 $0x0  }
0x16: {  	s3 =	sld [smem:$0x3FDB];
	s0 =	simm.s32 @p2 $0x1  }
0x17: {  	s4 =	simm.s32 $0x1BF5;
	[smem:$0x3FB7] =	sst s0  }
0x18: {  	s0 =	sld [smem:$0x3F9A];
	_ =	swait.ge [sflag:s4], $0x0  }
0x19: {  	s7 =	sld [smem:$0x3F9B]  }
0x1a: {  	s8 =	sadd.s32 $0xFFFFE003, lr  }
0x1b: {  	s9 =	sadd.s32 $0xFFFFFEF7, lr;
	s5 =	simm.s32 $0xFFFFFFFF;
	p2 =	slt.u32 s8, $0xFFFFF086  }
0x1c: {  	p1 =	slt.u32 s9, $0xF7A;
	s5 =	simm.s32 @!p2 $0x0  }
0x1d: {  	s5 =	simm.s32 @p1 $0x1;
	p0 =	seq.s32 s7, s2  }
0x1e: {  	s7 =	smul.u32 @!p0 $0xF7A, s2;
	p2 =	seq.s32 @!p0 s5, $0x0  }
0x1f: {  	s9 =	smul.u32 $0xF7A, s1;
	s8 =	simm.s32 @!p0 $0x1BF5;
	p2 =	por !p2, p0  }
0x20: {  	[sflag:s8] =	ssyncset.s32 @!p0 $0xFFFFF086;
	s6 =	sadd.s32 @!p0 s3, s7;
	s7 =	simm.s32 @!p0 $0x108  }
0x21: {  	s3 =	sadd.s32 s3, s9;
	s6 =	sadd.s32 @!p0 $0x88, s6;
	s7 =	simm.s32 @p2 $0x1082  }
0x22: {  	[simem:s7], [sflag:s8] =	dma.local @!p0 [hbm:s6], $0xF7A  }
0x23: {  	s9 =	sor.u32 $0xD0000000, s2;
	s6 =	simm.s32 $0x108;
	_ =	swait.ge @!p0 [sflag:s8], $0x0  }
0x24: {  	s3 =	sadd.s32 $0x88, s3;
	s6 =	simm.s32 @!p1 $0x1082;
	[sflag:s4] =	ssyncset.s32 $0xFFFFF086  }
0x25: {  	[simem:s6], [sflag:s4] =	dma.local [hbm:s3], $0xF7A  }
0x26: {  	[smem:$0x3F9B] =	sst s1;
	(tag) =	ssettag s2;
	_ =	strace s9  }
0x27: {  	s1 =	sld [smem:$0x3FAB]  }
0x28: {  	s2 =	sld [smem:$0x3FAC]  }
0x29: {  	s4 =	sld [smem:$0x3FAE]  }
0x2a: {  	p0 =	seq.s32 s5, $0x0;
	s5 =	sld [smem:$0x3FAF]  }
0x2b: {  	s6 =	sld [smem:$0x3FB0]  }
0x2c: {  	s7 =	sld [smem:$0x3FB1]  }
0x2d: {  	s3 =	simm.s32 $0x108;
	s8 =	sld [smem:$0x3FB2]  }
0x2e: {  	s3 =	simm.s32 @!p0 $0x1082;
	s9 =	sld [smem:$0x3FB3]  }
0x2f: {  	lr =	sadd.s32 s0, s3;
	s0 =	sld [smem:$0x3FAA]  }
0x30: {  	s3 =	sld [smem:$0x3FAD]  }
0x31: {  	[smem:$0x3FB6] =	sst s10  }
0x32: {  	s10 =	sld [smem:$0x3FB4];
	_ =	sdelay $0x3  }
0x33: {  	p0 =	seq.s32 s10, $0x1;
	s10 =	sld [smem:$0x3FB6];
	_ =	sdelay $0x3  }
0x34: {  	[smem:$0x3FB6] =	sst s10  }
0x35: {  	s10 =	sld [smem:$0x3FB5];
	_ =	sdelay $0x3  }
0x36: {  	p1 =	seq.s32 s10, $0x1;
	s10 =	sld [smem:$0x3FB6];
	_ =	sdelay $0x3  }
0x37: {  	[smem:$0x3FB6] =	sst s10  }
0x38: {  	s10 =	sld [smem:$0x3FB7]  }
0x39: {  	_ = 	snop;
	(pc) =	sbr.ind lr, $3  }
0x3a: {  	_ = 	snop  }
0x3b: {  	_ = 	snop  }
0x3c: {  	p2 =	seq.s32 s10, $0x1;
	s10 =	sld [smem:$0x3FB6]  }
0x3d: {  	_ =	shalt  }
0x3e: {  	_ =	shalt  }
0x3f: {  	_ =	shalt  }
0x40: {  	_ =	shalt  }
0x41: {  	_ =	shalt  }
0x42: {  	_ =	shalt  }
0x43: {  	_ =	shalt  }
0x44: {  	_ =	shalt  }
0x45: {  	_ =	shalt  }
0x46: {  	_ =	shalt  }
0x47: {  	_ =	shalt  }
0x48: {  	_ =	shalt  }
0x49: {  	_ =	shalt  }
0x4a: {  	_ =	shalt  }
0x4b: {  	_ =	shalt  }
0x4c: {  	_ =	shalt  }
0x4d: {  	_ =	shalt  }
0x4e: {  	_ =	shalt  }
0x4f: {  	_ =	shalt  }
0x50: {  	_ =	shalt  }
0x51: {  	_ =	shalt  }
0x52: {  	_ =	shalt  }
0x53: {  	_ =	shalt  }
0x54: {  	_ =	shalt  }
0x55: {  	_ =	shalt  }
0x56: {  	_ =	shalt  }
0x57: {  	_ =	shalt  }
0x58: {  	_ =	shalt  }
0x59: {  	_ =	shalt  }
0x5a: {  	_ =	shalt  }
0x5b: {  	_ =	shalt  }
0x5c: {  	_ =	shalt  }
0x5d: {  	_ =	shalt  }
0x5e: {  	_ =	shalt  }
0x5f: {  	_ =	shalt  }
0x60: {  	_ =	shalt  }
0x61: {  	_ =	shalt  }
0x62: {  	_ =	shalt  }
0x63: {  	_ =	shalt  }
0x64: {  	_ =	shalt  }
0x65: {  	_ =	shalt  }
0x66: {  	_ =	shalt  }
0x67: {  	_ =	shalt  }
0x68: {  	_ =	shalt  }
0x69: {  	_ =	shalt  }
0x6a: {  	_ =	shalt  }
0x6b: {  	_ =	shalt  }
0x6c: {  	_ =	shalt  }
0x6d: {  	_ =	shalt  }
0x6e: {  	_ =	shalt  }
0x6f: {  	_ =	shalt  }
0x70: {  	_ =	shalt  }
0x71: {  	_ =	shalt  }
0x72: {  	_ =	shalt  }
0x73: {  	_ =	shalt  }
0x74: {  	_ =	shalt  }
0x75: {  	_ =	shalt  }
0x76: {  	_ =	shalt  }
0x77: {  	_ =	shalt  }
0x78: {  	_ =	shalt  }
0x79: {  	_ =	shalt  }
0x7a: {  	_ =	shalt  }
0x7b: {  	_ =	shalt  }
0x7c: {  	_ =	shalt  }
0x7d: {  	_ =	shalt  }
0x7e: {  	_ =	shalt  }
0x7f: {  	_ =	shalt  }
0x80: {  	_ =	shalt  }
0x81: {  	_ =	shalt  }
0x82: {  	_ =	shalt  }
0x83: {  	_ =	shalt  }
0x84: {  	_ =	shalt  }
0x85: {  	_ =	shalt  }
0x86: {  	_ =	shalt  }
0x87: {  	_ =	shalt  }
.Lfunc_end0:
.L_simem_size_0:
called_computation_lowered:
.L_overlay_start_0:
0x88: {  	s2 =	sld [smem:$0x3FD9]  }
0x89: {  	s3 =	sld [smem:$0x3FFE];
	_ =	sdelay $0x1  }
0x8a: {  	s1 =	srdreg.scid  }
0x8b: {  	s0 =	sand.u32 $0x1, s1  }
0x8c: {  	s17 =	sshll.u32 s0, $0xA;
	s2 =	sadd.s32 s3, s2  }
0x8d: {  	s2 =	sadd.s32 s2, s17  }
0x8e: {  	[smem:$0x3FC2] =	sst s2  }
0x8f: {  	_ = 	snop  }
0x90: {  	s2 =	sld [smem:$0x3FD0];
	(tm) =	ssettm $0x1  }
0x91: {  	s18 =	sld [smem:$0x3FFB];
	_ =	sdelay $0x3  }
0x92: {  	_ =	strace s18  }
0x93: {  	s3 =	sld [smem:$0x3FFC];
	_ =	sdelay $0x3  }
0x94: {  	_ =	strace s3  }
0x95: {  	s3 =	sld [smem:$0x3FFD];
	_ =	sdelay $0x3  }
0x96: {  	_ =	strace s3  }
0x97: {  	_ =	strace $0x8FFFFFFF  }
0x98: {  	s19 =	sld [smem:$0x3FDB];
	_ =	sdelay $0x1  }
0x99: {  	s4 =	simm.s32 $_scs_section_size  }
0x9a: {  	s5 =	simm.s32 $_size__tile_overlayer_lowered;
	s6 =	simm.s32 $_tile_overlayer_lowered  }
0x9b: {  	s22 =	simm.s32 $0x1BFF;
	s21 =	sshll.u32 s6, $0x1;
	s3 =	sadd.s32 s4, s19  }
0x9c: {  	s7 =	simm.s32 $0x0;
	s20 =	sshll.u32 s5, $0x1;
	s5 =	sadd.s32 s21, s3  }
0x9d: {  	[timem:s7], [sflag:s22] =	dma.local [hbm:s5], s20  }
0x9e: {  	_ =	swait.ge [sflag:s22], s20  }
0x9f: {  	s4 =	ssub.s32 $0x0, s20;
	[sflag:s22] =	ssyncset.done $0x0  }
0xa0: {  	[sflag:s22] =	ssyncadd.s32 s4;
	_ =	sdelay $0x1  }
0xa1: {  	s23 =	simm.s32 $0x1B8B  }
0xa2: {  	_ =	swait.ge [sflag:s23], $0x1  }
0xa3: {  	[sflag:s23] =	ssyncset.done $0x0  }
0xa4: {  	s25 =	simm.s32 $0x1B8E;
	s24 =	sld [smem:$0x3FFE];
	[sflag:s23] =	ssyncadd.s32 $0xFFFFFFFF  }
0xa5: {  	s26 =	simm.s32 $execute0_lowered;
	[smem:$0x3FD2] =	sst s25  }
0xa6: {  	s5 =	sshll.u32 s26, $0x1;
	_ =	strace $0x80000046;
	[dreg:$0x1] =	wrdreg $0xFFFFFFFF  }
0xa7: {  	s28 =	simm.s32 $_size_execute0_lowered;
	s3 =	sadd.s32 s3, s5;
	[dreg:$0x0] =	wrdreg $0x0  }
0xa8: {  	s5 =	sshll.u32 s28, $0x1;
	[dreg:$0x2] =	wrdreg s3  }
0xa9: {  	[dreg:$0x3] =	wrdreg s5  }
0xaa: {  	[dreg:$0x4] =	wrdreg $0xC0  }
0xab: {  	_ =	task [dreg:s7], $0x5FFFF  }
0xac: {  	[dreg:$0x1] =	wrdreg $0xFFFFFFFF  }
0xad: {  	[dreg:$0x0] =	wrdreg $0x60  }
0xae: {  	[dreg:$0x2] =	wrdreg s24  }
0xaf: {  	[dreg:$0x3] =	wrdreg s2  }
0xb0: {  	[dreg:$0x4] =	wrdreg $0x30000  }
0xb1: {  	[dreg:$0x5] =	wrdreg $0x9  }
0xb2: {  	_ =	task.clear_ibuf [dreg:s7], $0x6FFFF;
	_ =	strace $0x90000046  }
0xb3: {  	s29 =	simm.s32 $0x9;
	_ =	strace $0x80000048  }
0xb4: {  	_ =	swait.ge [sflag:s29], $0x1  }
0xb5: {  	[sflag:s29] =	ssyncadd.s32 $0xFFFFFFFF  }
0xb6: {  	_ =	strace $0x90000048  }
0xb7: {  	_ =	sfence  }
0xb8: {  	s30 =	sld [smem:$0x0];
	_ =	sdelay $0x2  }
0xb9: {  	s31 =	sshll.u32 s1, $0xD;
	s1 =	sshrl.u32 s1, $0x2  }
0xba: {  	s3 =	sand.u32 $0x4000, s31;
	s1 =	sadd.s32 s1, s30  }
0xbb: {  	s0 =	sor.u32 s3, s0;
	s1 =	sshll.u32 s1, $0x11  }
0xbc: {  	s0 =	sor.u32 s1, s0  }
0xbd: {  	s0 =	sadd.s32 $0x8F2B, s0  }
0xbe: {  	[sflag:s0] =	ssyncadd.remote.s32 $0x1  }
0xbf: {  	_ =	sfence.sel $0xFFFF  }
0xc0: {  	[dreg:$0x0] =	wrdreg $0xFFFFFFFF;
	(pc) =	sbr.abs _section_cstart, $3  }
0xc1: {  	[dreg:$0x1] =	wrdreg $0xFFFFFFFF  }
0xc2: {  	_ =	task.clear_ibuf [dreg:s7], $0x2FFFF;
	_ =	strace $0x9FFFFFFF  }
0xc3: {  	(tm) =	ssettm $0x7FFFFFFF  }
tec
execute0_lowered:
.L_overlay_start_1:
0x0: {  	(tag) =	ssettag $0x1  }
0x1: {  	s5 =	rddreg [dreg:$0x0]  }
0x2: {  	s7 =	rddreg [dreg:$0x1]  }
0x3: {  	s0 =	srdreg.scid;
	s2 =	rddreg [dreg:$0x2]  }
0x4: {  	s3 =	simm.s32 $0x0;
	s14 =	simm.s32 $0x2;
	s15 =	simm.s32 $0x3  }
0x5: {  	s16 =	simm.s32 $0x4;
	s17 =	simm.s32 $0x5;
	s18 =	simm.s32 $0x6  }
0x6: {  	s19 =	simm.s32 $0x7;
	s6 =	sand.u32 $0x1, s0;
	s0 =	stileid.u32  }
0x7: {  	s20 =	simm.s32 $0x8;
	[smem:$0x7FF] =	sst s3;
	s8 =	smul.u32 $0x2780, s0  }
0x8: {  	s1 =	sshll.u32 s6, $0x4;
	s10 =	ssub.s32 $0x2, s6;
	s30 =	smul.u32 $0x4F00, s6  }
0x9: {  	s31 =	sshll.u32 s0, $0x6;
	s4 =	sor.u32 s0, s1;
	s1 =	rddreg [dreg:$0x3]  }
0xa: {  	_ =	strace $0x80000047;
	s11 =	sshrl.u32 s10, $0x1;
	s4 =	smul.u32 $0x500, s4  }
0xb: {  	s21 =	sshrl.u32 s8, $0x3;
	s10 =	ssub.s32 s10, s11;
	s13 =	sadd.s32 s8, s2  }
0xc: {  	s22 =	sadd.s32 s7, s30;
	s8 =	simm.s32 $0x2800;
	s12 =	sadd.s32 s21, s5  }
0xd: {  	s7 =	smax.u32 s10, $0x1;
	s10 =	sor.u32 $0x1C09, s31;
	s11 =	sshrl.u32 s13, $0x3  }
0xe: {  	s13 =	simm.s32 $0x1;
	s21 =	sadd.s32 s21, s22;
	s22 =	simm.s32 $0x0  }
0xf: {  	s9 =	sadd.s32 s4, s5;
	s4 =	sadd.s32 $0xC600, s5;
	s6 =	sadd.s32 $0xC800, s12  }
0x10: {  	s12 =	simm.s32 $0x80;
	s5 =	sadd.s32 $0x2400, s9;
	s9 =	simm.s32 $0x9  }
.LBB2_1:
0x11: {  	[tilespmem:s8], [sflag:$0x9] =	stream.linear.gather [hbm4b:s4+s3], $0x800, $0x38;
	[tilespmem:$0x5780] =	vst v63  }
0x12: {  	_ =	swait.ge [sflag:s9], $0x800  }
0x13: {  	[sflag:s9] =	ssyncset.done $0x0  }
0x14: {  	[sflag:s9] =	ssyncadd.s32 $0xFFFFF800  }
0x15: {  	[tilespmem:s3], [sflag:$0x9] =	stream.linear.gather [hbm4b:s5+s3], $0x2800, $0x38;
	[tilespmem:$0x5780] =	vst v63  }
0x16: {  	_ =	swait.ge [sflag:s9], $0x2800  }
0x17: {  	[sflag:s9] =	ssyncset.done $0x0  }
0x18: {  	[sflag:s9] =	ssyncadd.s32 $0xFFFFD800  }
0x19: {  	[spmem:s11], [sflag:s10] =	dma.local [hbm:s6], $0x4F0  }
0x1a: {  	_ =	swait.ge [sflag:s9], $0x4F0  }
0x1b: {  	[sflag:s9] =	ssyncset.done $0x0  }
0x1c: {  	[sflag:s9] =	ssyncadd.s32 $0xFFFFFB10  }
0x1d: {  	s23 =	simm.s32 $0x0;
	[bflag:$0x0] =	sbarrier.arrive $0xFFFF  }
0x1e: {  	[spmem:s2] =	stream.indirect.scatter.add.f32 [tilespmem:s8], [sflag:$0x1], $0x10, s23, s12, $0xb8;
	[tilespmem:$0x5780] =	vst v63  }
0x1f: {  	s24 =	simm.s32 $0x80  }
0x20: {  	[spmem:s2] =	stream.indirect.scatter.add.f32 [tilespmem:s8], [sflag:$0x2], $0x10, s24, s12, $0xb8;
	[tilespmem:$0x5780] =	vst v63  }
0x21: {  	s25 =	simm.s32 $0x100  }
0x22: {  	[spmem:s2] =	stream.indirect.scatter.add.f32 [tilespmem:s8], [sflag:$0x3], $0x10, s25, s12, $0xb8;
	[tilespmem:$0x5780] =	vst v63  }
0x23: {  	s26 =	simm.s32 $0x180  }
0x24: {  	[spmem:s2] =	stream.indirect.scatter.add.f32 [tilespmem:s8], [sflag:$0x4], $0x10, s26, s12, $0xb8;
	[tilespmem:$0x5780] =	vst v63  }
0x25: {  	s28 =	simm.s32 $0x200  }
0x26: {  	[spmem:s2] =	stream.indirect.scatter.add.f32 [tilespmem:s8], [sflag:$0x5], $0x10, s28, s12, $0xb8;
	[tilespmem:$0x5780] =	vst v63  }
0x27: {  	s29 =	simm.s32 $0x280  }
0x28: {  	[spmem:s2] =	stream.indirect.scatter.add.f32 [tilespmem:s8], [sflag:$0x6], $0x10, s29, s12, $0xb8;
	[tilespmem:$0x5780] =	vst v63  }
0x29: {  	s30 =	simm.s32 $0x300  }
0x2a: {  	[spmem:s2] =	stream.indirect.scatter.add.f32 [tilespmem:s8], [sflag:$0x7], $0x10, s30, s12, $0xb8;
	[tilespmem:$0x5780] =	vst v63  }
0x2b: {  	s31 =	simm.s32 $0x380  }
0x2c: {  	[spmem:s2] =	stream.indirect.scatter.add.f32 [tilespmem:s8], [sflag:$0x8], $0x10, s31, s12, $0xb8;
	[tilespmem:$0x5780] =	vst v63  }
0x2d: {  	_ =	swait.ge [sflag:s13], $0x800  }
0x2e: {  	[sflag:s13] =	ssyncset.done $0x0  }
0x2f: {  	[sflag:s13] =	ssyncadd.s32 $0xFFFFF800  }
0x30: {  	_ =	swait.ge [sflag:s14], $0x800  }
0x31: {  	[sflag:s14] =	ssyncset.done $0x0  }
0x32: {  	[sflag:s14] =	ssyncadd.s32 $0xFFFFF800  }
0x33: {  	_ =	swait.ge [sflag:s15], $0x800  }
0x34: {  	[sflag:s15] =	ssyncset.done $0x0  }
0x35: {  	[sflag:s15] =	ssyncadd.s32 $0xFFFFF800  }
0x36: {  	_ =	swait.ge [sflag:s16], $0x800  }
0x37: {  	[sflag:s16] =	ssyncset.done $0x0  }
0x38: {  	[sflag:s16] =	ssyncadd.s32 $0xFFFFF800  }
0x39: {  	_ =	swait.ge [sflag:s17], $0x800  }
0x3a: {  	[sflag:s17] =	ssyncset.done $0x0  }
0x3b: {  	[sflag:s17] =	ssyncadd.s32 $0xFFFFF800  }
0x3c: {  	_ =	swait.ge [sflag:s18], $0x800  }
0x3d: {  	[sflag:s18] =	ssyncset.done $0x0  }
0x3e: {  	[sflag:s18] =	ssyncadd.s32 $0xFFFFF800  }
0x3f: {  	_ =	swait.ge [sflag:s19], $0x800  }
0x40: {  	[sflag:s19] =	ssyncset.done $0x0  }
0x41: {  	[sflag:s19] =	ssyncadd.s32 $0xFFFFF800  }
0x42: {  	_ =	swait.ge [sflag:s20], $0x800  }
0x43: {  	s23 =	simm.s32 $0x1000;
	s25 =	simm.s32 $0x2000;
	[sflag:s20] =	ssyncset.done $0x0  }
.LBB2_2:
0x44: {  	s26 =	sshra.s32 s23, $0x2  }
0x45: {  	[sflag:s20] =	ssyncadd.s32 $0xFFFFF800;
	s23 =	smov.u32 s25;
	s24 =	sadd.s32 $0x1000, s25  }
0x46: {  	[spmem:s2] =	stream.indirect.scatter.add.f32 [tilespmem:s8], [sflag:$0x1], $0x10, s26, s12, $0xb8;
	[tilespmem:$0x5780] =	vst v63  }
0x47: {  	p0 =	sne.s32 s25, $0x9000;
	s25 =	sadd.s32 $0x80, s26  }
0x48: {  	[spmem:s2] =	stream.indirect.scatter.add.f32 [tilespmem:s8], [sflag:$0x2], $0x10, s25, s12, $0xb8;
	[tilespmem:$0x5780] =	vst v63  }
0x49: {  	s25 =	sadd.s32 $0x100, s26  }
0x4a: {  	[spmem:s2] =	stream.indirect.scatter.add.f32 [tilespmem:s8], [sflag:$0x3], $0x10, s25, s12, $0xb8;
	[tilespmem:$0x5780] =	vst v63  }
0x4b: {  	s25 =	sadd.s32 $0x180, s26  }
0x4c: {  	[spmem:s2] =	stream.indirect.scatter.add.f32 [tilespmem:s8], [sflag:$0x4], $0x10, s25, s12, $0xb8;
	[tilespmem:$0x5780] =	vst v63  }
0x4d: {  	s25 =	sadd.s32 $0x200, s26  }
0x4e: {  	[spmem:s2] =	stream.indirect.scatter.add.f32 [tilespmem:s8], [sflag:$0x5], $0x10, s25, s12, $0xb8;
	[tilespmem:$0x5780] =	vst v63  }
0x4f: {  	s25 =	sadd.s32 $0x280, s26  }
0x50: {  	[spmem:s2] =	stream.indirect.scatter.add.f32 [tilespmem:s8], [sflag:$0x6], $0x10, s25, s12, $0xb8;
	[tilespmem:$0x5780] =	vst v63  }
0x51: {  	s25 =	sadd.s32 $0x300, s26  }
0x52: {  	[spmem:s2] =	stream.indirect.scatter.add.f32 [tilespmem:s8], [sflag:$0x7], $0x10, s25, s12, $0xb8;
	[tilespmem:$0x5780] =	vst v63  }
0x53: {  	s25 =	sadd.s32 $0x380, s26  }
0x54: {  	[spmem:s2] =	stream.indirect.scatter.add.f32 [tilespmem:s8], [sflag:$0x8], $0x10, s25, s12, $0xb8;
	[tilespmem:$0x5780] =	vst v63  }
0x55: {  	_ =	swait.ge [sflag:s13], $0x800  }
0x56: {  	[sflag:s13] =	ssyncset.done $0x0  }
0x57: {  	[sflag:s13] =	ssyncadd.s32 $0xFFFFF800  }
0x58: {  	_ =	swait.ge [sflag:s14], $0x800  }
0x59: {  	[sflag:s14] =	ssyncset.done $0x0  }
0x5a: {  	[sflag:s14] =	ssyncadd.s32 $0xFFFFF800  }
0x5b: {  	_ =	swait.ge [sflag:s15], $0x800  }
0x5c: {  	[sflag:s15] =	ssyncset.done $0x0  }
0x5d: {  	[sflag:s15] =	ssyncadd.s32 $0xFFFFF800  }
0x5e: {  	_ =	swait.ge [sflag:s16], $0x800  }
0x5f: {  	[sflag:s16] =	ssyncset.done $0x0  }
0x60: {  	[sflag:s16] =	ssyncadd.s32 $0xFFFFF800  }
0x61: {  	_ =	swait.ge [sflag:s17], $0x800  }
0x62: {  	[sflag:s17] =	ssyncset.done $0x0  }
0x63: {  	[sflag:s17] =	ssyncadd.s32 $0xFFFFF800  }
0x64: {  	_ =	swait.ge [sflag:s18], $0x800  }
0x65: {  	[sflag:s18] =	ssyncset.done $0x0  }
0x66: {  	[sflag:s18] =	ssyncadd.s32 $0xFFFFF800  }
.Ltmp0:
0x67: {  	_ =	swait.ge [sflag:s19], $0x800;
	(pc) =	sbr.rel @p0 .LBB2_2-.Ltmp0, $4  }
0x68: {  	[sflag:s19] =	ssyncset.done $0x0  }
0x69: {  	[sflag:s19] =	ssyncadd.s32 $0xFFFFF800  }
0x6a: {  	_ =	swait.ge [sflag:s20], $0x800  }
0x6b: {  	s25 =	smov.u32 s24;
	[sflag:s20] =	ssyncset.done $0x0  }
0x6c: {  	s23 =	sshra.s32 s23, $0x2;
	[sflag:s20] =	ssyncadd.s32 $0xFFFFF800  }
0x6d: {  	[spmem:s2] =	stream.indirect.scatter.add.f32 [tilespmem:s8], [sflag:$0x1], $0x10, s23, s12, $0xb8;
	[tilespmem:$0x5780] =	vst v63  }
0x6e: {  	s24 =	sadd.s32 $0x80, s23  }
0x6f: {  	[spmem:s2] =	stream.indirect.scatter.add.f32 [tilespmem:s8], [sflag:$0x2], $0x10, s24, s12, $0xb8;
	[tilespmem:$0x5780] =	vst v63  }
0x70: {  	s26 =	sadd.s32 $0x100, s23  }
0x71: {  	[spmem:s2] =	stream.indirect.scatter.add.f32 [tilespmem:s8], [sflag:$0x3], $0x10, s26, s12, $0xb8;
	[tilespmem:$0x5780] =	vst v63  }
0x72: {  	s28 =	sadd.s32 $0x180, s23  }
0x73: {  	[spmem:s2] =	stream.indirect.scatter.add.f32 [tilespmem:s8], [sflag:$0x4], $0x10, s28, s12, $0xb8;
	[tilespmem:$0x5780] =	vst v63  }
0x74: {  	s29 =	sadd.s32 $0x200, s23  }
0x75: {  	[spmem:s2] =	stream.indirect.scatter.add.f32 [tilespmem:s8], [sflag:$0x5], $0x10, s29, s12, $0xb8;
	[tilespmem:$0x5780] =	vst v63  }
0x76: {  	s30 =	sadd.s32 $0x280, s23  }
0x77: {  	[spmem:s2] =	stream.indirect.scatter.add.f32 [tilespmem:s8], [sflag:$0x6], $0x10, s30, s12, $0xb8;
	[tilespmem:$0x5780] =	vst v63  }
0x78: {  	s31 =	sadd.s32 $0x300, s23  }
0x79: {  	[spmem:s2] =	stream.indirect.scatter.add.f32 [tilespmem:s8], [sflag:$0x7], $0x10, s31, s12, $0xb8;
	[tilespmem:$0x5780] =	vst v63  }
0x7a: {  	s23 =	sadd.s32 $0x380, s23  }
0x7b: {  	[spmem:s2] =	stream.indirect.scatter.add.f32 [tilespmem:s8], [sflag:$0x8], $0x10, s23, s12, $0xb8;
	[tilespmem:$0x5780] =	vst v63  }
0x7c: {  	_ =	swait.ge [sflag:s13], $0x800  }
0x7d: {  	[sflag:s13] =	ssyncset.done $0x0  }
0x7e: {  	[sflag:s13] =	ssyncadd.s32 $0xFFFFF800  }
0x7f: {  	_ =	swait.ge [sflag:s14], $0x800  }
0x80: {  	[sflag:s14] =	ssyncset.done $0x0  }
0x81: {  	[sflag:s14] =	ssyncadd.s32 $0xFFFFF800  }
0x82: {  	_ =	swait.ge [sflag:s15], $0x800  }
0x83: {  	[sflag:s15] =	ssyncset.done $0x0  }
0x84: {  	[sflag:s15] =	ssyncadd.s32 $0xFFFFF800  }
0x85: {  	_ =	swait.ge [sflag:s16], $0x800  }
0x86: {  	[sflag:s16] =	ssyncset.done $0x0  }
0x87: {  	[sflag:s16] =	ssyncadd.s32 $0xFFFFF800  }
0x88: {  	_ =	swait.ge [sflag:s17], $0x800  }
0x89: {  	[sflag:s17] =	ssyncset.done $0x0  }
0x8a: {  	[sflag:s17] =	ssyncadd.s32 $0xFFFFF800  }
0x8b: {  	_ =	swait.ge [sflag:s18], $0x800  }
0x8c: {  	[sflag:s18] =	ssyncset.done $0x0  }
0x8d: {  	[sflag:s18] =	ssyncadd.s32 $0xFFFFF800  }
0x8e: {  	_ =	swait.ge [sflag:s19], $0x800  }
0x8f: {  	[sflag:s19] =	ssyncset.done $0x0  }
0x90: {  	[sflag:s19] =	ssyncadd.s32 $0xFFFFF800  }
0x91: {  	_ =	swait.ge [sflag:s20], $0x800  }
0x92: {  	s22 =	sadd.s32 $0x1, s22;
	[sflag:s20] =	ssyncset.done $0x0  }
0x93: {  	p0 =	sne.s32 s22, s7;
	[sflag:s20] =	ssyncadd.s32 $0xFFFFF800  }
.Ltmp1:
0x94: {  	[bflag:$0x0] =	sbarrier.arrive $0xFFFF;
	(pc) =	sbr.rel @p0 .LBB2_1-.Ltmp1, $4  }
0x95: {  	[hbm:s21], [sflag:s10] =	dma.local [spmem:s11], $0x4F0  }
0x96: {  	_ =	swait.ge [sflag:s9], $0x4F0  }
0x97: {  	[sflag:s9] =	ssyncset.done $0x0  }
0x98: {  	[sflag:s9] =	ssyncadd.s32 $0xFFFFFB10  }
0x99: {  	_ =	sfence.sel $0x180000  }
0x9a: {  	[bflag:$0x0] =	sbarrier.arrive $0xFFFF  }
0x9b: {  	p0 =	sne.s32 s0, $0x0;
	_ =	strace $0x90000047  }
0x9c: {  	s0 =	sadd.s32 @!p0 $0x100000, s1;
	[bflag:$0x2] =	sbarrier.arrive $0xFFFF  }
0x9d: {  	[sflag:s0] =	ssyncadd.tile.s32 @!p0 $0x1;
	_ =	shalt  }
.Lfunc_end2:
_tile_overlayer_lowered:
.L_overlay_start_2:
0x9e: {  	(tag) =	ssettag $0x2  }
0x9f: {  	s0 =	rddreg [dreg:$0x0];
	s2 =	stileid.u32  }
0xa0: {  	s1 =	rddreg [dreg:$0x1];
	p0 =	sne.s32 s2, $0x0  }
0xa1: {  	s3 =	rddreg [dreg:$0x2];
	[bflag:$0x3] =	sbarrier.arrive $0xFFFF;
	s2 =	simm.s32 @!p0 $0x1C09  }
0xa2: {  	[timem:s3], [sflag:s2] =	dma.local @!p0 [hbm:s0], s1  }
0xa3: {  	s0 =	simm.s32 @!p0 $0x9  }
0xa4: {  	_ =	swait.ge @!p0 [sflag:s0], s1  }
0xa5: {  	s1 =	ssub.s32 @!p0 $0x0, s1;
	[sflag:s0] =	ssyncset.done @!p0 $0x0  }
0xa6: {  	[sflag:s0] =	ssyncadd.s32 @!p0 s1  }
0xa7: {  	[bflag:$0x3] =	sbarrier.arrive $0xFFFF  }
0xa8: {  	_ =	shalt  }

</sc_bundles>
